<compile_context>
chip_gen: v7x
topology: tpu7x:2x2x1
jax: 0.10.2.dev20260603
libtpu: 0.0.44.dev20260713+nightly
codegen_flags: <defaults>
</compile_context>

<pallas_src>
import functools

import jax
import jax.numpy as jnp
from jax import lax
from jax.experimental import pallas as pl
from jax.experimental.pallas import tpu as pltpu
from jax.experimental.pallas import tpu_sc as plsc

B = 4096
HIST = 200
D = 64

_NC, _NS = 2, 16
_NW = _NC * _NS
_CH = 128
_NB = 2
_SETS = 2
_SG = _CH * _NB * _SETS

_NQ = B * HIST // _NW
_NT = B * D // _NW


def _gather_stream(tab, idx_v, out, row0, chunk0, nsuper, bufs, gsem, wsem):

    def body(g, carry):
        base = g * _SG
        for s in range(_SETS):
            sbase = base + s * _NB * _CH

            @pl.when(g > 0)
            def _():
                for b in range(_NB):
                    pltpu.make_async_copy(
                        bufs.at[s].at[b],
                        out.at[pl.ds(row0, _CH)],
                        wsem.at[s],
                    ).wait()

            handles = []
            for b in range(_NB):
                lc = chunk0 + g * (_SETS * _NB) + s * _NB + b
                h = pltpu.make_async_copy(
                    tab.at[idx_v.at[lc]], bufs.at[s].at[b], gsem.at[s])
                h.start()
                handles.append(h)
            for h in handles:
                h.wait()
            for b in range(_NB):
                crow = row0 + sbase + b * _CH
                pltpu.make_async_copy(
                    bufs.at[s].at[b], out.at[pl.ds(crow, _CH)], wsem.at[s]
                ).start()
        return carry

    lax.fori_loop(0, nsuper, body, 0)
    for s in range(_SETS):
        for b in range(_NB):
            pltpu.make_async_copy(
                bufs.at[s].at[b], out.at[pl.ds(row0, _CH)], wsem.at[s]
            ).wait()


def _sc_gather_body(nrows, stride, half, idx2d, tab, out,
                    idx_v, bufs, gsem, wsem):
    wid = lax.axis_index("s") * _NC + lax.axis_index("c")
    nc = nrows // _CH
    nload = (nc + 23) // 8 * 8
    start = half * nc * _NW + wid * nc
    base = pl.multiple_of(
        jnp.minimum(start - start % 8, stride * _NW - nload), 8)
    skip = start - base
    pltpu.sync_copy(idx2d.at[pl.ds(base, nload)],
                    idx_v.at[pl.ds(0, nload)])
    _gather_stream(tab, idx_v, out, wid * nrows, skip, nrows // _SG,
                   bufs, gsem, wsem)


def _sc_gather(idx2d, tab, total_rows, stride, half=0):
    nrows = total_rows // _NW
    mesh = plsc.VectorSubcoreMesh(core_axis_name="c", subcore_axis_name="s")
    return pl.kernel(
        functools.partial(_sc_gather_body, nrows, stride, half),
        out_type=jax.ShapeDtypeStruct((total_rows, 128), jnp.float32),
        mesh=mesh,
        compiler_params=pltpu.CompilerParams(use_tc_tiling_on_sc=True),
        scratch_types=[
            pltpu.VMEM(((nrows // _CH + 23) // 8 * 8, _CH), jnp.int32),
            pltpu.VMEM((_SETS, _NB, _CH, 128), jnp.float32),
            pltpu.SemaphoreType.DMA((_SETS,)),
            pltpu.SemaphoreType.DMA((_SETS,)),
        ],
    )(idx2d, tab)


_G = 32


def _bmm_body(q_ref, t_ref, o_ref):
    for i in range(_G):
        qv = q_ref[pl.ds(i * HIST, HIST), :D].astype(jnp.bfloat16)
        tv = t_ref[pl.ds(i * D, D), :D].astype(jnp.bfloat16)
        o_ref[i] = jnp.dot(qv, tv, preferred_element_type=jnp.float32)


def _tc_bmm(q2, t2, nb, t_goff):
    return pl.pallas_call(
        _bmm_body,
        grid=(nb // _G,),
        in_specs=[
            pl.BlockSpec((_G * HIST, 128), lambda g: (g, 0)),
            pl.BlockSpec((_G * D, 128), lambda g: (g + t_goff, 0)),
        ],
        out_specs=pl.BlockSpec((_G, HIST, D), lambda g: (g, 0, 0)),
        out_shape=jax.ShapeDtypeStruct((nb, HIST, D), jnp.float32),
    )(q2, t2)


def kernel(user, item_i, item_j, user_bias_table, item_bias_table,
           query_table, target_table):
    qidx = item_j.reshape(-1, _CH)
    tidx = item_i.reshape(-1, _CH)
    qt = jnp.pad(query_table, ((0, 0), (0, 128 - D)))
    tt = jnp.pad(target_table, ((0, 0), (0, 128 - D)))
    q_gath = _sc_gather(qidx, qt, B * HIST, B * HIST // _NW // _CH)
    t_gath = _sc_gather(tidx, tt, B * D, B * D // _NW // _CH)
    return _tc_bmm(q_gath, t_gath, B, 0)

# --- scband reference (transcript-rebuilt; emitter-appended) ---
"""Pipeline reference for scband-fism-47983374631140 (READ-ONLY COPY).

The authoritative reference and input builder live on the scoring server;
editing this copy changes nothing except your own understanding.
"""

import jax, jax.numpy as jnp
import numpy as np

B = 4096
HIST = 200
D = 64
NUM_USERS = 1000000
NUM_ITEMS = 1000000


def setup_inputs(seed: int = 0) -> dict:
    key = jax.random.key(seed)
    ks = jax.random.split(key, 7)
    user = jax.random.randint(ks[0], (B,), 0, NUM_USERS, dtype=jnp.int64 if jax.config.jax_enable_x64 else jnp.int32).astype(jnp.int32)
    item_i = jax.random.randint(ks[1], (B, D), 0, NUM_ITEMS).astype(jnp.int32)
    item_j = jax.random.randint(ks[2], (B, HIST), 0, NUM_ITEMS).astype(jnp.int32)
    user_bias_table = jax.random.normal(ks[3], (NUM_USERS, 1), dtype=jnp.float32) * 0.02
    item_bias_table = jax.random.normal(ks[4], (NUM_ITEMS, 1), dtype=jnp.float32) * 0.02
    query_table = jax.random.normal(ks[5], (NUM_ITEMS, D), dtype=jnp.float32) * 0.02
    target_table = jax.random.normal(ks[6], (NUM_ITEMS, D), dtype=jnp.float32) * 0.02
    return {
        "user": user,
        "item_i": item_i,
        "item_j": item_j,
        "user_bias_table": user_bias_table,
        "item_bias_table": item_bias_table,
        "query_table": query_table,
        "target_table": target_table,
    }


def reference(user, item_i, item_j, user_bias_table, item_bias_table, query_table, target_table):
    # nn.Embedding lookups -> gathers
    user_bias = jnp.take(user_bias_table, user, axis=0)      # [B, 1]
    item_i_bias = jnp.take(item_bias_table, item_i, axis=0)  # [B, D, 1]
    item_j_bias = jnp.take(item_bias_table, item_j, axis=0)  # [B, HIST, 1]
    query_emb = jnp.take(query_table, item_j, axis=0)        # [B, HIST, D]
    target_emb = jnp.take(target_table, item_i, axis=0)      # [B, D, D]
    # torch.bmm(query_emb, target_emb): [B, HIST, D] x [B, D, D] -> [B, HIST, D]
    pred = jnp.einsum('bld,bdk->blk', query_emb, target_emb)
    return pred

if __name__ == "__main__":
    import jax
    _d = setup_inputs()
    print(jax.jit(kernel)(*tuple(_d.values())))

</pallas_src>

<mosaic_0001>
#map = affine_map<(d0, d1) -> (0, 0)>
module attributes {stable_mosaic.version = 14 : i64} {
  func.func @_sc_gather_body(%arg0: i32, %arg1: i32, %arg2: memref<6400x128xi32, #tpu.memory_space<hbm>>, %arg3: memref<1000000x128xf32, #tpu.memory_space<hbm>>, %arg4: memref<819200x128xf32, #tpu.memory_space<hbm>>, %arg5: memref<216x128xi32, #tpu.memory_space<vmem>>, %arg6: memref<2x2x128x128xf32, #tpu.memory_space<vmem>>, %arg7: memref<2x!tpu.dma_semaphore, #tpu.memory_space<semaphore_mem>>, %arg8: memref<2x!tpu.dma_semaphore, #tpu.memory_space<semaphore_mem>>) attributes {dimension_semantics = [#tpu.dimension_semantics<core_parallel>, #tpu.dimension_semantics<subcore_parallel>], iteration_bounds = array<i64: 2, 16>, scalar_prefetch = 0 : i64, scratch_operands = 4 : i64, tpu.core_type = #tpu.core_type<sc_vector_subcore>, window_params = [{transform_indices = #map}, {transform_indices = #map}, {transform_indices = #map}]} {
    %mul3A = arith.constant 2 : i32
    %mul3A_0 = arith.muli %arg1, %mul3A : i32
    %add3A = arith.addi %mul3A_0, %arg0 : i32
    %mul3A_1 = arith.constant 200 : i32
    %mul3A_2 = arith.muli %add3A, %mul3A_1 : i32
    %add3A_3 = arith.constant 0 : i32
    %add3A_4 = arith.addi %add3A_3, %mul3A_2 : i32
    %jit3A = arith.constant 8 : i32
    %eq3A = arith.constant 0 : i32
    %eq3A_5 = arith.cmpi eq, %jit3A, %eq3A : i32
    %jit3A_6 = arith.constant 1 : i32
    %select_n3A = arith.select %eq3A_5, %jit3A_6, %jit3A : i32
    %rem3A = arith.remsi %add3A_4, %select_n3A : i32
    %ne3A = arith.constant 0 : i32
    %ne3A_7 = arith.cmpi ne, %rem3A, %ne3A : i32
    %lt3A = arith.constant 0 : i32
    %lt3A_8 = arith.cmpi slt, %rem3A, %lt3A : i32
    %lt3A_9 = arith.constant 0 : i32
    %lt3A_10 = arith.cmpi slt, %select_n3A, %lt3A_9 : i32
    %ne3A_11 = arith.xori %lt3A_8, %lt3A_10 : i1
    %and3A = arith.andi %ne3A_11, %ne3A_7 : i1
    %add3A_12 = arith.addi %rem3A, %select_n3A : i32
    %select_n3A_13 = arith.select %and3A, %add3A_12, %rem3A : i32
    %sub3A = arith.subi %add3A_4, %select_n3A_13 : i32
    %min3A = arith.constant 6184 : i32
    %min3A_14 = arith.minsi %sub3A, %min3A : i32
    %multiple_of3A = tpu.assume_multiple %min3A_14, 8 : i32
    %sub3A_15 = arith.subi %add3A_4, %multiple_of3A : i32
    "tpu.region"() ({
      %run_scoped3A = tpu.sem_alloc : memref<!tpu.dma_semaphore, #tpu.memory_space<semaphore_mem>>
      %dma_start3A = arith.constant 0 : i32
      %dma_start3A_130 = arith.constant 0 : i32
      %dma_start3A_131 = tpu.memref_slice %arg5[%dma_start3A, %dma_start3A_130] : memref<216x128xi32, #tpu.memory_space<vmem>> -> memref<216x128xi32, #tpu.memory_space<vmem>>
      %dma_start3A_132 = arith.constant 0 : i32
      %dma_start3A_133 = tpu.memref_slice %arg2[%multiple_of3A, %dma_start3A_132] : memref<6400x128xi32, #tpu.memory_space<hbm>> -> memref<216x128xi32, #tpu.memory_space<hbm>>
      %dma_start3A_134 = arith.constant 0 : i32
      %dma_start3A_135 = arith.constant 0 : i32
      %dma_start3A_136 = tpu.memref_slice %arg5[%dma_start3A_134, %dma_start3A_135] : memref<216x128xi32, #tpu.memory_space<vmem>> -> memref<216x128xi32, #tpu.memory_space<vmem>>
      %dma_start3A_137 = arith.constant 0 : i32
      %dma_start3A_138 = tpu.memref_slice %arg2[%multiple_of3A, %dma_start3A_137] : memref<6400x128xi32, #tpu.memory_space<hbm>> -> memref<216x128xi32, #tpu.memory_space<hbm>>
      tpu.enqueue_dma source(%dma_start3A_138 : memref<216x128xi32, #tpu.memory_space<hbm>>) target(%dma_start3A_136 : memref<216x128xi32, #tpu.memory_space<vmem>>) target_semaphore(%run_scoped3A : memref<!tpu.dma_semaphore, #tpu.memory_space<semaphore_mem>>)
      %dma_wait3A_139 = arith.constant 0 : i32
      %dma_wait3A_140 = arith.constant 0 : i32
      %dma_wait3A_141 = tpu.memref_slice %arg5[%dma_wait3A_139, %dma_wait3A_140] : memref<216x128xi32, #tpu.memory_space<vmem>> -> memref<216x128xi32, #tpu.memory_space<vmem>>
      %dma_wait3A_142 = arith.constant 0 : i32
      %dma_wait3A_143 = tpu.memref_slice %arg2[%multiple_of3A, %dma_wait3A_142] : memref<6400x128xi32, #tpu.memory_space<hbm>> -> memref<216x128xi32, #tpu.memory_space<hbm>>
      %dma_wait3A_144 = arith.constant 0 : i32
      %dma_wait3A_145 = arith.constant 0 : i32
      %dma_wait3A_146 = tpu.memref_slice %arg5[%dma_wait3A_144, %dma_wait3A_145] : memref<216x128xi32, #tpu.memory_space<vmem>> -> memref<216x128xi32, #tpu.memory_space<vmem>>
      %dma_wait3A_147 = arith.constant 0 : i32
      %dma_wait3A_148 = tpu.memref_slice %arg2[%multiple_of3A, %dma_wait3A_147] : memref<6400x128xi32, #tpu.memory_space<hbm>> -> memref<216x128xi32, #tpu.memory_space<hbm>>
      tpu.wait_dma2 semaphore(%run_scoped3A : memref<!tpu.dma_semaphore, #tpu.memory_space<semaphore_mem>>) src(%dma_wait3A_148 : memref<216x128xi32, #tpu.memory_space<hbm>>) dst(%dma_wait3A_146 : memref<216x128xi32, #tpu.memory_space<vmem>>)
      tpu.yield
    }) : () -> ()
    %mul3A_16 = arith.constant 25600 : i32
    %mul3A_17 = arith.muli %add3A, %mul3A_16 : i32
    %scan3A = arith.constant 0 : i32
    %scan3A_18 = arith.constant 0 : i32
    %scan3A_19 = arith.constant 50 : i32
    %scan3A_20 = arith.addi %scan3A_18, %scan3A_19 : i32
    %scan3A_21 = arith.constant 1 : i32
    scf.for %scan3A_130 = %scan3A_18 to %scan3A_20 step %scan3A_21  : i32 {
      %mul3A_131 = arith.constant 512 : i32
      %mul3A_132 = arith.muli %scan3A_130, %mul3A_131 : i32
      %add3A_133 = arith.constant 0 : i32
      %add3A_134 = arith.addi %mul3A_132, %add3A_133 : i32
      %gt3A = arith.constant 0 : i32
      %gt3A_135 = arith.cmpi sgt, %scan3A_130, %gt3A : i32
      %convert_element_type3A = arith.extui %gt3A_135 : i1 to i32
      %cond3A = arith.constant 0 : i32
      %cond3A_136 = arith.cmpi ne, %convert_element_type3A, %cond3A : i32
      scf.if %cond3A_136 {
        %dma_wait3A_451 = arith.constant 0 : i32
        %dma_wait3A_452 = arith.constant 0 : i32
        %dma_wait3A_453 = arith.constant 0 : i32
        %dma_wait3A_454 = arith.constant 0 : i32
        %dma_wait3A_455 = arith.constant 0 : i32
        %dma_wait3A_456 = arith.constant 0 : i32
        %dma_wait3A_457 = tpu.memref_slice %arg6[%dma_wait3A_451, %dma_wait3A_454, %dma_wait3A_455, %dma_wait3A_456] : memref<2x2x128x128xf32, #tpu.memory_space<vmem>> -> memref<1x2x128x128xf32, #tpu.memory_space<vmem>>
        %dma_wait3A_458 = tpu.memref_squeeze %dma_wait3A_457 : memref<1x2x128x128xf32, #tpu.memory_space<vmem>> -> memref<2x128x128xf32, #tpu.memory_space<vmem>>
        %dma_wait3A_459 = arith.constant 0 : i32
        %dma_wait3A_460 = arith.constant 0 : i32
        %dma_wait3A_461 = tpu.memref_slice %dma_wait3A_458[%dma_wait3A_452, %dma_wait3A_459, %dma_wait3A_460] : memref<2x128x128xf32, #tpu.memory_space<vmem>> -> memref<1x128x128xf32, #tpu.memory_space<vmem>>
        %dma_wait3A_462 = tpu.memref_squeeze %dma_wait3A_461 : memref<1x128x128xf32, #tpu.memory_space<vmem>> -> memref<128x128xf32, #tpu.memory_space<vmem>>
        %dma_wait3A_463 = arith.constant 0 : i32
        %dma_wait3A_464 = tpu.memref_slice %arg4[%mul3A_17, %dma_wait3A_463] : memref<819200x128xf32, #tpu.memory_space<hbm>> -> memref<128x128xf32, #tpu.memory_space<hbm>>
        %dma_wait3A_465 = tpu.memref_slice %arg8[%dma_wait3A_453] : memref<2x!tpu.dma_semaphore, #tpu.memory_space<semaphore_mem>> -> memref<1x!tpu.dma_semaphore, #tpu.memory_space<semaphore_mem>>
        %dma_wait3A_466 = tpu.memref_squeeze %dma_wait3A_465 : memref<1x!tpu.dma_semaphore, #tpu.memory_space<semaphore_mem>> -> memref<!tpu.dma_semaphore, #tpu.memory_space<semaphore_mem>>
        %dma_wait3A_467 = arith.constant 0 : i32
        %dma_wait3A_468 = tpu.memref_slice %arg4[%mul3A_17, %dma_wait3A_467] : memref<819200x128xf32, #tpu.memory_space<hbm>> -> memref<128x128xf32, #tpu.memory_space<hbm>>
        %dma_wait3A_469 = arith.constant 0 : i32
        %dma_wait3A_470 = arith.constant 0 : i32
        %dma_wait3A_471 = arith.constant 0 : i32
        %dma_wait3A_472 = tpu.memref_slice %arg6[%dma_wait3A_451, %dma_wait3A_469, %dma_wait3A_470, %dma_wait3A_471] : memref<2x2x128x128xf32, #tpu.memory_space<vmem>> -> memref<1x2x128x128xf32, #tpu.memory_space<vmem>>
        %dma_wait3A_473 = tpu.memref_squeeze %dma_wait3A_472 : memref<1x2x128x128xf32, #tpu.memory_space<vmem>> -> memref<2x128x128xf32, #tpu.memory_space<vmem>>
        %dma_wait3A_474 = arith.constant 0 : i32
        %dma_wait3A_475 = arith.constant 0 : i32
        %dma_wait3A_476 = tpu.memref_slice %dma_wait3A_473[%dma_wait3A_452, %dma_wait3A_474, %dma_wait3A_475] : memref<2x128x128xf32, #tpu.memory_space<vmem>> -> memref<1x128x128xf32, #tpu.memory_space<vmem>>
        %dma_wait3A_477 = tpu.memref_squeeze %dma_wait3A_476 : memref<1x128x128xf32, #tpu.memory_space<vmem>> -> memref<128x128xf32, #tpu.memory_space<vmem>>
        tpu.wait_dma2 semaphore(%dma_wait3A_466 : memref<!tpu.dma_semaphore, #tpu.memory_space<semaphore_mem>>) src(%dma_wait3A_477 : memref<128x128xf32, #tpu.memory_space<vmem>>) dst(%dma_wait3A_468 : memref<128x128xf32, #tpu.memory_space<hbm>>)
        %dma_wait3A_478 = arith.constant 0 : i32
        %dma_wait3A_479 = arith.constant 1 : i32
        %dma_wait3A_480 = arith.constant 0 : i32
        %dma_wait3A_481 = arith.constant 0 : i32
        %dma_wait3A_482 = arith.constant 0 : i32
        %dma_wait3A_483 = arith.constant 0 : i32
        %dma_wait3A_484 = tpu.memref_slice %arg6[%dma_wait3A_478, %dma_wait3A_481, %dma_wait3A_482, %dma_wait3A_483] : memref<2x2x128x128xf32, #tpu.memory_space<vmem>> -> memref<1x2x128x128xf32, #tpu.memory_space<vmem>>
        %dma_wait3A_485 = tpu.memref_squeeze %dma_wait3A_484 : memref<1x2x128x128xf32, #tpu.memory_space<vmem>> -> memref<2x128x128xf32, #tpu.memory_space<vmem>>
        %dma_wait3A_486 = arith.constant 0 : i32
        %dma_wait3A_487 = arith.constant 0 : i32
        %dma_wait3A_488 = tpu.memref_slice %dma_wait3A_485[%dma_wait3A_479, %dma_wait3A_486, %dma_wait3A_487] : memref<2x128x128xf32, #tpu.memory_space<vmem>> -> memref<1x128x128xf32, #tpu.memory_space<vmem>>
        %dma_wait3A_489 = tpu.memref_squeeze %dma_wait3A_488 : memref<1x128x128xf32, #tpu.memory_space<vmem>> -> memref<128x128xf32, #tpu.memory_space<vmem>>
        %dma_wait3A_490 = arith.constant 0 : i32
        %dma_wait3A_491 = tpu.memref_slice %arg4[%mul3A_17, %dma_wait3A_490] : memref<819200x128xf32, #tpu.memory_space<hbm>> -> memref<128x128xf32, #tpu.memory_space<hbm>>
        %dma_wait3A_492 = tpu.memref_slice %arg8[%dma_wait3A_480] : memref<2x!tpu.dma_semaphore, #tpu.memory_space<semaphore_mem>> -> memref<1x!tpu.dma_semaphore, #tpu.memory_space<semaphore_mem>>
        %dma_wait3A_493 = tpu.memref_squeeze %dma_wait3A_492 : memref<1x!tpu.dma_semaphore, #tpu.memory_space<semaphore_mem>> -> memref<!tpu.dma_semaphore, #tpu.memory_space<semaphore_mem>>
        %dma_wait3A_494 = arith.constant 0 : i32
        %dma_wait3A_495 = tpu.memref_slice %arg4[%mul3A_17, %dma_wait3A_494] : memref<819200x128xf32, #tpu.memory_space<hbm>> -> memref<128x128xf32, #tpu.memory_space<hbm>>
        %dma_wait3A_496 = arith.constant 0 : i32
        %dma_wait3A_497 = arith.constant 0 : i32
        %dma_wait3A_498 = arith.constant 0 : i32
        %dma_wait3A_499 = tpu.memref_slice %arg6[%dma_wait3A_478, %dma_wait3A_496, %dma_wait3A_497, %dma_wait3A_498] : memref<2x2x128x128xf32, #tpu.memory_space<vmem>> -> memref<1x2x128x128xf32, #tpu.memory_space<vmem>>
        %dma_wait3A_500 = tpu.memref_squeeze %dma_wait3A_499 : memref<1x2x128x128xf32, #tpu.memory_space<vmem>> -> memref<2x128x128xf32, #tpu.memory_space<vmem>>
        %dma_wait3A_501 = arith.constant 0 : i32
        %dma_wait3A_502 = arith.constant 0 : i32
        %dma_wait3A_503 = tpu.memref_slice %dma_wait3A_500[%dma_wait3A_479, %dma_wait3A_501, %dma_wait3A_502] : memref<2x128x128xf32, #tpu.memory_space<vmem>> -> memref<1x128x128xf32, #tpu.memory_space<vmem>>
        %dma_wait3A_504 = tpu.memref_squeeze %dma_wait3A_503 : memref<1x128x128xf32, #tpu.memory_space<vmem>> -> memref<128x128xf32, #tpu.memory_space<vmem>>
        tpu.wait_dma2 semaphore(%dma_wait3A_493 : memref<!tpu.dma_semaphore, #tpu.memory_space<semaphore_mem>>) src(%dma_wait3A_504 : memref<128x128xf32, #tpu.memory_space<vmem>>) dst(%dma_wait3A_495 : memref<128x128xf32, #tpu.memory_space<hbm>>)
      } else {
      }
      %mul3A_137 = arith.constant 4 : i32
      %mul3A_138 = arith.muli %scan3A_130, %mul3A_137 : i32
      %add3A_139 = arith.addi %sub3A_15, %mul3A_138 : i32
      %add3A_140 = arith.constant 0 : i32
      %add3A_141 = arith.addi %add3A_139, %add3A_140 : i32
      %add3A_142 = arith.constant 0 : i32
      %add3A_143 = arith.addi %add3A_141, %add3A_142 : i32
      %dma_start3A = arith.constant 0 : i32
      %dma_start3A_144 = arith.constant 0 : i32
      %dma_start3A_145 = arith.constant 0 : i32
      %dma_start3A_146 = arith.constant 0 : i32
      %dma_start3A_147 = arith.constant 0 : i32
      %dma_start3A_148 = arith.constant 0 : i32
      %dma_start3A_149 = tpu.memref_slice %arg6[%dma_start3A, %dma_start3A_146, %dma_start3A_147, %dma_start3A_148] : memref<2x2x128x128xf32, #tpu.memory_space<vmem>> -> memref<1x2x128x128xf32, #tpu.memory_space<vmem>>
      %dma_start3A_150 = tpu.memref_squeeze %dma_start3A_149 : memref<1x2x128x128xf32, #tpu.memory_space<vmem>> -> memref<2x128x128xf32, #tpu.memory_space<vmem>>
      %dma_start3A_151 = arith.constant 0 : i32
      %dma_start3A_152 = arith.constant 0 : i32
      %dma_start3A_153 = tpu.memref_slice %dma_start3A_150[%dma_start3A_144, %dma_start3A_151, %dma_start3A_152] : memref<2x128x128xf32, #tpu.memory_space<vmem>> -> memref<1x128x128xf32, #tpu.memory_space<vmem>>
      %dma_start3A_154 = tpu.memref_squeeze %dma_start3A_153 : memref<1x128x128xf32, #tpu.memory_space<vmem>> -> memref<128x128xf32, #tpu.memory_space<vmem>>
      %dma_start3A_155 = arith.constant 0 : i32
      %dma_start3A_156 = tpu.memref_slice %arg5[%add3A_143, %dma_start3A_155] : memref<216x128xi32, #tpu.memory_space<vmem>> -> memref<1x128xi32, #tpu.memory_space<vmem>>
      %dma_start3A_157 = tpu.memref_squeeze %dma_start3A_156 : memref<1x128xi32, #tpu.memory_space<vmem>> -> memref<128xi32, #tpu.memory_space<vmem>>
      %dma_start3A_158 = arith.constant 0 : i32
      %dma_start3A_159 = arith.constant 0 : i32
      %dma_start3A_160 = tpu.memref_slice %arg3[%dma_start3A_158, %dma_start3A_159] : memref<1000000x128xf32, #tpu.memory_space<hbm>> -> memref<1000000x128xf32, #tpu.memory_space<hbm>>
      %dma_start3A_161 = tpu.memref_slice %arg7[%dma_start3A_145] : memref<2x!tpu.dma_semaphore, #tpu.memory_space<semaphore_mem>> -> memref<1x!tpu.dma_semaphore, #tpu.memory_space<semaphore_mem>>
      %dma_start3A_162 = tpu.memref_squeeze %dma_start3A_161 : memref<1x!tpu.dma_semaphore, #tpu.memory_space<semaphore_mem>> -> memref<!tpu.dma_semaphore, #tpu.memory_space<semaphore_mem>>
      tpu.enqueue_indirect_dma source(%dma_start3A_160 : memref<1000000x128xf32, #tpu.memory_space<hbm>>) target(%dma_start3A_154 : memref<128x128xf32, #tpu.memory_space<vmem>>) offsets(%dma_start3A_157 : memref<128xi32, #tpu.memory_space<vmem>>) semaphore(%dma_start3A_162 : memref<!tpu.dma_semaphore, #tpu.memory_space<semaphore_mem>>)
      %mul3A_163 = arith.constant 4 : i32
      %mul3A_164 = arith.muli %scan3A_130, %mul3A_163 : i32
      %add3A_165 = arith.addi %sub3A_15, %mul3A_164 : i32
      %add3A_166 = arith.constant 0 : i32
      %add3A_167 = arith.addi %add3A_165, %add3A_166 : i32
      %add3A_168 = arith.constant 1 : i32
      %add3A_169 = arith.addi %add3A_167, %add3A_168 : i32
      %dma_start3A_170 = arith.constant 0 : i32
      %dma_start3A_171 = arith.constant 1 : i32
      %dma_start3A_172 = arith.constant 0 : i32
      %dma_start3A_173 = arith.constant 0 : i32
      %dma_start3A_174 = arith.constant 0 : i32
      %dma_start3A_175 = arith.constant 0 : i32
      %dma_start3A_176 = tpu.memref_slice %arg6[%dma_start3A_170, %dma_start3A_173, %dma_start3A_174, %dma_start3A_175] : memref<2x2x128x128xf32, #tpu.memory_space<vmem>> -> memref<1x2x128x128xf32, #tpu.memory_space<vmem>>
      %dma_start3A_177 = tpu.memref_squeeze %dma_start3A_176 : memref<1x2x128x128xf32, #tpu.memory_space<vmem>> -> memref<2x128x128xf32, #tpu.memory_space<vmem>>
      %dma_start3A_178 = arith.constant 0 : i32
      %dma_start3A_179 = arith.constant 0 : i32
      %dma_start3A_180 = tpu.memref_slice %dma_start3A_177[%dma_start3A_171, %dma_start3A_178, %dma_start3A_179] : memref<2x128x128xf32, #tpu.memory_space<vmem>> -> memref<1x128x128xf32, #tpu.memory_space<vmem>>
      %dma_start3A_181 = tpu.memref_squeeze %dma_start3A_180 : memref<1x128x128xf32, #tpu.memory_space<vmem>> -> memref<128x128xf32, #tpu.memory_space<vmem>>
      %dma_start3A_182 = arith.constant 0 : i32
      %dma_start3A_183 = tpu.memref_slice %arg5[%add3A_169, %dma_start3A_182] : memref<216x128xi32, #tpu.memory_space<vmem>> -> memref<1x128xi32, #tpu.memory_space<vmem>>
      %dma_start3A_184 = tpu.memref_squeeze %dma_start3A_183 : memref<1x128xi32, #tpu.memory_space<vmem>> -> memref<128xi32, #tpu.memory_space<vmem>>
      %dma_start3A_185 = arith.constant 0 : i32
      %dma_start3A_186 = arith.constant 0 : i32
      %dma_start3A_187 = tpu.memref_slice %arg3[%dma_start3A_185, %dma_start3A_186] : memref<1000000x128xf32, #tpu.memory_space<hbm>> -> memref<1000000x128xf32, #tpu.memory_space<hbm>>
      %dma_start3A_188 = tpu.memref_slice %arg7[%dma_start3A_172] : memref<2x!tpu.dma_semaphore, #tpu.memory_space<semaphore_mem>> -> memref<1x!tpu.dma_semaphore, #tpu.memory_space<semaphore_mem>>
      %dma_start3A_189 = tpu.memref_squeeze %dma_start3A_188 : memref<1x!tpu.dma_semaphore, #tpu.memory_space<semaphore_mem>> -> memref<!tpu.dma_semaphore, #tpu.memory_space<semaphore_mem>>
      tpu.enqueue_indirect_dma source(%dma_start3A_187 : memref<1000000x128xf32, #tpu.memory_space<hbm>>) target(%dma_start3A_181 : memref<128x128xf32, #tpu.memory_space<vmem>>) offsets(%dma_start3A_184 : memref<128xi32, #tpu.memory_space<vmem>>) semaphore(%dma_start3A_189 : memref<!tpu.dma_semaphore, #tpu.memory_space<semaphore_mem>>)
      %dma_wait3A_190 = arith.constant 0 : i32
      %dma_wait3A_191 = arith.constant 0 : i32
      %dma_wait3A_192 = arith.constant 0 : i32
      %dma_wait3A_193 = arith.constant 0 : i32
      %dma_wait3A_194 = arith.constant 0 : i32
      %dma_wait3A_195 = arith.constant 0 : i32
      %dma_wait3A_196 = tpu.memref_slice %arg6[%dma_wait3A_190, %dma_wait3A_193, %dma_wait3A_194, %dma_wait3A_195] : memref<2x2x128x128xf32, #tpu.memory_space<vmem>> -> memref<1x2x128x128xf32, #tpu.memory_space<vmem>>
      %dma_wait3A_197 = tpu.memref_squeeze %dma_wait3A_196 : memref<1x2x128x128xf32, #tpu.memory_space<vmem>> -> memref<2x128x128xf32, #tpu.memory_space<vmem>>
      %dma_wait3A_198 = arith.constant 0 : i32
      %dma_wait3A_199 = arith.constant 0 : i32
      %dma_wait3A_200 = tpu.memref_slice %dma_wait3A_197[%dma_wait3A_191, %dma_wait3A_198, %dma_wait3A_199] : memref<2x128x128xf32, #tpu.memory_space<vmem>> -> memref<1x128x128xf32, #tpu.memory_space<vmem>>
      %dma_wait3A_201 = tpu.memref_squeeze %dma_wait3A_200 : memref<1x128x128xf32, #tpu.memory_space<vmem>> -> memref<128x128xf32, #tpu.memory_space<vmem>>
      %dma_wait3A_202 = arith.constant 0 : i32
      %dma_wait3A_203 = tpu.memref_slice %arg5[%add3A_143, %dma_wait3A_202] : memref<216x128xi32, #tpu.memory_space<vmem>> -> memref<1x128xi32, #tpu.memory_space<vmem>>
      %dma_wait3A_204 = tpu.memref_squeeze %dma_wait3A_203 : memref<1x128xi32, #tpu.memory_space<vmem>> -> memref<128xi32, #tpu.memory_space<vmem>>
      %dma_wait3A_205 = arith.constant 0 : i32
      %dma_wait3A_206 = arith.constant 0 : i32
      %dma_wait3A_207 = tpu.memref_slice %arg3[%dma_wait3A_205, %dma_wait3A_206] : memref<1000000x128xf32, #tpu.memory_space<hbm>> -> memref<1000000x128xf32, #tpu.memory_space<hbm>>
      %dma_wait3A_208 = tpu.memref_slice %arg7[%dma_wait3A_192] : memref<2x!tpu.dma_semaphore, #tpu.memory_space<semaphore_mem>> -> memref<1x!tpu.dma_semaphore, #tpu.memory_space<semaphore_mem>>
      %dma_wait3A_209 = tpu.memref_squeeze %dma_wait3A_208 : memref<1x!tpu.dma_semaphore, #tpu.memory_space<semaphore_mem>> -> memref<!tpu.dma_semaphore, #tpu.memory_space<semaphore_mem>>
      tpu.wait_indirect_dma semaphore(%dma_wait3A_209 : memref<!tpu.dma_semaphore, #tpu.memory_space<semaphore_mem>>) src(%dma_wait3A_207 : memref<1000000x128xf32, #tpu.memory_space<hbm>>) dst(%dma_wait3A_201 : memref<128x128xf32, #tpu.memory_space<vmem>>)
      %dma_wait3A_210 = arith.constant 0 : i32
      %dma_wait3A_211 = arith.constant 1 : i32
      %dma_wait3A_212 = arith.constant 0 : i32
      %dma_wait3A_213 = arith.constant 0 : i32
      %dma_wait3A_214 = arith.constant 0 : i32
      %dma_wait3A_215 = arith.constant 0 : i32
      %dma_wait3A_216 = tpu.memref_slice %arg6[%dma_wait3A_210, %dma_wait3A_213, %dma_wait3A_214, %dma_wait3A_215] : memref<2x2x128x128xf32, #tpu.memory_space<vmem>> -> memref<1x2x128x128xf32, #tpu.memory_space<vmem>>
      %dma_wait3A_217 = tpu.memref_squeeze %dma_wait3A_216 : memref<1x2x128x128xf32, #tpu.memory_space<vmem>> -> memref<2x128x128xf32, #tpu.memory_space<vmem>>
      %dma_wait3A_218 = arith.constant 0 : i32
      %dma_wait3A_219 = arith.constant 0 : i32
      %dma_wait3A_220 = tpu.memref_slice %dma_wait3A_217[%dma_wait3A_211, %dma_wait3A_218, %dma_wait3A_219] : memref<2x128x128xf32, #tpu.memory_space<vmem>> -> memref<1x128x128xf32, #tpu.memory_space<vmem>>
      %dma_wait3A_221 = tpu.memref_squeeze %dma_wait3A_220 : memref<1x128x128xf32, #tpu.memory_space<vmem>> -> memref<128x128xf32, #tpu.memory_space<vmem>>
      %dma_wait3A_222 = arith.constant 0 : i32
      %dma_wait3A_223 = tpu.memref_slice %arg5[%add3A_169, %dma_wait3A_222] : memref<216x128xi32, #tpu.memory_space<vmem>> -> memref<1x128xi32, #tpu.memory_space<vmem>>
      %dma_wait3A_224 = tpu.memref_squeeze %dma_wait3A_223 : memref<1x128xi32, #tpu.memory_space<vmem>> -> memref<128xi32, #tpu.memory_space<vmem>>
      %dma_wait3A_225 = arith.constant 0 : i32
      %dma_wait3A_226 = arith.constant 0 : i32
      %dma_wait3A_227 = tpu.memref_slice %arg3[%dma_wait3A_225, %dma_wait3A_226] : memref<1000000x128xf32, #tpu.memory_space<hbm>> -> memref<1000000x128xf32, #tpu.memory_space<hbm>>
      %dma_wait3A_228 = tpu.memref_slice %arg7[%dma_wait3A_212] : memref<2x!tpu.dma_semaphore, #tpu.memory_space<semaphore_mem>> -> memref<1x!tpu.dma_semaphore, #tpu.memory_space<semaphore_mem>>
      %dma_wait3A_229 = tpu.memref_squeeze %dma_wait3A_228 : memref<1x!tpu.dma_semaphore, #tpu.memory_space<semaphore_mem>> -> memref<!tpu.dma_semaphore, #tpu.memory_space<semaphore_mem>>
      tpu.wait_indirect_dma semaphore(%dma_wait3A_229 : memref<!tpu.dma_semaphore, #tpu.memory_space<semaphore_mem>>) src(%dma_wait3A_227 : memref<1000000x128xf32, #tpu.memory_space<hbm>>) dst(%dma_wait3A_221 : memref<128x128xf32, #tpu.memory_space<vmem>>)
      %add3A_230 = arith.addi %mul3A_17, %add3A_134 : i32
      %add3A_231 = arith.constant 0 : i32
      %add3A_232 = arith.addi %add3A_230, %add3A_231 : i32
      %dma_start3A_233 = arith.constant 0 : i32
      %dma_start3A_234 = arith.constant 0 : i32
      %dma_start3A_235 = arith.constant 0 : i32
      %dma_start3A_236 = arith.constant 0 : i32
      %dma_start3A_237 = arith.constant 0 : i32
      %dma_start3A_238 = arith.constant 0 : i32
      %dma_start3A_239 = tpu.memref_slice %arg6[%dma_start3A_233, %dma_start3A_236, %dma_start3A_237, %dma_start3A_238] : memref<2x2x128x128xf32, #tpu.memory_space<vmem>> -> memref<1x2x128x128xf32, #tpu.memory_space<vmem>>
      %dma_start3A_240 = tpu.memref_squeeze %dma_start3A_239 : memref<1x2x128x128xf32, #tpu.memory_space<vmem>> -> memref<2x128x128xf32, #tpu.memory_space<vmem>>
      %dma_start3A_241 = arith.constant 0 : i32
      %dma_start3A_242 = arith.constant 0 : i32
      %dma_start3A_243 = tpu.memref_slice %dma_start3A_240[%dma_start3A_234, %dma_start3A_241, %dma_start3A_242] : memref<2x128x128xf32, #tpu.memory_space<vmem>> -> memref<1x128x128xf32, #tpu.memory_space<vmem>>
      %dma_start3A_244 = tpu.memref_squeeze %dma_start3A_243 : memref<1x128x128xf32, #tpu.memory_space<vmem>> -> memref<128x128xf32, #tpu.memory_space<vmem>>
      %dma_start3A_245 = arith.constant 0 : i32
      %dma_start3A_246 = tpu.memref_slice %arg4[%add3A_232, %dma_start3A_245] : memref<819200x128xf32, #tpu.memory_space<hbm>> -> memref<128x128xf32, #tpu.memory_space<hbm>>
      %dma_start3A_247 = tpu.memref_slice %arg8[%dma_start3A_235] : memref<2x!tpu.dma_semaphore, #tpu.memory_space<semaphore_mem>> -> memref<1x!tpu.dma_semaphore, #tpu.memory_space<semaphore_mem>>
      %dma_start3A_248 = tpu.memref_squeeze %dma_start3A_247 : memref<1x!tpu.dma_semaphore, #tpu.memory_space<semaphore_mem>> -> memref<!tpu.dma_semaphore, #tpu.memory_space<semaphore_mem>>
      %dma_start3A_249 = arith.constant 0 : i32
      %dma_start3A_250 = tpu.memref_slice %arg4[%add3A_232, %dma_start3A_249] : memref<819200x128xf32, #tpu.memory_space<hbm>> -> memref<128x128xf32, #tpu.memory_space<hbm>>
      %dma_start3A_251 = arith.constant 0 : i32
      %dma_start3A_252 = arith.constant 0 : i32
      %dma_start3A_253 = arith.constant 0 : i32
      %dma_start3A_254 = tpu.memref_slice %arg6[%dma_start3A_233, %dma_start3A_251, %dma_start3A_252, %dma_start3A_253] : memref<2x2x128x128xf32, #tpu.memory_space<vmem>> -> memref<1x2x128x128xf32, #tpu.memory_space<vmem>>
      %dma_start3A_255 = tpu.memref_squeeze %dma_start3A_254 : memref<1x2x128x128xf32, #tpu.memory_space<vmem>> -> memref<2x128x128xf32, #tpu.memory_space<vmem>>
      %dma_start3A_256 = arith.constant 0 : i32
      %dma_start3A_257 = arith.constant 0 : i32
      %dma_start3A_258 = tpu.memref_slice %dma_start3A_255[%dma_start3A_234, %dma_start3A_256, %dma_start3A_257] : memref<2x128x128xf32, #tpu.memory_space<vmem>> -> memref<1x128x128xf32, #tpu.memory_space<vmem>>
      %dma_start3A_259 = tpu.memref_squeeze %dma_start3A_258 : memref<1x128x128xf32, #tpu.memory_space<vmem>> -> memref<128x128xf32, #tpu.memory_space<vmem>>
      tpu.enqueue_dma source(%dma_start3A_259 : memref<128x128xf32, #tpu.memory_space<vmem>>) target(%dma_start3A_250 : memref<128x128xf32, #tpu.memory_space<hbm>>) target_semaphore(%dma_start3A_248 : memref<!tpu.dma_semaphore, #tpu.memory_space<semaphore_mem>>)
      %add3A_260 = arith.addi %mul3A_17, %add3A_134 : i32
      %add3A_261 = arith.constant 128 : i32
      %add3A_262 = arith.addi %add3A_260, %add3A_261 : i32
      %dma_start3A_263 = arith.constant 0 : i32
      %dma_start3A_264 = arith.constant 1 : i32
      %dma_start3A_265 = arith.constant 0 : i32
      %dma_start3A_266 = arith.constant 0 : i32
      %dma_start3A_267 = arith.constant 0 : i32
      %dma_start3A_268 = arith.constant 0 : i32
      %dma_start3A_269 = tpu.memref_slice %arg6[%dma_start3A_263, %dma_start3A_266, %dma_start3A_267, %dma_start3A_268] : memref<2x2x128x128xf32, #tpu.memory_space<vmem>> -> memref<1x2x128x128xf32, #tpu.memory_space<vmem>>
      %dma_start3A_270 = tpu.memref_squeeze %dma_start3A_269 : memref<1x2x128x128xf32, #tpu.memory_space<vmem>> -> memref<2x128x128xf32, #tpu.memory_space<vmem>>
      %dma_start3A_271 = arith.constant 0 : i32
      %dma_start3A_272 = arith.constant 0 : i32
      %dma_start3A_273 = tpu.memref_slice %dma_start3A_270[%dma_start3A_264, %dma_start3A_271, %dma_start3A_272] : memref<2x128x128xf32, #tpu.memory_space<vmem>> -> memref<1x128x128xf32, #tpu.memory_space<vmem>>
      %dma_start3A_274 = tpu.memref_squeeze %dma_start3A_273 : memref<1x128x128xf32, #tpu.memory_space<vmem>> -> memref<128x128xf32, #tpu.memory_space<vmem>>
      %dma_start3A_275 = arith.constant 0 : i32
      %dma_start3A_276 = tpu.memref_slice %arg4[%add3A_262, %dma_start3A_275] : memref<819200x128xf32, #tpu.memory_space<hbm>> -> memref<128x128xf32, #tpu.memory_space<hbm>>
      %dma_start3A_277 = tpu.memref_slice %arg8[%dma_start3A_265] : memref<2x!tpu.dma_semaphore, #tpu.memory_space<semaphore_mem>> -> memref<1x!tpu.dma_semaphore, #tpu.memory_space<semaphore_mem>>
      %dma_start3A_278 = tpu.memref_squeeze %dma_start3A_277 : memref<1x!tpu.dma_semaphore, #tpu.memory_space<semaphore_mem>> -> memref<!tpu.dma_semaphore, #tpu.memory_space<semaphore_mem>>
      %dma_start3A_279 = arith.constant 0 : i32
      %dma_start3A_280 = tpu.memref_slice %arg4[%add3A_262, %dma_start3A_279] : memref<819200x128xf32, #tpu.memory_space<hbm>> -> memref<128x128xf32, #tpu.memory_space<hbm>>
      %dma_start3A_281 = arith.constant 0 : i32
      %dma_start3A_282 = arith.constant 0 : i32
      %dma_start3A_283 = arith.constant 0 : i32
      %dma_start3A_284 = tpu.memref_slice %arg6[%dma_start3A_263, %dma_start3A_281, %dma_start3A_282, %dma_start3A_283] : memref<2x2x128x128xf32, #tpu.memory_space<vmem>> -> memref<1x2x128x128xf32, #tpu.memory_space<vmem>>
      %dma_start3A_285 = tpu.memref_squeeze %dma_start3A_284 : memref<1x2x128x128xf32, #tpu.memory_space<vmem>> -> memref<2x128x128xf32, #tpu.memory_space<vmem>>
      %dma_start3A_286 = arith.constant 0 : i32
      %dma_start3A_287 = arith.constant 0 : i32
      %dma_start3A_288 = tpu.memref_slice %dma_start3A_285[%dma_start3A_264, %dma_start3A_286, %dma_start3A_287] : memref<2x128x128xf32, #tpu.memory_space<vmem>> -> memref<1x128x128xf32, #tpu.memory_space<vmem>>
      %dma_start3A_289 = tpu.memref_squeeze %dma_start3A_288 : memref<1x128x128xf32, #tpu.memory_space<vmem>> -> memref<128x128xf32, #tpu.memory_space<vmem>>
      tpu.enqueue_dma source(%dma_start3A_289 : memref<128x128xf32, #tpu.memory_space<vmem>>) target(%dma_start3A_280 : memref<128x128xf32, #tpu.memory_space<hbm>>) target_semaphore(%dma_start3A_278 : memref<!tpu.dma_semaphore, #tpu.memory_space<semaphore_mem>>)
      %add3A_290 = arith.constant 256 : i32
      %add3A_291 = arith.addi %mul3A_132, %add3A_290 : i32
      %gt3A_292 = arith.constant 0 : i32
      %gt3A_293 = arith.cmpi sgt, %scan3A_130, %gt3A_292 : i32
      %convert_element_type3A_294 = arith.extui %gt3A_293 : i1 to i32
      %cond3A_295 = arith.constant 0 : i32
      %cond3A_296 = arith.cmpi ne, %convert_element_type3A_294, %cond3A_295 : i32
      scf.if %cond3A_296 {
        %dma_wait3A_451 = arith.constant 1 : i32
        %dma_wait3A_452 = arith.constant 0 : i32
        %dma_wait3A_453 = arith.constant 1 : i32
        %dma_wait3A_454 = arith.constant 0 : i32
        %dma_wait3A_455 = arith.constant 0 : i32
        %dma_wait3A_456 = arith.constant 0 : i32
        %dma_wait3A_457 = tpu.memref_slice %arg6[%dma_wait3A_451, %dma_wait3A_454, %dma_wait3A_455, %dma_wait3A_456] : memref<2x2x128x128xf32, #tpu.memory_space<vmem>> -> memref<1x2x128x128xf32, #tpu.memory_space<vmem>>
        %dma_wait3A_458 = tpu.memref_squeeze %dma_wait3A_457 : memref<1x2x128x128xf32, #tpu.memory_space<vmem>> -> memref<2x128x128xf32, #tpu.memory_space<vmem>>
        %dma_wait3A_459 = arith.constant 0 : i32
        %dma_wait3A_460 = arith.constant 0 : i32
        %dma_wait3A_461 = tpu.memref_slice %dma_wait3A_458[%dma_wait3A_452, %dma_wait3A_459, %dma_wait3A_460] : memref<2x128x128xf32, #tpu.memory_space<vmem>> -> memref<1x128x128xf32, #tpu.memory_space<vmem>>
        %dma_wait3A_462 = tpu.memref_squeeze %dma_wait3A_461 : memref<1x128x128xf32, #tpu.memory_space<vmem>> -> memref<128x128xf32, #tpu.memory_space<vmem>>
        %dma_wait3A_463 = arith.constant 0 : i32
        %dma_wait3A_464 = tpu.memref_slice %arg4[%mul3A_17, %dma_wait3A_463] : memref<819200x128xf32, #tpu.memory_space<hbm>> -> memref<128x128xf32, #tpu.memory_space<hbm>>
        %dma_wait3A_465 = tpu.memref_slice %arg8[%dma_wait3A_453] : memref<2x!tpu.dma_semaphore, #tpu.memory_space<semaphore_mem>> -> memref<1x!tpu.dma_semaphore, #tpu.memory_space<semaphore_mem>>
        %dma_wait3A_466 = tpu.memref_squeeze %dma_wait3A_465 : memref<1x!tpu.dma_semaphore, #tpu.memory_space<semaphore_mem>> -> memref<!tpu.dma_semaphore, #tpu.memory_space<semaphore_mem>>
        %dma_wait3A_467 = arith.constant 0 : i32
        %dma_wait3A_468 = tpu.memref_slice %arg4[%mul3A_17, %dma_wait3A_467] : memref<819200x128xf32, #tpu.memory_space<hbm>> -> memref<128x128xf32, #tpu.memory_space<hbm>>
        %dma_wait3A_469 = arith.constant 0 : i32
        %dma_wait3A_470 = arith.constant 0 : i32
        %dma_wait3A_471 = arith.constant 0 : i32
        %dma_wait3A_472 = tpu.memref_slice %arg6[%dma_wait3A_451, %dma_wait3A_469, %dma_wait3A_470, %dma_wait3A_471] : memref<2x2x128x128xf32, #tpu.memory_space<vmem>> -> memref<1x2x128x128xf32, #tpu.memory_space<vmem>>
        %dma_wait3A_473 = tpu.memref_squeeze %dma_wait3A_472 : memref<1x2x128x128xf32, #tpu.memory_space<vmem>> -> memref<2x128x128xf32, #tpu.memory_space<vmem>>
        %dma_wait3A_474 = arith.constant 0 : i32
        %dma_wait3A_475 = arith.constant 0 : i32
        %dma_wait3A_476 = tpu.memref_slice %dma_wait3A_473[%dma_wait3A_452, %dma_wait3A_474, %dma_wait3A_475] : memref<2x128x128xf32, #tpu.memory_space<vmem>> -> memref<1x128x128xf32, #tpu.memory_space<vmem>>
        %dma_wait3A_477 = tpu.memref_squeeze %dma_wait3A_476 : memref<1x128x128xf32, #tpu.memory_space<vmem>> -> memref<128x128xf32, #tpu.memory_space<vmem>>
        tpu.wait_dma2 semaphore(%dma_wait3A_466 : memref<!tpu.dma_semaphore, #tpu.memory_space<semaphore_mem>>) src(%dma_wait3A_477 : memref<128x128xf32, #tpu.memory_space<vmem>>) dst(%dma_wait3A_468 : memref<128x128xf32, #tpu.memory_space<hbm>>)
        %dma_wait3A_478 = arith.constant 1 : i32
        %dma_wait3A_479 = arith.constant 1 : i32
        %dma_wait3A_480 = arith.constant 1 : i32
        %dma_wait3A_481 = arith.constant 0 : i32
        %dma_wait3A_482 = arith.constant 0 : i32
        %dma_wait3A_483 = arith.constant 0 : i32
        %dma_wait3A_484 = tpu.memref_slice %arg6[%dma_wait3A_478, %dma_wait3A_481, %dma_wait3A_482, %dma_wait3A_483] : memref<2x2x128x128xf32, #tpu.memory_space<vmem>> -> memref<1x2x128x128xf32, #tpu.memory_space<vmem>>
        %dma_wait3A_485 = tpu.memref_squeeze %dma_wait3A_484 : memref<1x2x128x128xf32, #tpu.memory_space<vmem>> -> memref<2x128x128xf32, #tpu.memory_space<vmem>>
        %dma_wait3A_486 = arith.constant 0 : i32
        %dma_wait3A_487 = arith.constant 0 : i32
        %dma_wait3A_488 = tpu.memref_slice %dma_wait3A_485[%dma_wait3A_479, %dma_wait3A_486, %dma_wait3A_487] : memref<2x128x128xf32, #tpu.memory_space<vmem>> -> memref<1x128x128xf32, #tpu.memory_space<vmem>>
        %dma_wait3A_489 = tpu.memref_squeeze %dma_wait3A_488 : memref<1x128x128xf32, #tpu.memory_space<vmem>> -> memref<128x128xf32, #tpu.memory_space<vmem>>
        %dma_wait3A_490 = arith.constant 0 : i32
        %dma_wait3A_491 = tpu.memref_slice %arg4[%mul3A_17, %dma_wait3A_490] : memref<819200x128xf32, #tpu.memory_space<hbm>> -> memref<128x128xf32, #tpu.memory_space<hbm>>
        %dma_wait3A_492 = tpu.memref_slice %arg8[%dma_wait3A_480] : memref<2x!tpu.dma_semaphore, #tpu.memory_space<semaphore_mem>> -> memref<1x!tpu.dma_semaphore, #tpu.memory_space<semaphore_mem>>
        %dma_wait3A_493 = tpu.memref_squeeze %dma_wait3A_492 : memref<1x!tpu.dma_semaphore, #tpu.memory_space<semaphore_mem>> -> memref<!tpu.dma_semaphore, #tpu.memory_space<semaphore_mem>>
        %dma_wait3A_494 = arith.constant 0 : i32
        %dma_wait3A_495 = tpu.memref_slice %arg4[%mul3A_17, %dma_wait3A_494] : memref<819200x128xf32, #tpu.memory_space<hbm>> -> memref<128x128xf32, #tpu.memory_space<hbm>>
        %dma_wait3A_496 = arith.constant 0 : i32
        %dma_wait3A_497 = arith.constant 0 : i32
        %dma_wait3A_498 = arith.constant 0 : i32
        %dma_wait3A_499 = tpu.memref_slice %arg6[%dma_wait3A_478, %dma_wait3A_496, %dma_wait3A_497, %dma_wait3A_498] : memref<2x2x128x128xf32, #tpu.memory_space<vmem>> -> memref<1x2x128x128xf32, #tpu.memory_space<vmem>>
        %dma_wait3A_500 = tpu.memref_squeeze %dma_wait3A_499 : memref<1x2x128x128xf32, #tpu.memory_space<vmem>> -> memref<2x128x128xf32, #tpu.memory_space<vmem>>
        %dma_wait3A_501 = arith.constant 0 : i32
        %dma_wait3A_502 = arith.constant 0 : i32
        %dma_wait3A_503 = tpu.memref_slice %dma_wait3A_500[%dma_wait3A_479, %dma_wait3A_501, %dma_wait3A_502] : memref<2x128x128xf32, #tpu.memory_space<vmem>> -> memref<1x128x128xf32, #tpu.memory_space<vmem>>
        %dma_wait3A_504 = tpu.memref_squeeze %dma_wait3A_503 : memref<1x128x128xf32, #tpu.memory_space<vmem>> -> memref<128x128xf32, #tpu.memory_space<vmem>>
        tpu.wait_dma2 semaphore(%dma_wait3A_493 : memref<!tpu.dma_semaphore, #tpu.memory_space<semaphore_mem>>) src(%dma_wait3A_504 : memref<128x128xf32, #tpu.memory_space<vmem>>) dst(%dma_wait3A_495 : memref<128x128xf32, #tpu.memory_space<hbm>>)
      } else {
      }
      %mul3A_297 = arith.constant 4 : i32
      %mul3A_298 = arith.muli %scan3A_130, %mul3A_297 : i32
      %add3A_299 = arith.addi %sub3A_15, %mul3A_298 : i32
      %add3A_300 = arith.constant 2 : i32
      %add3A_301 = arith.addi %add3A_299, %add3A_300 : i32
      %add3A_302 = arith.constant 0 : i32
      %add3A_303 = arith.addi %add3A_301, %add3A_302 : i32
      %dma_start3A_304 = arith.constant 1 : i32
      %dma_start3A_305 = arith.constant 0 : i32
      %dma_start3A_306 = arith.constant 1 : i32
      %dma_start3A_307 = arith.constant 0 : i32
      %dma_start3A_308 = arith.constant 0 : i32
      %dma_start3A_309 = arith.constant 0 : i32
      %dma_start3A_310 = tpu.memref_slice %arg6[%dma_start3A_304, %dma_start3A_307, %dma_start3A_308, %dma_start3A_309] : memref<2x2x128x128xf32, #tpu.memory_space<vmem>> -> memref<1x2x128x128xf32, #tpu.memory_space<vmem>>
      %dma_start3A_311 = tpu.memref_squeeze %dma_start3A_310 : memref<1x2x128x128xf32, #tpu.memory_space<vmem>> -> memref<2x128x128xf32, #tpu.memory_space<vmem>>
      %dma_start3A_312 = arith.constant 0 : i32
      %dma_start3A_313 = arith.constant 0 : i32
      %dma_start3A_314 = tpu.memref_slice %dma_start3A_311[%dma_start3A_305, %dma_start3A_312, %dma_start3A_313] : memref<2x128x128xf32, #tpu.memory_space<vmem>> -> memref<1x128x128xf32, #tpu.memory_space<vmem>>
      %dma_start3A_315 = tpu.memref_squeeze %dma_start3A_314 : memref<1x128x128xf32, #tpu.memory_space<vmem>> -> memref<128x128xf32, #tpu.memory_space<vmem>>
      %dma_start3A_316 = arith.constant 0 : i32
      %dma_start3A_317 = tpu.memref_slice %arg5[%add3A_303, %dma_start3A_316] : memref<216x128xi32, #tpu.memory_space<vmem>> -> memref<1x128xi32, #tpu.memory_space<vmem>>
      %dma_start3A_318 = tpu.memref_squeeze %dma_start3A_317 : memref<1x128xi32, #tpu.memory_space<vmem>> -> memref<128xi32, #tpu.memory_space<vmem>>
      %dma_start3A_319 = arith.constant 0 : i32
      %dma_start3A_320 = arith.constant 0 : i32
      %dma_start3A_321 = tpu.memref_slice %arg3[%dma_start3A_319, %dma_start3A_320] : memref<1000000x128xf32, #tpu.memory_space<hbm>> -> memref<1000000x128xf32, #tpu.memory_space<hbm>>
      %dma_start3A_322 = tpu.memref_slice %arg7[%dma_start3A_306] : memref<2x!tpu.dma_semaphore, #tpu.memory_space<semaphore_mem>> -> memref<1x!tpu.dma_semaphore, #tpu.memory_space<semaphore_mem>>
      %dma_start3A_323 = tpu.memref_squeeze %dma_start3A_322 : memref<1x!tpu.dma_semaphore, #tpu.memory_space<semaphore_mem>> -> memref<!tpu.dma_semaphore, #tpu.memory_space<semaphore_mem>>
      tpu.enqueue_indirect_dma source(%dma_start3A_321 : memref<1000000x128xf32, #tpu.memory_space<hbm>>) target(%dma_start3A_315 : memref<128x128xf32, #tpu.memory_space<vmem>>) offsets(%dma_start3A_318 : memref<128xi32, #tpu.memory_space<vmem>>) semaphore(%dma_start3A_323 : memref<!tpu.dma_semaphore, #tpu.memory_space<semaphore_mem>>)
      %mul3A_324 = arith.constant 4 : i32
      %mul3A_325 = arith.muli %scan3A_130, %mul3A_324 : i32
      %add3A_326 = arith.addi %sub3A_15, %mul3A_325 : i32
      %add3A_327 = arith.constant 2 : i32
      %add3A_328 = arith.addi %add3A_326, %add3A_327 : i32
      %add3A_329 = arith.constant 1 : i32
      %add3A_330 = arith.addi %add3A_328, %add3A_329 : i32
      %dma_start3A_331 = arith.constant 1 : i32
      %dma_start3A_332 = arith.constant 1 : i32
      %dma_start3A_333 = arith.constant 1 : i32
      %dma_start3A_334 = arith.constant 0 : i32
      %dma_start3A_335 = arith.constant 0 : i32
      %dma_start3A_336 = arith.constant 0 : i32
      %dma_start3A_337 = tpu.memref_slice %arg6[%dma_start3A_331, %dma_start3A_334, %dma_start3A_335, %dma_start3A_336] : memref<2x2x128x128xf32, #tpu.memory_space<vmem>> -> memref<1x2x128x128xf32, #tpu.memory_space<vmem>>
      %dma_start3A_338 = tpu.memref_squeeze %dma_start3A_337 : memref<1x2x128x128xf32, #tpu.memory_space<vmem>> -> memref<2x128x128xf32, #tpu.memory_space<vmem>>
      %dma_start3A_339 = arith.constant 0 : i32
      %dma_start3A_340 = arith.constant 0 : i32
      %dma_start3A_341 = tpu.memref_slice %dma_start3A_338[%dma_start3A_332, %dma_start3A_339, %dma_start3A_340] : memref<2x128x128xf32, #tpu.memory_space<vmem>> -> memref<1x128x128xf32, #tpu.memory_space<vmem>>
      %dma_start3A_342 = tpu.memref_squeeze %dma_start3A_341 : memref<1x128x128xf32, #tpu.memory_space<vmem>> -> memref<128x128xf32, #tpu.memory_space<vmem>>
      %dma_start3A_343 = arith.constant 0 : i32
      %dma_start3A_344 = tpu.memref_slice %arg5[%add3A_330, %dma_start3A_343] : memref<216x128xi32, #tpu.memory_space<vmem>> -> memref<1x128xi32, #tpu.memory_space<vmem>>
      %dma_start3A_345 = tpu.memref_squeeze %dma_start3A_344 : memref<1x128xi32, #tpu.memory_space<vmem>> -> memref<128xi32, #tpu.memory_space<vmem>>
      %dma_start3A_346 = arith.constant 0 : i32
      %dma_start3A_347 = arith.constant 0 : i32
      %dma_start3A_348 = tpu.memref_slice %arg3[%dma_start3A_346, %dma_start3A_347] : memref<1000000x128xf32, #tpu.memory_space<hbm>> -> memref<1000000x128xf32, #tpu.memory_space<hbm>>
      %dma_start3A_349 = tpu.memref_slice %arg7[%dma_start3A_333] : memref<2x!tpu.dma_semaphore, #tpu.memory_space<semaphore_mem>> -> memref<1x!tpu.dma_semaphore, #tpu.memory_space<semaphore_mem>>
      %dma_start3A_350 = tpu.memref_squeeze %dma_start3A_349 : memref<1x!tpu.dma_semaphore, #tpu.memory_space<semaphore_mem>> -> memref<!tpu.dma_semaphore, #tpu.memory_space<semaphore_mem>>
      tpu.enqueue_indirect_dma source(%dma_start3A_348 : memref<1000000x128xf32, #tpu.memory_space<hbm>>) target(%dma_start3A_342 : memref<128x128xf32, #tpu.memory_space<vmem>>) offsets(%dma_start3A_345 : memref<128xi32, #tpu.memory_space<vmem>>) semaphore(%dma_start3A_350 : memref<!tpu.dma_semaphore, #tpu.memory_space<semaphore_mem>>)
      %dma_wait3A_351 = arith.constant 1 : i32
      %dma_wait3A_352 = arith.constant 0 : i32
      %dma_wait3A_353 = arith.constant 1 : i32
      %dma_wait3A_354 = arith.constant 0 : i32
      %dma_wait3A_355 = arith.constant 0 : i32
      %dma_wait3A_356 = arith.constant 0 : i32
      %dma_wait3A_357 = tpu.memref_slice %arg6[%dma_wait3A_351, %dma_wait3A_354, %dma_wait3A_355, %dma_wait3A_356] : memref<2x2x128x128xf32, #tpu.memory_space<vmem>> -> memref<1x2x128x128xf32, #tpu.memory_space<vmem>>
      %dma_wait3A_358 = tpu.memref_squeeze %dma_wait3A_357 : memref<1x2x128x128xf32, #tpu.memory_space<vmem>> -> memref<2x128x128xf32, #tpu.memory_space<vmem>>
      %dma_wait3A_359 = arith.constant 0 : i32
      %dma_wait3A_360 = arith.constant 0 : i32
      %dma_wait3A_361 = tpu.memref_slice %dma_wait3A_358[%dma_wait3A_352, %dma_wait3A_359, %dma_wait3A_360] : memref<2x128x128xf32, #tpu.memory_space<vmem>> -> memref<1x128x128xf32, #tpu.memory_space<vmem>>
      %dma_wait3A_362 = tpu.memref_squeeze %dma_wait3A_361 : memref<1x128x128xf32, #tpu.memory_space<vmem>> -> memref<128x128xf32, #tpu.memory_space<vmem>>
      %dma_wait3A_363 = arith.constant 0 : i32
      %dma_wait3A_364 = tpu.memref_slice %arg5[%add3A_303, %dma_wait3A_363] : memref<216x128xi32, #tpu.memory_space<vmem>> -> memref<1x128xi32, #tpu.memory_space<vmem>>
      %dma_wait3A_365 = tpu.memref_squeeze %dma_wait3A_364 : memref<1x128xi32, #tpu.memory_space<vmem>> -> memref<128xi32, #tpu.memory_space<vmem>>
      %dma_wait3A_366 = arith.constant 0 : i32
      %dma_wait3A_367 = arith.constant 0 : i32
      %dma_wait3A_368 = tpu.memref_slice %arg3[%dma_wait3A_366, %dma_wait3A_367] : memref<1000000x128xf32, #tpu.memory_space<hbm>> -> memref<1000000x128xf32, #tpu.memory_space<hbm>>
      %dma_wait3A_369 = tpu.memref_slice %arg7[%dma_wait3A_353] : memref<2x!tpu.dma_semaphore, #tpu.memory_space<semaphore_mem>> -> memref<1x!tpu.dma_semaphore, #tpu.memory_space<semaphore_mem>>
      %dma_wait3A_370 = tpu.memref_squeeze %dma_wait3A_369 : memref<1x!tpu.dma_semaphore, #tpu.memory_space<semaphore_mem>> -> memref<!tpu.dma_semaphore, #tpu.memory_space<semaphore_mem>>
      tpu.wait_indirect_dma semaphore(%dma_wait3A_370 : memref<!tpu.dma_semaphore, #tpu.memory_space<semaphore_mem>>) src(%dma_wait3A_368 : memref<1000000x128xf32, #tpu.memory_space<hbm>>) dst(%dma_wait3A_362 : memref<128x128xf32, #tpu.memory_space<vmem>>)
      %dma_wait3A_371 = arith.constant 1 : i32
      %dma_wait3A_372 = arith.constant 1 : i32
      %dma_wait3A_373 = arith.constant 1 : i32
      %dma_wait3A_374 = arith.constant 0 : i32
      %dma_wait3A_375 = arith.constant 0 : i32
      %dma_wait3A_376 = arith.constant 0 : i32
      %dma_wait3A_377 = tpu.memref_slice %arg6[%dma_wait3A_371, %dma_wait3A_374, %dma_wait3A_375, %dma_wait3A_376] : memref<2x2x128x128xf32, #tpu.memory_space<vmem>> -> memref<1x2x128x128xf32, #tpu.memory_space<vmem>>
      %dma_wait3A_378 = tpu.memref_squeeze %dma_wait3A_377 : memref<1x2x128x128xf32, #tpu.memory_space<vmem>> -> memref<2x128x128xf32, #tpu.memory_space<vmem>>
      %dma_wait3A_379 = arith.constant 0 : i32
      %dma_wait3A_380 = arith.constant 0 : i32
      %dma_wait3A_381 = tpu.memref_slice %dma_wait3A_378[%dma_wait3A_372, %dma_wait3A_379, %dma_wait3A_380] : memref<2x128x128xf32, #tpu.memory_space<vmem>> -> memref<1x128x128xf32, #tpu.memory_space<vmem>>
      %dma_wait3A_382 = tpu.memref_squeeze %dma_wait3A_381 : memref<1x128x128xf32, #tpu.memory_space<vmem>> -> memref<128x128xf32, #tpu.memory_space<vmem>>
      %dma_wait3A_383 = arith.constant 0 : i32
      %dma_wait3A_384 = tpu.memref_slice %arg5[%add3A_330, %dma_wait3A_383] : memref<216x128xi32, #tpu.memory_space<vmem>> -> memref<1x128xi32, #tpu.memory_space<vmem>>
      %dma_wait3A_385 = tpu.memref_squeeze %dma_wait3A_384 : memref<1x128xi32, #tpu.memory_space<vmem>> -> memref<128xi32, #tpu.memory_space<vmem>>
      %dma_wait3A_386 = arith.constant 0 : i32
      %dma_wait3A_387 = arith.constant 0 : i32
      %dma_wait3A_388 = tpu.memref_slice %arg3[%dma_wait3A_386, %dma_wait3A_387] : memref<1000000x128xf32, #tpu.memory_space<hbm>> -> memref<1000000x128xf32, #tpu.memory_space<hbm>>
      %dma_wait3A_389 = tpu.memref_slice %arg7[%dma_wait3A_373] : memref<2x!tpu.dma_semaphore, #tpu.memory_space<semaphore_mem>> -> memref<1x!tpu.dma_semaphore, #tpu.memory_space<semaphore_mem>>
      %dma_wait3A_390 = tpu.memref_squeeze %dma_wait3A_389 : memref<1x!tpu.dma_semaphore, #tpu.memory_space<semaphore_mem>> -> memref<!tpu.dma_semaphore, #tpu.memory_space<semaphore_mem>>
      tpu.wait_indirect_dma semaphore(%dma_wait3A_390 : memref<!tpu.dma_semaphore, #tpu.memory_space<semaphore_mem>>) src(%dma_wait3A_388 : memref<1000000x128xf32, #tpu.memory_space<hbm>>) dst(%dma_wait3A_382 : memref<128x128xf32, #tpu.memory_space<vmem>>)
      %add3A_391 = arith.addi %mul3A_17, %add3A_291 : i32
      %add3A_392 = arith.constant 0 : i32
      %add3A_393 = arith.addi %add3A_391, %add3A_392 : i32
      %dma_start3A_394 = arith.constant 1 : i32
      %dma_start3A_395 = arith.constant 0 : i32
      %dma_start3A_396 = arith.constant 1 : i32
      %dma_start3A_397 = arith.constant 0 : i32
      %dma_start3A_398 = arith.constant 0 : i32
      %dma_start3A_399 = arith.constant 0 : i32
      %dma_start3A_400 = tpu.memref_slice %arg6[%dma_start3A_394, %dma_start3A_397, %dma_start3A_398, %dma_start3A_399] : memref<2x2x128x128xf32, #tpu.memory_space<vmem>> -> memref<1x2x128x128xf32, #tpu.memory_space<vmem>>
      %dma_start3A_401 = tpu.memref_squeeze %dma_start3A_400 : memref<1x2x128x128xf32, #tpu.memory_space<vmem>> -> memref<2x128x128xf32, #tpu.memory_space<vmem>>
      %dma_start3A_402 = arith.constant 0 : i32
      %dma_start3A_403 = arith.constant 0 : i32
      %dma_start3A_404 = tpu.memref_slice %dma_start3A_401[%dma_start3A_395, %dma_start3A_402, %dma_start3A_403] : memref<2x128x128xf32, #tpu.memory_space<vmem>> -> memref<1x128x128xf32, #tpu.memory_space<vmem>>
      %dma_start3A_405 = tpu.memref_squeeze %dma_start3A_404 : memref<1x128x128xf32, #tpu.memory_space<vmem>> -> memref<128x128xf32, #tpu.memory_space<vmem>>
      %dma_start3A_406 = arith.constant 0 : i32
      %dma_start3A_407 = tpu.memref_slice %arg4[%add3A_393, %dma_start3A_406] : memref<819200x128xf32, #tpu.memory_space<hbm>> -> memref<128x128xf32, #tpu.memory_space<hbm>>
      %dma_start3A_408 = tpu.memref_slice %arg8[%dma_start3A_396] : memref<2x!tpu.dma_semaphore, #tpu.memory_space<semaphore_mem>> -> memref<1x!tpu.dma_semaphore, #tpu.memory_space<semaphore_mem>>
      %dma_start3A_409 = tpu.memref_squeeze %dma_start3A_408 : memref<1x!tpu.dma_semaphore, #tpu.memory_space<semaphore_mem>> -> memref<!tpu.dma_semaphore, #tpu.memory_space<semaphore_mem>>
      %dma_start3A_410 = arith.constant 0 : i32
      %dma_start3A_411 = tpu.memref_slice %arg4[%add3A_393, %dma_start3A_410] : memref<819200x128xf32, #tpu.memory_space<hbm>> -> memref<128x128xf32, #tpu.memory_space<hbm>>
      %dma_start3A_412 = arith.constant 0 : i32
      %dma_start3A_413 = arith.constant 0 : i32
      %dma_start3A_414 = arith.constant 0 : i32
      %dma_start3A_415 = tpu.memref_slice %arg6[%dma_start3A_394, %dma_start3A_412, %dma_start3A_413, %dma_start3A_414] : memref<2x2x128x128xf32, #tpu.memory_space<vmem>> -> memref<1x2x128x128xf32, #tpu.memory_space<vmem>>
      %dma_start3A_416 = tpu.memref_squeeze %dma_start3A_415 : memref<1x2x128x128xf32, #tpu.memory_space<vmem>> -> memref<2x128x128xf32, #tpu.memory_space<vmem>>
      %dma_start3A_417 = arith.constant 0 : i32
      %dma_start3A_418 = arith.constant 0 : i32
      %dma_start3A_419 = tpu.memref_slice %dma_start3A_416[%dma_start3A_395, %dma_start3A_417, %dma_start3A_418] : memref<2x128x128xf32, #tpu.memory_space<vmem>> -> memref<1x128x128xf32, #tpu.memory_space<vmem>>
      %dma_start3A_420 = tpu.memref_squeeze %dma_start3A_419 : memref<1x128x128xf32, #tpu.memory_space<vmem>> -> memref<128x128xf32, #tpu.memory_space<vmem>>
      tpu.enqueue_dma source(%dma_start3A_420 : memref<128x128xf32, #tpu.memory_space<vmem>>) target(%dma_start3A_411 : memref<128x128xf32, #tpu.memory_space<hbm>>) target_semaphore(%dma_start3A_409 : memref<!tpu.dma_semaphore, #tpu.memory_space<semaphore_mem>>)
      %add3A_421 = arith.addi %mul3A_17, %add3A_291 : i32
      %add3A_422 = arith.constant 128 : i32
      %add3A_423 = arith.addi %add3A_421, %add3A_422 : i32
      %dma_start3A_424 = arith.constant 1 : i32
      %dma_start3A_425 = arith.constant 1 : i32
      %dma_start3A_426 = arith.constant 1 : i32
      %dma_start3A_427 = arith.constant 0 : i32
      %dma_start3A_428 = arith.constant 0 : i32
      %dma_start3A_429 = arith.constant 0 : i32
      %dma_start3A_430 = tpu.memref_slice %arg6[%dma_start3A_424, %dma_start3A_427, %dma_start3A_428, %dma_start3A_429] : memref<2x2x128x128xf32, #tpu.memory_space<vmem>> -> memref<1x2x128x128xf32, #tpu.memory_space<vmem>>
      %dma_start3A_431 = tpu.memref_squeeze %dma_start3A_430 : memref<1x2x128x128xf32, #tpu.memory_space<vmem>> -> memref<2x128x128xf32, #tpu.memory_space<vmem>>
      %dma_start3A_432 = arith.constant 0 : i32
      %dma_start3A_433 = arith.constant 0 : i32
      %dma_start3A_434 = tpu.memref_slice %dma_start3A_431[%dma_start3A_425, %dma_start3A_432, %dma_start3A_433] : memref<2x128x128xf32, #tpu.memory_space<vmem>> -> memref<1x128x128xf32, #tpu.memory_space<vmem>>
      %dma_start3A_435 = tpu.memref_squeeze %dma_start3A_434 : memref<1x128x128xf32, #tpu.memory_space<vmem>> -> memref<128x128xf32, #tpu.memory_space<vmem>>
      %dma_start3A_436 = arith.constant 0 : i32
      %dma_start3A_437 = tpu.memref_slice %arg4[%add3A_423, %dma_start3A_436] : memref<819200x128xf32, #tpu.memory_space<hbm>> -> memref<128x128xf32, #tpu.memory_space<hbm>>
      %dma_start3A_438 = tpu.memref_slice %arg8[%dma_start3A_426] : memref<2x!tpu.dma_semaphore, #tpu.memory_space<semaphore_mem>> -> memref<1x!tpu.dma_semaphore, #tpu.memory_space<semaphore_mem>>
      %dma_start3A_439 = tpu.memref_squeeze %dma_start3A_438 : memref<1x!tpu.dma_semaphore, #tpu.memory_space<semaphore_mem>> -> memref<!tpu.dma_semaphore, #tpu.memory_space<semaphore_mem>>
      %dma_start3A_440 = arith.constant 0 : i32
      %dma_start3A_441 = tpu.memref_slice %arg4[%add3A_423, %dma_start3A_440] : memref<819200x128xf32, #tpu.memory_space<hbm>> -> memref<128x128xf32, #tpu.memory_space<hbm>>
      %dma_start3A_442 = arith.constant 0 : i32
      %dma_start3A_443 = arith.constant 0 : i32
      %dma_start3A_444 = arith.constant 0 : i32
      %dma_start3A_445 = tpu.memref_slice %arg6[%dma_start3A_424, %dma_start3A_442, %dma_start3A_443, %dma_start3A_444] : memref<2x2x128x128xf32, #tpu.memory_space<vmem>> -> memref<1x2x128x128xf32, #tpu.memory_space<vmem>>
      %dma_start3A_446 = tpu.memref_squeeze %dma_start3A_445 : memref<1x2x128x128xf32, #tpu.memory_space<vmem>> -> memref<2x128x128xf32, #tpu.memory_space<vmem>>
      %dma_start3A_447 = arith.constant 0 : i32
      %dma_start3A_448 = arith.constant 0 : i32
      %dma_start3A_449 = tpu.memref_slice %dma_start3A_446[%dma_start3A_425, %dma_start3A_447, %dma_start3A_448] : memref<2x128x128xf32, #tpu.memory_space<vmem>> -> memref<1x128x128xf32, #tpu.memory_space<vmem>>
      %dma_start3A_450 = tpu.memref_squeeze %dma_start3A_449 : memref<1x128x128xf32, #tpu.memory_space<vmem>> -> memref<128x128xf32, #tpu.memory_space<vmem>>
      tpu.enqueue_dma source(%dma_start3A_450 : memref<128x128xf32, #tpu.memory_space<vmem>>) target(%dma_start3A_441 : memref<128x128xf32, #tpu.memory_space<hbm>>) target_semaphore(%dma_start3A_439 : memref<!tpu.dma_semaphore, #tpu.memory_space<semaphore_mem>>)
    }
    %scan3A_22 = arith.constant 50 : i32
    %dma_wait3A = arith.constant 0 : i32
    %dma_wait3A_23 = arith.constant 0 : i32
    %dma_wait3A_24 = arith.constant 0 : i32
    %dma_wait3A_25 = arith.constant 0 : i32
    %dma_wait3A_26 = arith.constant 0 : i32
    %dma_wait3A_27 = arith.constant 0 : i32
    %dma_wait3A_28 = tpu.memref_slice %arg6[%dma_wait3A, %dma_wait3A_25, %dma_wait3A_26, %dma_wait3A_27] : memref<2x2x128x128xf32, #tpu.memory_space<vmem>> -> memref<1x2x128x128xf32, #tpu.memory_space<vmem>>
    %dma_wait3A_29 = tpu.memref_squeeze %dma_wait3A_28 : memref<1x2x128x128xf32, #tpu.memory_space<vmem>> -> memref<2x128x128xf32, #tpu.memory_space<vmem>>
    %dma_wait3A_30 = arith.constant 0 : i32
    %dma_wait3A_31 = arith.constant 0 : i32
    %dma_wait3A_32 = tpu.memref_slice %dma_wait3A_29[%dma_wait3A_23, %dma_wait3A_30, %dma_wait3A_31] : memref<2x128x128xf32, #tpu.memory_space<vmem>> -> memref<1x128x128xf32, #tpu.memory_space<vmem>>
    %dma_wait3A_33 = tpu.memref_squeeze %dma_wait3A_32 : memref<1x128x128xf32, #tpu.memory_space<vmem>> -> memref<128x128xf32, #tpu.memory_space<vmem>>
    %dma_wait3A_34 = arith.constant 0 : i32
    %dma_wait3A_35 = tpu.memref_slice %arg4[%mul3A_17, %dma_wait3A_34] : memref<819200x128xf32, #tpu.memory_space<hbm>> -> memref<128x128xf32, #tpu.memory_space<hbm>>
    %dma_wait3A_36 = tpu.memref_slice %arg8[%dma_wait3A_24] : memref<2x!tpu.dma_semaphore, #tpu.memory_space<semaphore_mem>> -> memref<1x!tpu.dma_semaphore, #tpu.memory_space<semaphore_mem>>
    %dma_wait3A_37 = tpu.memref_squeeze %dma_wait3A_36 : memref<1x!tpu.dma_semaphore, #tpu.memory_space<semaphore_mem>> -> memref<!tpu.dma_semaphore, #tpu.memory_space<semaphore_mem>>
    %dma_wait3A_38 = arith.constant 0 : i32
    %dma_wait3A_39 = tpu.memref_slice %arg4[%mul3A_17, %dma_wait3A_38] : memref<819200x128xf32, #tpu.memory_space<hbm>> -> memref<128x128xf32, #tpu.memory_space<hbm>>
    %dma_wait3A_40 = arith.constant 0 : i32
    %dma_wait3A_41 = arith.constant 0 : i32
    %dma_wait3A_42 = arith.constant 0 : i32
    %dma_wait3A_43 = tpu.memref_slice %arg6[%dma_wait3A, %dma_wait3A_40, %dma_wait3A_41, %dma_wait3A_42] : memref<2x2x128x128xf32, #tpu.memory_space<vmem>> -> memref<1x2x128x128xf32, #tpu.memory_space<vmem>>
    %dma_wait3A_44 = tpu.memref_squeeze %dma_wait3A_43 : memref<1x2x128x128xf32, #tpu.memory_space<vmem>> -> memref<2x128x128xf32, #tpu.memory_space<vmem>>
    %dma_wait3A_45 = arith.constant 0 : i32
    %dma_wait3A_46 = arith.constant 0 : i32
    %dma_wait3A_47 = tpu.memref_slice %dma_wait3A_44[%dma_wait3A_23, %dma_wait3A_45, %dma_wait3A_46] : memref<2x128x128xf32, #tpu.memory_space<vmem>> -> memref<1x128x128xf32, #tpu.memory_space<vmem>>
    %dma_wait3A_48 = tpu.memref_squeeze %dma_wait3A_47 : memref<1x128x128xf32, #tpu.memory_space<vmem>> -> memref<128x128xf32, #tpu.memory_space<vmem>>
    tpu.wait_dma2 semaphore(%dma_wait3A_37 : memref<!tpu.dma_semaphore, #tpu.memory_space<semaphore_mem>>) src(%dma_wait3A_48 : memref<128x128xf32, #tpu.memory_space<vmem>>) dst(%dma_wait3A_39 : memref<128x128xf32, #tpu.memory_space<hbm>>)
    %dma_wait3A_49 = arith.constant 0 : i32
    %dma_wait3A_50 = arith.constant 1 : i32
    %dma_wait3A_51 = arith.constant 0 : i32
    %dma_wait3A_52 = arith.constant 0 : i32
    %dma_wait3A_53 = arith.constant 0 : i32
    %dma_wait3A_54 = arith.constant 0 : i32
    %dma_wait3A_55 = tpu.memref_slice %arg6[%dma_wait3A_49, %dma_wait3A_52, %dma_wait3A_53, %dma_wait3A_54] : memref<2x2x128x128xf32, #tpu.memory_space<vmem>> -> memref<1x2x128x128xf32, #tpu.memory_space<vmem>>
    %dma_wait3A_56 = tpu.memref_squeeze %dma_wait3A_55 : memref<1x2x128x128xf32, #tpu.memory_space<vmem>> -> memref<2x128x128xf32, #tpu.memory_space<vmem>>
    %dma_wait3A_57 = arith.constant 0 : i32
    %dma_wait3A_58 = arith.constant 0 : i32
    %dma_wait3A_59 = tpu.memref_slice %dma_wait3A_56[%dma_wait3A_50, %dma_wait3A_57, %dma_wait3A_58] : memref<2x128x128xf32, #tpu.memory_space<vmem>> -> memref<1x128x128xf32, #tpu.memory_space<vmem>>
    %dma_wait3A_60 = tpu.memref_squeeze %dma_wait3A_59 : memref<1x128x128xf32, #tpu.memory_space<vmem>> -> memref<128x128xf32, #tpu.memory_space<vmem>>
    %dma_wait3A_61 = arith.constant 0 : i32
    %dma_wait3A_62 = tpu.memref_slice %arg4[%mul3A_17, %dma_wait3A_61] : memref<819200x128xf32, #tpu.memory_space<hbm>> -> memref<128x128xf32, #tpu.memory_space<hbm>>
    %dma_wait3A_63 = tpu.memref_slice %arg8[%dma_wait3A_51] : memref<2x!tpu.dma_semaphore, #tpu.memory_space<semaphore_mem>> -> memref<1x!tpu.dma_semaphore, #tpu.memory_space<semaphore_mem>>
    %dma_wait3A_64 = tpu.memref_squeeze %dma_wait3A_63 : memref<1x!tpu.dma_semaphore, #tpu.memory_space<semaphore_mem>> -> memref<!tpu.dma_semaphore, #tpu.memory_space<semaphore_mem>>
    %dma_wait3A_65 = arith.constant 0 : i32
    %dma_wait3A_66 = tpu.memref_slice %arg4[%mul3A_17, %dma_wait3A_65] : memref<819200x128xf32, #tpu.memory_space<hbm>> -> memref<128x128xf32, #tpu.memory_space<hbm>>
    %dma_wait3A_67 = arith.constant 0 : i32
    %dma_wait3A_68 = arith.constant 0 : i32
    %dma_wait3A_69 = arith.constant 0 : i32
    %dma_wait3A_70 = tpu.memref_slice %arg6[%dma_wait3A_49, %dma_wait3A_67, %dma_wait3A_68, %dma_wait3A_69] : memref<2x2x128x128xf32, #tpu.memory_space<vmem>> -> memref<1x2x128x128xf32, #tpu.memory_space<vmem>>
    %dma_wait3A_71 = tpu.memref_squeeze %dma_wait3A_70 : memref<1x2x128x128xf32, #tpu.memory_space<vmem>> -> memref<2x128x128xf32, #tpu.memory_space<vmem>>
    %dma_wait3A_72 = arith.constant 0 : i32
    %dma_wait3A_73 = arith.constant 0 : i32
    %dma_wait3A_74 = tpu.memref_slice %dma_wait3A_71[%dma_wait3A_50, %dma_wait3A_72, %dma_wait3A_73] : memref<2x128x128xf32, #tpu.memory_space<vmem>> -> memref<1x128x128xf32, #tpu.memory_space<vmem>>
    %dma_wait3A_75 = tpu.memref_squeeze %dma_wait3A_74 : memref<1x128x128xf32, #tpu.memory_space<vmem>> -> memref<128x128xf32, #tpu.memory_space<vmem>>
    tpu.wait_dma2 semaphore(%dma_wait3A_64 : memref<!tpu.dma_semaphore, #tpu.memory_space<semaphore_mem>>) src(%dma_wait3A_75 : memref<128x128xf32, #tpu.memory_space<vmem>>) dst(%dma_wait3A_66 : memref<128x128xf32, #tpu.memory_space<hbm>>)
    %dma_wait3A_76 = arith.constant 1 : i32
    %dma_wait3A_77 = arith.constant 0 : i32
    %dma_wait3A_78 = arith.constant 1 : i32
    %dma_wait3A_79 = arith.constant 0 : i32
    %dma_wait3A_80 = arith.constant 0 : i32
    %dma_wait3A_81 = arith.constant 0 : i32
    %dma_wait3A_82 = tpu.memref_slice %arg6[%dma_wait3A_76, %dma_wait3A_79, %dma_wait3A_80, %dma_wait3A_81] : memref<2x2x128x128xf32, #tpu.memory_space<vmem>> -> memref<1x2x128x128xf32, #tpu.memory_space<vmem>>
    %dma_wait3A_83 = tpu.memref_squeeze %dma_wait3A_82 : memref<1x2x128x128xf32, #tpu.memory_space<vmem>> -> memref<2x128x128xf32, #tpu.memory_space<vmem>>
    %dma_wait3A_84 = arith.constant 0 : i32
    %dma_wait3A_85 = arith.constant 0 : i32
    %dma_wait3A_86 = tpu.memref_slice %dma_wait3A_83[%dma_wait3A_77, %dma_wait3A_84, %dma_wait3A_85] : memref<2x128x128xf32, #tpu.memory_space<vmem>> -> memref<1x128x128xf32, #tpu.memory_space<vmem>>
    %dma_wait3A_87 = tpu.memref_squeeze %dma_wait3A_86 : memref<1x128x128xf32, #tpu.memory_space<vmem>> -> memref<128x128xf32, #tpu.memory_space<vmem>>
    %dma_wait3A_88 = arith.constant 0 : i32
    %dma_wait3A_89 = tpu.memref_slice %arg4[%mul3A_17, %dma_wait3A_88] : memref<819200x128xf32, #tpu.memory_space<hbm>> -> memref<128x128xf32, #tpu.memory_space<hbm>>
    %dma_wait3A_90 = tpu.memref_slice %arg8[%dma_wait3A_78] : memref<2x!tpu.dma_semaphore, #tpu.memory_space<semaphore_mem>> -> memref<1x!tpu.dma_semaphore, #tpu.memory_space<semaphore_mem>>
    %dma_wait3A_91 = tpu.memref_squeeze %dma_wait3A_90 : memref<1x!tpu.dma_semaphore, #tpu.memory_space<semaphore_mem>> -> memref<!tpu.dma_semaphore, #tpu.memory_space<semaphore_mem>>
    %dma_wait3A_92 = arith.constant 0 : i32
    %dma_wait3A_93 = tpu.memref_slice %arg4[%mul3A_17, %dma_wait3A_92] : memref<819200x128xf32, #tpu.memory_space<hbm>> -> memref<128x128xf32, #tpu.memory_space<hbm>>
    %dma_wait3A_94 = arith.constant 0 : i32
    %dma_wait3A_95 = arith.constant 0 : i32
    %dma_wait3A_96 = arith.constant 0 : i32
    %dma_wait3A_97 = tpu.memref_slice %arg6[%dma_wait3A_76, %dma_wait3A_94, %dma_wait3A_95, %dma_wait3A_96] : memref<2x2x128x128xf32, #tpu.memory_space<vmem>> -> memref<1x2x128x128xf32, #tpu.memory_space<vmem>>
    %dma_wait3A_98 = tpu.memref_squeeze %dma_wait3A_97 : memref<1x2x128x128xf32, #tpu.memory_space<vmem>> -> memref<2x128x128xf32, #tpu.memory_space<vmem>>
    %dma_wait3A_99 = arith.constant 0 : i32
    %dma_wait3A_100 = arith.constant 0 : i32
    %dma_wait3A_101 = tpu.memref_slice %dma_wait3A_98[%dma_wait3A_77, %dma_wait3A_99, %dma_wait3A_100] : memref<2x128x128xf32, #tpu.memory_space<vmem>> -> memref<1x128x128xf32, #tpu.memory_space<vmem>>
    %dma_wait3A_102 = tpu.memref_squeeze %dma_wait3A_101 : memref<1x128x128xf32, #tpu.memory_space<vmem>> -> memref<128x128xf32, #tpu.memory_space<vmem>>
    tpu.wait_dma2 semaphore(%dma_wait3A_91 : memref<!tpu.dma_semaphore, #tpu.memory_space<semaphore_mem>>) src(%dma_wait3A_102 : memref<128x128xf32, #tpu.memory_space<vmem>>) dst(%dma_wait3A_93 : memref<128x128xf32, #tpu.memory_space<hbm>>)
    %dma_wait3A_103 = arith.constant 1 : i32
    %dma_wait3A_104 = arith.constant 1 : i32
    %dma_wait3A_105 = arith.constant 1 : i32
    %dma_wait3A_106 = arith.constant 0 : i32
    %dma_wait3A_107 = arith.constant 0 : i32
    %dma_wait3A_108 = arith.constant 0 : i32
    %dma_wait3A_109 = tpu.memref_slice %arg6[%dma_wait3A_103, %dma_wait3A_106, %dma_wait3A_107, %dma_wait3A_108] : memref<2x2x128x128xf32, #tpu.memory_space<vmem>> -> memref<1x2x128x128xf32, #tpu.memory_space<vmem>>
    %dma_wait3A_110 = tpu.memref_squeeze %dma_wait3A_109 : memref<1x2x128x128xf32, #tpu.memory_space<vmem>> -> memref<2x128x128xf32, #tpu.memory_space<vmem>>
    %dma_wait3A_111 = arith.constant 0 : i32
    %dma_wait3A_112 = arith.constant 0 : i32
    %dma_wait3A_113 = tpu.memref_slice %dma_wait3A_110[%dma_wait3A_104, %dma_wait3A_111, %dma_wait3A_112] : memref<2x128x128xf32, #tpu.memory_space<vmem>> -> memref<1x128x128xf32, #tpu.memory_space<vmem>>
    %dma_wait3A_114 = tpu.memref_squeeze %dma_wait3A_113 : memref<1x128x128xf32, #tpu.memory_space<vmem>> -> memref<128x128xf32, #tpu.memory_space<vmem>>
    %dma_wait3A_115 = arith.constant 0 : i32
    %dma_wait3A_116 = tpu.memref_slice %arg4[%mul3A_17, %dma_wait3A_115] : memref<819200x128xf32, #tpu.memory_space<hbm>> -> memref<128x128xf32, #tpu.memory_space<hbm>>
    %dma_wait3A_117 = tpu.memref_slice %arg8[%dma_wait3A_105] : memref<2x!tpu.dma_semaphore, #tpu.memory_space<semaphore_mem>> -> memref<1x!tpu.dma_semaphore, #tpu.memory_space<semaphore_mem>>
    %dma_wait3A_118 = tpu.memref_squeeze %dma_wait3A_117 : memref<1x!tpu.dma_semaphore, #tpu.memory_space<semaphore_mem>> -> memref<!tpu.dma_semaphore, #tpu.memory_space<semaphore_mem>>
    %dma_wait3A_119 = arith.constant 0 : i32
    %dma_wait3A_120 = tpu.memref_slice %arg4[%mul3A_17, %dma_wait3A_119] : memref<819200x128xf32, #tpu.memory_space<hbm>> -> memref<128x128xf32, #tpu.memory_space<hbm>>
    %dma_wait3A_121 = arith.constant 0 : i32
    %dma_wait3A_122 = arith.constant 0 : i32
    %dma_wait3A_123 = arith.constant 0 : i32
    %dma_wait3A_124 = tpu.memref_slice %arg6[%dma_wait3A_103, %dma_wait3A_121, %dma_wait3A_122, %dma_wait3A_123] : memref<2x2x128x128xf32, #tpu.memory_space<vmem>> -> memref<1x2x128x128xf32, #tpu.memory_space<vmem>>
    %dma_wait3A_125 = tpu.memref_squeeze %dma_wait3A_124 : memref<1x2x128x128xf32, #tpu.memory_space<vmem>> -> memref<2x128x128xf32, #tpu.memory_space<vmem>>
    %dma_wait3A_126 = arith.constant 0 : i32
    %dma_wait3A_127 = arith.constant 0 : i32
    %dma_wait3A_128 = tpu.memref_slice %dma_wait3A_125[%dma_wait3A_104, %dma_wait3A_126, %dma_wait3A_127] : memref<2x128x128xf32, #tpu.memory_space<vmem>> -> memref<1x128x128xf32, #tpu.memory_space<vmem>>
    %dma_wait3A_129 = tpu.memref_squeeze %dma_wait3A_128 : memref<1x128x128xf32, #tpu.memory_space<vmem>> -> memref<128x128xf32, #tpu.memory_space<vmem>>
    tpu.wait_dma2 semaphore(%dma_wait3A_118 : memref<!tpu.dma_semaphore, #tpu.memory_space<semaphore_mem>>) src(%dma_wait3A_129 : memref<128x128xf32, #tpu.memory_space<vmem>>) dst(%dma_wait3A_120 : memref<128x128xf32, #tpu.memory_space<hbm>>)
    return
  }
}

#map = affine_map<(d0, d1) -> (0, 0)>
module attributes {stable_mosaic.version = 14 : i64} {
  func.func @_sc_gather_body(%arg0: i32, %arg1: i32, %arg2: memref<2048x128xi32, #tpu.memory_space<hbm>>, %arg3: memref<1000000x128xf32, #tpu.memory_space<hbm>>, %arg4: memref<262144x128xf32, #tpu.memory_space<hbm>>, %arg5: memref<80x128xi32, #tpu.memory_space<vmem>>, %arg6: memref<2x2x128x128xf32, #tpu.memory_space<vmem>>, %arg7: memref<2x!tpu.dma_semaphore, #tpu.memory_space<semaphore_mem>>, %arg8: memref<2x!tpu.dma_semaphore, #tpu.memory_space<semaphore_mem>>) attributes {dimension_semantics = [#tpu.dimension_semantics<core_parallel>, #tpu.dimension_semantics<subcore_parallel>], iteration_bounds = array<i64: 2, 16>, scalar_prefetch = 0 : i64, scratch_operands = 4 : i64, tpu.core_type = #tpu.core_type<sc_vector_subcore>, window_params = [{transform_indices = #map}, {transform_indices = #map}, {transform_indices = #map}]} {
    %mul3A = arith.constant 2 : i32
    %mul3A_0 = arith.muli %arg1, %mul3A : i32
    %add3A = arith.addi %mul3A_0, %arg0 : i32
    %mul3A_1 = arith.constant 64 : i32
    %mul3A_2 = arith.muli %add3A, %mul3A_1 : i32
    %add3A_3 = arith.constant 0 : i32
    %add3A_4 = arith.addi %add3A_3, %mul3A_2 : i32
    %jit3A = arith.constant 8 : i32
    %eq3A = arith.constant 0 : i32
    %eq3A_5 = arith.cmpi eq, %jit3A, %eq3A : i32
    %jit3A_6 = arith.constant 1 : i32
    %select_n3A = arith.select %eq3A_5, %jit3A_6, %jit3A : i32
    %rem3A = arith.remsi %add3A_4, %select_n3A : i32
    %ne3A = arith.constant 0 : i32
    %ne3A_7 = arith.cmpi ne, %rem3A, %ne3A : i32
    %lt3A = arith.constant 0 : i32
    %lt3A_8 = arith.cmpi slt, %rem3A, %lt3A : i32
    %lt3A_9 = arith.constant 0 : i32
    %lt3A_10 = arith.cmpi slt, %select_n3A, %lt3A_9 : i32
    %ne3A_11 = arith.xori %lt3A_8, %lt3A_10 : i1
    %and3A = arith.andi %ne3A_11, %ne3A_7 : i1
    %add3A_12 = arith.addi %rem3A, %select_n3A : i32
    %select_n3A_13 = arith.select %and3A, %add3A_12, %rem3A : i32
    %sub3A = arith.subi %add3A_4, %select_n3A_13 : i32
    %min3A = arith.constant 1968 : i32
    %min3A_14 = arith.minsi %sub3A, %min3A : i32
    %multiple_of3A = tpu.assume_multiple %min3A_14, 8 : i32
    %sub3A_15 = arith.subi %add3A_4, %multiple_of3A : i32
    "tpu.region"() ({
      %run_scoped3A = tpu.sem_alloc : memref<!tpu.dma_semaphore, #tpu.memory_space<semaphore_mem>>
      %dma_start3A = arith.constant 0 : i32
      %dma_start3A_130 = arith.constant 0 : i32
      %dma_start3A_131 = tpu.memref_slice %arg5[%dma_start3A, %dma_start3A_130] : memref<80x128xi32, #tpu.memory_space<vmem>> -> memref<80x128xi32, #tpu.memory_space<vmem>>
      %dma_start3A_132 = arith.constant 0 : i32
      %dma_start3A_133 = tpu.memref_slice %arg2[%multiple_of3A, %dma_start3A_132] : memref<2048x128xi32, #tpu.memory_space<hbm>> -> memref<80x128xi32, #tpu.memory_space<hbm>>
      %dma_start3A_134 = arith.constant 0 : i32
      %dma_start3A_135 = arith.constant 0 : i32
      %dma_start3A_136 = tpu.memref_slice %arg5[%dma_start3A_134, %dma_start3A_135] : memref<80x128xi32, #tpu.memory_space<vmem>> -> memref<80x128xi32, #tpu.memory_space<vmem>>
      %dma_start3A_137 = arith.constant 0 : i32
      %dma_start3A_138 = tpu.memref_slice %arg2[%multiple_of3A, %dma_start3A_137] : memref<2048x128xi32, #tpu.memory_space<hbm>> -> memref<80x128xi32, #tpu.memory_space<hbm>>
      tpu.enqueue_dma source(%dma_start3A_138 : memref<80x128xi32, #tpu.memory_space<hbm>>) target(%dma_start3A_136 : memref<80x128xi32, #tpu.memory_space<vmem>>) target_semaphore(%run_scoped3A : memref<!tpu.dma_semaphore, #tpu.memory_space<semaphore_mem>>)
      %dma_wait3A_139 = arith.constant 0 : i32
      %dma_wait3A_140 = arith.constant 0 : i32
      %dma_wait3A_141 = tpu.memref_slice %arg5[%dma_wait3A_139, %dma_wait3A_140] : memref<80x128xi32, #tpu.memory_space<vmem>> -> memref<80x128xi32, #tpu.memory_space<vmem>>
      %dma_wait3A_142 = arith.constant 0 : i32
      %dma_wait3A_143 = tpu.memref_slice %arg2[%multiple_of3A, %dma_wait3A_142] : memref<2048x128xi32, #tpu.memory_space<hbm>> -> memref<80x128xi32, #tpu.memory_space<hbm>>
      %dma_wait3A_144 = arith.constant 0 : i32
      %dma_wait3A_145 = arith.constant 0 : i32
      %dma_wait3A_146 = tpu.memref_slice %arg5[%dma_wait3A_144, %dma_wait3A_145] : memref<80x128xi32, #tpu.memory_space<vmem>> -> memref<80x128xi32, #tpu.memory_space<vmem>>
      %dma_wait3A_147 = arith.constant 0 : i32
      %dma_wait3A_148 = tpu.memref_slice %arg2[%multiple_of3A, %dma_wait3A_147] : memref<2048x128xi32, #tpu.memory_space<hbm>> -> memref<80x128xi32, #tpu.memory_space<hbm>>
      tpu.wait_dma2 semaphore(%run_scoped3A : memref<!tpu.dma_semaphore, #tpu.memory_space<semaphore_mem>>) src(%dma_wait3A_148 : memref<80x128xi32, #tpu.memory_space<hbm>>) dst(%dma_wait3A_146 : memref<80x128xi32, #tpu.memory_space<vmem>>)
      tpu.yield
    }) : () -> ()
    %mul3A_16 = arith.constant 8192 : i32
    %mul3A_17 = arith.muli %add3A, %mul3A_16 : i32
    %scan3A = arith.constant 0 : i32
    %scan3A_18 = arith.constant 0 : i32
    %scan3A_19 = arith.constant 16 : i32
    %scan3A_20 = arith.addi %scan3A_18, %scan3A_19 : i32
    %scan3A_21 = arith.constant 1 : i32
    scf.for %scan3A_130 = %scan3A_18 to %scan3A_20 step %scan3A_21  : i32 {
      %mul3A_131 = arith.constant 512 : i32
      %mul3A_132 = arith.muli %scan3A_130, %mul3A_131 : i32
      %add3A_133 = arith.constant 0 : i32
      %add3A_134 = arith.addi %mul3A_132, %add3A_133 : i32
      %gt3A = arith.constant 0 : i32
      %gt3A_135 = arith.cmpi sgt, %scan3A_130, %gt3A : i32
      %convert_element_type3A = arith.extui %gt3A_135 : i1 to i32
      %cond3A = arith.constant 0 : i32
      %cond3A_136 = arith.cmpi ne, %convert_element_type3A, %cond3A : i32
      scf.if %cond3A_136 {
        %dma_wait3A_451 = arith.constant 0 : i32
        %dma_wait3A_452 = arith.constant 0 : i32
        %dma_wait3A_453 = arith.constant 0 : i32
        %dma_wait3A_454 = arith.constant 0 : i32
        %dma_wait3A_455 = arith.constant 0 : i32
        %dma_wait3A_456 = arith.constant 0 : i32
        %dma_wait3A_457 = tpu.memref_slice %arg6[%dma_wait3A_451, %dma_wait3A_454, %dma_wait3A_455, %dma_wait3A_456] : memref<2x2x128x128xf32, #tpu.memory_space<vmem>> -> memref<1x2x128x128xf32, #tpu.memory_space<vmem>>
        %dma_wait3A_458 = tpu.memref_squeeze %dma_wait3A_457 : memref<1x2x128x128xf32, #tpu.memory_space<vmem>> -> memref<2x128x128xf32, #tpu.memory_space<vmem>>
        %dma_wait3A_459 = arith.constant 0 : i32
        %dma_wait3A_460 = arith.constant 0 : i32
        %dma_wait3A_461 = tpu.memref_slice %dma_wait3A_458[%dma_wait3A_452, %dma_wait3A_459, %dma_wait3A_460] : memref<2x128x128xf32, #tpu.memory_space<vmem>> -> memref<1x128x128xf32, #tpu.memory_space<vmem>>
        %dma_wait3A_462 = tpu.memref_squeeze %dma_wait3A_461 : memref<1x128x128xf32, #tpu.memory_space<vmem>> -> memref<128x128xf32, #tpu.memory_space<vmem>>
        %dma_wait3A_463 = arith.constant 0 : i32
        %dma_wait3A_464 = tpu.memref_slice %arg4[%mul3A_17, %dma_wait3A_463] : memref<262144x128xf32, #tpu.memory_space<hbm>> -> memref<128x128xf32, #tpu.memory_space<hbm>>
        %dma_wait3A_465 = tpu.memref_slice %arg8[%dma_wait3A_453] : memref<2x!tpu.dma_semaphore, #tpu.memory_space<semaphore_mem>> -> memref<1x!tpu.dma_semaphore, #tpu.memory_space<semaphore_mem>>
        %dma_wait3A_466 = tpu.memref_squeeze %dma_wait3A_465 : memref<1x!tpu.dma_semaphore, #tpu.memory_space<semaphore_mem>> -> memref<!tpu.dma_semaphore, #tpu.memory_space<semaphore_mem>>
        %dma_wait3A_467 = arith.constant 0 : i32
        %dma_wait3A_468 = tpu.memref_slice %arg4[%mul3A_17, %dma_wait3A_467] : memref<262144x128xf32, #tpu.memory_space<hbm>> -> memref<128x128xf32, #tpu.memory_space<hbm>>
        %dma_wait3A_469 = arith.constant 0 : i32
        %dma_wait3A_470 = arith.constant 0 : i32
        %dma_wait3A_471 = arith.constant 0 : i32
        %dma_wait3A_472 = tpu.memref_slice %arg6[%dma_wait3A_451, %dma_wait3A_469, %dma_wait3A_470, %dma_wait3A_471] : memref<2x2x128x128xf32, #tpu.memory_space<vmem>> -> memref<1x2x128x128xf32, #tpu.memory_space<vmem>>
        %dma_wait3A_473 = tpu.memref_squeeze %dma_wait3A_472 : memref<1x2x128x128xf32, #tpu.memory_space<vmem>> -> memref<2x128x128xf32, #tpu.memory_space<vmem>>
        %dma_wait3A_474 = arith.constant 0 : i32
        %dma_wait3A_475 = arith.constant 0 : i32
        %dma_wait3A_476 = tpu.memref_slice %dma_wait3A_473[%dma_wait3A_452, %dma_wait3A_474, %dma_wait3A_475] : memref<2x128x128xf32, #tpu.memory_space<vmem>> -> memref<1x128x128xf32, #tpu.memory_space<vmem>>
        %dma_wait3A_477 = tpu.memref_squeeze %dma_wait3A_476 : memref<1x128x128xf32, #tpu.memory_space<vmem>> -> memref<128x128xf32, #tpu.memory_space<vmem>>
        tpu.wait_dma2 semaphore(%dma_wait3A_466 : memref<!tpu.dma_semaphore, #tpu.memory_space<semaphore_mem>>) src(%dma_wait3A_477 : memref<128x128xf32, #tpu.memory_space<vmem>>) dst(%dma_wait3A_468 : memref<128x128xf32, #tpu.memory_space<hbm>>)
        %dma_wait3A_478 = arith.constant 0 : i32
        %dma_wait3A_479 = arith.constant 1 : i32
        %dma_wait3A_480 = arith.constant 0 : i32
        %dma_wait3A_481 = arith.constant 0 : i32
        %dma_wait3A_482 = arith.constant 0 : i32
        %dma_wait3A_483 = arith.constant 0 : i32
        %dma_wait3A_484 = tpu.memref_slice %arg6[%dma_wait3A_478, %dma_wait3A_481, %dma_wait3A_482, %dma_wait3A_483] : memref<2x2x128x128xf32, #tpu.memory_space<vmem>> -> memref<1x2x128x128xf32, #tpu.memory_space<vmem>>
        %dma_wait3A_485 = tpu.memref_squeeze %dma_wait3A_484 : memref<1x2x128x128xf32, #tpu.memory_space<vmem>> -> memref<2x128x128xf32, #tpu.memory_space<vmem>>
        %dma_wait3A_486 = arith.constant 0 : i32
        %dma_wait3A_487 = arith.constant 0 : i32
        %dma_wait3A_488 = tpu.memref_slice %dma_wait3A_485[%dma_wait3A_479, %dma_wait3A_486, %dma_wait3A_487] : memref<2x128x128xf32, #tpu.memory_space<vmem>> -> memref<1x128x128xf32, #tpu.memory_space<vmem>>
        %dma_wait3A_489 = tpu.memref_squeeze %dma_wait3A_488 : memref<1x128x128xf32, #tpu.memory_space<vmem>> -> memref<128x128xf32, #tpu.memory_space<vmem>>
        %dma_wait3A_490 = arith.constant 0 : i32
        %dma_wait3A_491 = tpu.memref_slice %arg4[%mul3A_17, %dma_wait3A_490] : memref<262144x128xf32, #tpu.memory_space<hbm>> -> memref<128x128xf32, #tpu.memory_space<hbm>>
        %dma_wait3A_492 = tpu.memref_slice %arg8[%dma_wait3A_480] : memref<2x!tpu.dma_semaphore, #tpu.memory_space<semaphore_mem>> -> memref<1x!tpu.dma_semaphore, #tpu.memory_space<semaphore_mem>>
        %dma_wait3A_493 = tpu.memref_squeeze %dma_wait3A_492 : memref<1x!tpu.dma_semaphore, #tpu.memory_space<semaphore_mem>> -> memref<!tpu.dma_semaphore, #tpu.memory_space<semaphore_mem>>
        %dma_wait3A_494 = arith.constant 0 : i32
        %dma_wait3A_495 = tpu.memref_slice %arg4[%mul3A_17, %dma_wait3A_494] : memref<262144x128xf32, #tpu.memory_space<hbm>> -> memref<128x128xf32, #tpu.memory_space<hbm>>
        %dma_wait3A_496 = arith.constant 0 : i32
        %dma_wait3A_497 = arith.constant 0 : i32
        %dma_wait3A_498 = arith.constant 0 : i32
        %dma_wait3A_499 = tpu.memref_slice %arg6[%dma_wait3A_478, %dma_wait3A_496, %dma_wait3A_497, %dma_wait3A_498] : memref<2x2x128x128xf32, #tpu.memory_space<vmem>> -> memref<1x2x128x128xf32, #tpu.memory_space<vmem>>
        %dma_wait3A_500 = tpu.memref_squeeze %dma_wait3A_499 : memref<1x2x128x128xf32, #tpu.memory_space<vmem>> -> memref<2x128x128xf32, #tpu.memory_space<vmem>>
        %dma_wait3A_501 = arith.constant 0 : i32
        %dma_wait3A_502 = arith.constant 0 : i32
        %dma_wait3A_503 = tpu.memref_slice %dma_wait3A_500[%dma_wait3A_479, %dma_wait3A_501, %dma_wait3A_502] : memref<2x128x128xf32, #tpu.memory_space<vmem>> -> memref<1x128x128xf32, #tpu.memory_space<vmem>>
        %dma_wait3A_504 = tpu.memref_squeeze %dma_wait3A_503 : memref<1x128x128xf32, #tpu.memory_space<vmem>> -> memref<128x128xf32, #tpu.memory_space<vmem>>
        tpu.wait_dma2 semaphore(%dma_wait3A_493 : memref<!tpu.dma_semaphore, #tpu.memory_space<semaphore_mem>>) src(%dma_wait3A_504 : memref<128x128xf32, #tpu.memory_space<vmem>>) dst(%dma_wait3A_495 : memref<128x128xf32, #tpu.memory_space<hbm>>)
      } else {
      }
      %mul3A_137 = arith.constant 4 : i32
      %mul3A_138 = arith.muli %scan3A_130, %mul3A_137 : i32
      %add3A_139 = arith.addi %sub3A_15, %mul3A_138 : i32
      %add3A_140 = arith.constant 0 : i32
      %add3A_141 = arith.addi %add3A_139, %add3A_140 : i32
      %add3A_142 = arith.constant 0 : i32
      %add3A_143 = arith.addi %add3A_141, %add3A_142 : i32
      %dma_start3A = arith.constant 0 : i32
      %dma_start3A_144 = arith.constant 0 : i32
      %dma_start3A_145 = arith.constant 0 : i32
      %dma_start3A_146 = arith.constant 0 : i32
      %dma_start3A_147 = arith.constant 0 : i32
      %dma_start3A_148 = arith.constant 0 : i32
      %dma_start3A_149 = tpu.memref_slice %arg6[%dma_start3A, %dma_start3A_146, %dma_start3A_147, %dma_start3A_148] : memref<2x2x128x128xf32, #tpu.memory_space<vmem>> -> memref<1x2x128x128xf32, #tpu.memory_space<vmem>>
      %dma_start3A_150 = tpu.memref_squeeze %dma_start3A_149 : memref<1x2x128x128xf32, #tpu.memory_space<vmem>> -> memref<2x128x128xf32, #tpu.memory_space<vmem>>
      %dma_start3A_151 = arith.constant 0 : i32
      %dma_start3A_152 = arith.constant 0 : i32
      %dma_start3A_153 = tpu.memref_slice %dma_start3A_150[%dma_start3A_144, %dma_start3A_151, %dma_start3A_152] : memref<2x128x128xf32, #tpu.memory_space<vmem>> -> memref<1x128x128xf32, #tpu.memory_space<vmem>>
      %dma_start3A_154 = tpu.memref_squeeze %dma_start3A_153 : memref<1x128x128xf32, #tpu.memory_space<vmem>> -> memref<128x128xf32, #tpu.memory_space<vmem>>
      %dma_start3A_155 = arith.constant 0 : i32
      %dma_start3A_156 = tpu.memref_slice %arg5[%add3A_143, %dma_start3A_155] : memref<80x128xi32, #tpu.memory_space<vmem>> -> memref<1x128xi32, #tpu.memory_space<vmem>>
      %dma_start3A_157 = tpu.memref_squeeze %dma_start3A_156 : memref<1x128xi32, #tpu.memory_space<vmem>> -> memref<128xi32, #tpu.memory_space<vmem>>
      %dma_start3A_158 = arith.constant 0 : i32
      %dma_start3A_159 = arith.constant 0 : i32
      %dma_start3A_160 = tpu.memref_slice %arg3[%dma_start3A_158, %dma_start3A_159] : memref<1000000x128xf32, #tpu.memory_space<hbm>> -> memref<1000000x128xf32, #tpu.memory_space<hbm>>
      %dma_start3A_161 = tpu.memref_slice %arg7[%dma_start3A_145] : memref<2x!tpu.dma_semaphore, #tpu.memory_space<semaphore_mem>> -> memref<1x!tpu.dma_semaphore, #tpu.memory_space<semaphore_mem>>
      %dma_start3A_162 = tpu.memref_squeeze %dma_start3A_161 : memref<1x!tpu.dma_semaphore, #tpu.memory_space<semaphore_mem>> -> memref<!tpu.dma_semaphore, #tpu.memory_space<semaphore_mem>>
      tpu.enqueue_indirect_dma source(%dma_start3A_160 : memref<1000000x128xf32, #tpu.memory_space<hbm>>) target(%dma_start3A_154 : memref<128x128xf32, #tpu.memory_space<vmem>>) offsets(%dma_start3A_157 : memref<128xi32, #tpu.memory_space<vmem>>) semaphore(%dma_start3A_162 : memref<!tpu.dma_semaphore, #tpu.memory_space<semaphore_mem>>)
      %mul3A_163 = arith.constant 4 : i32
      %mul3A_164 = arith.muli %scan3A_130, %mul3A_163 : i32
      %add3A_165 = arith.addi %sub3A_15, %mul3A_164 : i32
      %add3A_166 = arith.constant 0 : i32
      %add3A_167 = arith.addi %add3A_165, %add3A_166 : i32
      %add3A_168 = arith.constant 1 : i32
      %add3A_169 = arith.addi %add3A_167, %add3A_168 : i32
      %dma_start3A_170 = arith.constant 0 : i32
      %dma_start3A_171 = arith.constant 1 : i32
      %dma_start3A_172 = arith.constant 0 : i32
      %dma_start3A_173 = arith.constant 0 : i32
      %dma_start3A_174 = arith.constant 0 : i32
      %dma_start3A_175 = arith.constant 0 : i32
      %dma_start3A_176 = tpu.memref_slice %arg6[%dma_start3A_170, %dma_start3A_173, %dma_start3A_174, %dma_start3A_175] : memref<2x2x128x128xf32, #tpu.memory_space<vmem>> -> memref<1x2x128x128xf32, #tpu.memory_space<vmem>>
      %dma_start3A_177 = tpu.memref_squeeze %dma_start3A_176 : memref<1x2x128x128xf32, #tpu.memory_space<vmem>> -> memref<2x128x128xf32, #tpu.memory_space<vmem>>
      %dma_start3A_178 = arith.constant 0 : i32
      %dma_start3A_179 = arith.constant 0 : i32
      %dma_start3A_180 = tpu.memref_slice %dma_start3A_177[%dma_start3A_171, %dma_start3A_178, %dma_start3A_179] : memref<2x128x128xf32, #tpu.memory_space<vmem>> -> memref<1x128x128xf32, #tpu.memory_space<vmem>>
      %dma_start3A_181 = tpu.memref_squeeze %dma_start3A_180 : memref<1x128x128xf32, #tpu.memory_space<vmem>> -> memref<128x128xf32, #tpu.memory_space<vmem>>
      %dma_start3A_182 = arith.constant 0 : i32
      %dma_start3A_183 = tpu.memref_slice %arg5[%add3A_169, %dma_start3A_182] : memref<80x128xi32, #tpu.memory_space<vmem>> -> memref<1x128xi32, #tpu.memory_space<vmem>>
      %dma_start3A_184 = tpu.memref_squeeze %dma_start3A_183 : memref<1x128xi32, #tpu.memory_space<vmem>> -> memref<128xi32, #tpu.memory_space<vmem>>
      %dma_start3A_185 = arith.constant 0 : i32
      %dma_start3A_186 = arith.constant 0 : i32
      %dma_start3A_187 = tpu.memref_slice %arg3[%dma_start3A_185, %dma_start3A_186] : memref<1000000x128xf32, #tpu.memory_space<hbm>> -> memref<1000000x128xf32, #tpu.memory_space<hbm>>
      %dma_start3A_188 = tpu.memref_slice %arg7[%dma_start3A_172] : memref<2x!tpu.dma_semaphore, #tpu.memory_space<semaphore_mem>> -> memref<1x!tpu.dma_semaphore, #tpu.memory_space<semaphore_mem>>
      %dma_start3A_189 = tpu.memref_squeeze %dma_start3A_188 : memref<1x!tpu.dma_semaphore, #tpu.memory_space<semaphore_mem>> -> memref<!tpu.dma_semaphore, #tpu.memory_space<semaphore_mem>>
      tpu.enqueue_indirect_dma source(%dma_start3A_187 : memref<1000000x128xf32, #tpu.memory_space<hbm>>) target(%dma_start3A_181 : memref<128x128xf32, #tpu.memory_space<vmem>>) offsets(%dma_start3A_184 : memref<128xi32, #tpu.memory_space<vmem>>) semaphore(%dma_start3A_189 : memref<!tpu.dma_semaphore, #tpu.memory_space<semaphore_mem>>)
      %dma_wait3A_190 = arith.constant 0 : i32
      %dma_wait3A_191 = arith.constant 0 : i32
      %dma_wait3A_192 = arith.constant 0 : i32
      %dma_wait3A_193 = arith.constant 0 : i32
      %dma_wait3A_194 = arith.constant 0 : i32
      %dma_wait3A_195 = arith.constant 0 : i32
      %dma_wait3A_196 = tpu.memref_slice %arg6[%dma_wait3A_190, %dma_wait3A_193, %dma_wait3A_194, %dma_wait3A_195] : memref<2x2x128x128xf32, #tpu.memory_space<vmem>> -> memref<1x2x128x128xf32, #tpu.memory_space<vmem>>
      %dma_wait3A_197 = tpu.memref_squeeze %dma_wait3A_196 : memref<1x2x128x128xf32, #tpu.memory_space<vmem>> -> memref<2x128x128xf32, #tpu.memory_space<vmem>>
      %dma_wait3A_198 = arith.constant 0 : i32
      %dma_wait3A_199 = arith.constant 0 : i32
      %dma_wait3A_200 = tpu.memref_slice %dma_wait3A_197[%dma_wait3A_191, %dma_wait3A_198, %dma_wait3A_199] : memref<2x128x128xf32, #tpu.memory_space<vmem>> -> memref<1x128x128xf32, #tpu.memory_space<vmem>>
      %dma_wait3A_201 = tpu.memref_squeeze %dma_wait3A_200 : memref<1x128x128xf32, #tpu.memory_space<vmem>> -> memref<128x128xf32, #tpu.memory_space<vmem>>
      %dma_wait3A_202 = arith.constant 0 : i32
      %dma_wait3A_203 = tpu.memref_slice %arg5[%add3A_143, %dma_wait3A_202] : memref<80x128xi32, #tpu.memory_space<vmem>> -> memref<1x128xi32, #tpu.memory_space<vmem>>
      %dma_wait3A_204 = tpu.memref_squeeze %dma_wait3A_203 : memref<1x128xi32, #tpu.memory_space<vmem>> -> memref<128xi32, #tpu.memory_space<vmem>>
      %dma_wait3A_205 = arith.constant 0 : i32
      %dma_wait3A_206 = arith.constant 0 : i32
      %dma_wait3A_207 = tpu.memref_slice %arg3[%dma_wait3A_205, %dma_wait3A_206] : memref<1000000x128xf32, #tpu.memory_space<hbm>> -> memref<1000000x128xf32, #tpu.memory_space<hbm>>
      %dma_wait3A_208 = tpu.memref_slice %arg7[%dma_wait3A_192] : memref<2x!tpu.dma_semaphore, #tpu.memory_space<semaphore_mem>> -> memref<1x!tpu.dma_semaphore, #tpu.memory_space<semaphore_mem>>
      %dma_wait3A_209 = tpu.memref_squeeze %dma_wait3A_208 : memref<1x!tpu.dma_semaphore, #tpu.memory_space<semaphore_mem>> -> memref<!tpu.dma_semaphore, #tpu.memory_space<semaphore_mem>>
      tpu.wait_indirect_dma semaphore(%dma_wait3A_209 : memref<!tpu.dma_semaphore, #tpu.memory_space<semaphore_mem>>) src(%dma_wait3A_207 : memref<1000000x128xf32, #tpu.memory_space<hbm>>) dst(%dma_wait3A_201 : memref<128x128xf32, #tpu.memory_space<vmem>>)
      %dma_wait3A_210 = arith.constant 0 : i32
      %dma_wait3A_211 = arith.constant 1 : i32
      %dma_wait3A_212 = arith.constant 0 : i32
      %dma_wait3A_213 = arith.constant 0 : i32
      %dma_wait3A_214 = arith.constant 0 : i32
      %dma_wait3A_215 = arith.constant 0 : i32
      %dma_wait3A_216 = tpu.memref_slice %arg6[%dma_wait3A_210, %dma_wait3A_213, %dma_wait3A_214, %dma_wait3A_215] : memref<2x2x128x128xf32, #tpu.memory_space<vmem>> -> memref<1x2x128x128xf32, #tpu.memory_space<vmem>>
      %dma_wait3A_217 = tpu.memref_squeeze %dma_wait3A_216 : memref<1x2x128x128xf32, #tpu.memory_space<vmem>> -> memref<2x128x128xf32, #tpu.memory_space<vmem>>
      %dma_wait3A_218 = arith.constant 0 : i32
      %dma_wait3A_219 = arith.constant 0 : i32
      %dma_wait3A_220 = tpu.memref_slice %dma_wait3A_217[%dma_wait3A_211, %dma_wait3A_218, %dma_wait3A_219] : memref<2x128x128xf32, #tpu.memory_space<vmem>> -> memref<1x128x128xf32, #tpu.memory_space<vmem>>
      %dma_wait3A_221 = tpu.memref_squeeze %dma_wait3A_220 : memref<1x128x128xf32, #tpu.memory_space<vmem>> -> memref<128x128xf32, #tpu.memory_space<vmem>>
      %dma_wait3A_222 = arith.constant 0 : i32
      %dma_wait3A_223 = tpu.memref_slice %arg5[%add3A_169, %dma_wait3A_222] : memref<80x128xi32, #tpu.memory_space<vmem>> -> memref<1x128xi32, #tpu.memory_space<vmem>>
      %dma_wait3A_224 = tpu.memref_squeeze %dma_wait3A_223 : memref<1x128xi32, #tpu.memory_space<vmem>> -> memref<128xi32, #tpu.memory_space<vmem>>
      %dma_wait3A_225 = arith.constant 0 : i32
      %dma_wait3A_226 = arith.constant 0 : i32
      %dma_wait3A_227 = tpu.memref_slice %arg3[%dma_wait3A_225, %dma_wait3A_226] : memref<1000000x128xf32, #tpu.memory_space<hbm>> -> memref<1000000x128xf32, #tpu.memory_space<hbm>>
      %dma_wait3A_228 = tpu.memref_slice %arg7[%dma_wait3A_212] : memref<2x!tpu.dma_semaphore, #tpu.memory_space<semaphore_mem>> -> memref<1x!tpu.dma_semaphore, #tpu.memory_space<semaphore_mem>>
      %dma_wait3A_229 = tpu.memref_squeeze %dma_wait3A_228 : memref<1x!tpu.dma_semaphore, #tpu.memory_space<semaphore_mem>> -> memref<!tpu.dma_semaphore, #tpu.memory_space<semaphore_mem>>
      tpu.wait_indirect_dma semaphore(%dma_wait3A_229 : memref<!tpu.dma_semaphore, #tpu.memory_space<semaphore_mem>>) src(%dma_wait3A_227 : memref<1000000x128xf32, #tpu.memory_space<hbm>>) dst(%dma_wait3A_221 : memref<128x128xf32, #tpu.memory_space<vmem>>)
      %add3A_230 = arith.addi %mul3A_17, %add3A_134 : i32
      %add3A_231 = arith.constant 0 : i32
      %add3A_232 = arith.addi %add3A_230, %add3A_231 : i32
      %dma_start3A_233 = arith.constant 0 : i32
      %dma_start3A_234 = arith.constant 0 : i32
      %dma_start3A_235 = arith.constant 0 : i32
      %dma_start3A_236 = arith.constant 0 : i32
      %dma_start3A_237 = arith.constant 0 : i32
      %dma_start3A_238 = arith.constant 0 : i32
      %dma_start3A_239 = tpu.memref_slice %arg6[%dma_start3A_233, %dma_start3A_236, %dma_start3A_237, %dma_start3A_238] : memref<2x2x128x128xf32, #tpu.memory_space<vmem>> -> memref<1x2x128x128xf32, #tpu.memory_space<vmem>>
      %dma_start3A_240 = tpu.memref_squeeze %dma_start3A_239 : memref<1x2x128x128xf32, #tpu.memory_space<vmem>> -> memref<2x128x128xf32, #tpu.memory_space<vmem>>
      %dma_start3A_241 = arith.constant 0 : i32
      %dma_start3A_242 = arith.constant 0 : i32
      %dma_start3A_243 = tpu.memref_slice %dma_start3A_240[%dma_start3A_234, %dma_start3A_241, %dma_start3A_242] : memref<2x128x128xf32, #tpu.memory_space<vmem>> -> memref<1x128x128xf32, #tpu.memory_space<vmem>>
      %dma_start3A_244 = tpu.memref_squeeze %dma_start3A_243 : memref<1x128x128xf32, #tpu.memory_space<vmem>> -> memref<128x128xf32, #tpu.memory_space<vmem>>
      %dma_start3A_245 = arith.constant 0 : i32
      %dma_start3A_246 = tpu.memref_slice %arg4[%add3A_232, %dma_start3A_245] : memref<262144x128xf32, #tpu.memory_space<hbm>> -> memref<128x128xf32, #tpu.memory_space<hbm>>
      %dma_start3A_247 = tpu.memref_slice %arg8[%dma_start3A_235] : memref<2x!tpu.dma_semaphore, #tpu.memory_space<semaphore_mem>> -> memref<1x!tpu.dma_semaphore, #tpu.memory_space<semaphore_mem>>
      %dma_start3A_248 = tpu.memref_squeeze %dma_start3A_247 : memref<1x!tpu.dma_semaphore, #tpu.memory_space<semaphore_mem>> -> memref<!tpu.dma_semaphore, #tpu.memory_space<semaphore_mem>>
      %dma_start3A_249 = arith.constant 0 : i32
      %dma_start3A_250 = tpu.memref_slice %arg4[%add3A_232, %dma_start3A_249] : memref<262144x128xf32, #tpu.memory_space<hbm>> -> memref<128x128xf32, #tpu.memory_space<hbm>>
      %dma_start3A_251 = arith.constant 0 : i32
      %dma_start3A_252 = arith.constant 0 : i32
      %dma_start3A_253 = arith.constant 0 : i32
      %dma_start3A_254 = tpu.memref_slice %arg6[%dma_start3A_233, %dma_start3A_251, %dma_start3A_252, %dma_start3A_253] : memref<2x2x128x128xf32, #tpu.memory_space<vmem>> -> memref<1x2x128x128xf32, #tpu.memory_space<vmem>>
      %dma_start3A_255 = tpu.memref_squeeze %dma_start3A_254 : memref<1x2x128x128xf32, #tpu.memory_space<vmem>> -> memref<2x128x128xf32, #tpu.memory_space<vmem>>
      %dma_start3A_256 = arith.constant 0 : i32
      %dma_start3A_257 = arith.constant 0 : i32
      %dma_start3A_258 = tpu.memref_slice %dma_start3A_255[%dma_start3A_234, %dma_start3A_256, %dma_start3A_257] : memref<2x128x128xf32, #tpu.memory_space<vmem>> -> memref<1x128x128xf32, #tpu.memory_space<vmem>>
      %dma_start3A_259 = tpu.memref_squeeze %dma_start3A_258 : memref<1x128x128xf32, #tpu.memory_space<vmem>> -> memref<128x128xf32, #tpu.memory_space<vmem>>
      tpu.enqueue_dma source(%dma_start3A_259 : memref<128x128xf32, #tpu.memory_space<vmem>>) target(%dma_start3A_250 : memref<128x128xf32, #tpu.memory_space<hbm>>) target_semaphore(%dma_start3A_248 : memref<!tpu.dma_semaphore, #tpu.memory_space<semaphore_mem>>)
      %add3A_260 = arith.addi %mul3A_17, %add3A_134 : i32
      %add3A_261 = arith.constant 128 : i32
      %add3A_262 = arith.addi %add3A_260, %add3A_261 : i32
      %dma_start3A_263 = arith.constant 0 : i32
      %dma_start3A_264 = arith.constant 1 : i32
      %dma_start3A_265 = arith.constant 0 : i32
      %dma_start3A_266 = arith.constant 0 : i32
      %dma_start3A_267 = arith.constant 0 : i32
      %dma_start3A_268 = arith.constant 0 : i32
      %dma_start3A_269 = tpu.memref_slice %arg6[%dma_start3A_263, %dma_start3A_266, %dma_start3A_267, %dma_start3A_268] : memref<2x2x128x128xf32, #tpu.memory_space<vmem>> -> memref<1x2x128x128xf32, #tpu.memory_space<vmem>>
      %dma_start3A_270 = tpu.memref_squeeze %dma_start3A_269 : memref<1x2x128x128xf32, #tpu.memory_space<vmem>> -> memref<2x128x128xf32, #tpu.memory_space<vmem>>
      %dma_start3A_271 = arith.constant 0 : i32
      %dma_start3A_272 = arith.constant 0 : i32
      %dma_start3A_273 = tpu.memref_slice %dma_start3A_270[%dma_start3A_264, %dma_start3A_271, %dma_start3A_272] : memref<2x128x128xf32, #tpu.memory_space<vmem>> -> memref<1x128x128xf32, #tpu.memory_space<vmem>>
      %dma_start3A_274 = tpu.memref_squeeze %dma_start3A_273 : memref<1x128x128xf32, #tpu.memory_space<vmem>> -> memref<128x128xf32, #tpu.memory_space<vmem>>
      %dma_start3A_275 = arith.constant 0 : i32
      %dma_start3A_276 = tpu.memref_slice %arg4[%add3A_262, %dma_start3A_275] : memref<262144x128xf32, #tpu.memory_space<hbm>> -> memref<128x128xf32, #tpu.memory_space<hbm>>
      %dma_start3A_277 = tpu.memref_slice %arg8[%dma_start3A_265] : memref<2x!tpu.dma_semaphore, #tpu.memory_space<semaphore_mem>> -> memref<1x!tpu.dma_semaphore, #tpu.memory_space<semaphore_mem>>
      %dma_start3A_278 = tpu.memref_squeeze %dma_start3A_277 : memref<1x!tpu.dma_semaphore, #tpu.memory_space<semaphore_mem>> -> memref<!tpu.dma_semaphore, #tpu.memory_space<semaphore_mem>>
      %dma_start3A_279 = arith.constant 0 : i32
      %dma_start3A_280 = tpu.memref_slice %arg4[%add3A_262, %dma_start3A_279] : memref<262144x128xf32, #tpu.memory_space<hbm>> -> memref<128x128xf32, #tpu.memory_space<hbm>>
      %dma_start3A_281 = arith.constant 0 : i32
      %dma_start3A_282 = arith.constant 0 : i32
      %dma_start3A_283 = arith.constant 0 : i32
      %dma_start3A_284 = tpu.memref_slice %arg6[%dma_start3A_263, %dma_start3A_281, %dma_start3A_282, %dma_start3A_283] : memref<2x2x128x128xf32, #tpu.memory_space<vmem>> -> memref<1x2x128x128xf32, #tpu.memory_space<vmem>>
      %dma_start3A_285 = tpu.memref_squeeze %dma_start3A_284 : memref<1x2x128x128xf32, #tpu.memory_space<vmem>> -> memref<2x128x128xf32, #tpu.memory_space<vmem>>
      %dma_start3A_286 = arith.constant 0 : i32
      %dma_start3A_287 = arith.constant 0 : i32
      %dma_start3A_288 = tpu.memref_slice %dma_start3A_285[%dma_start3A_264, %dma_start3A_286, %dma_start3A_287] : memref<2x128x128xf32, #tpu.memory_space<vmem>> -> memref<1x128x128xf32, #tpu.memory_space<vmem>>
      %dma_start3A_289 = tpu.memref_squeeze %dma_start3A_288 : memref<1x128x128xf32, #tpu.memory_space<vmem>> -> memref<128x128xf32, #tpu.memory_space<vmem>>
      tpu.enqueue_dma source(%dma_start3A_289 : memref<128x128xf32, #tpu.memory_space<vmem>>) target(%dma_start3A_280 : memref<128x128xf32, #tpu.memory_space<hbm>>) target_semaphore(%dma_start3A_278 : memref<!tpu.dma_semaphore, #tpu.memory_space<semaphore_mem>>)
      %add3A_290 = arith.constant 256 : i32
      %add3A_291 = arith.addi %mul3A_132, %add3A_290 : i32
      %gt3A_292 = arith.constant 0 : i32
      %gt3A_293 = arith.cmpi sgt, %scan3A_130, %gt3A_292 : i32
      %convert_element_type3A_294 = arith.extui %gt3A_293 : i1 to i32
      %cond3A_295 = arith.constant 0 : i32
      %cond3A_296 = arith.cmpi ne, %convert_element_type3A_294, %cond3A_295 : i32
      scf.if %cond3A_296 {
        %dma_wait3A_451 = arith.constant 1 : i32
        %dma_wait3A_452 = arith.constant 0 : i32
        %dma_wait3A_453 = arith.constant 1 : i32
        %dma_wait3A_454 = arith.constant 0 : i32
        %dma_wait3A_455 = arith.constant 0 : i32
        %dma_wait3A_456 = arith.constant 0 : i32
        %dma_wait3A_457 = tpu.memref_slice %arg6[%dma_wait3A_451, %dma_wait3A_454, %dma_wait3A_455, %dma_wait3A_456] : memref<2x2x128x128xf32, #tpu.memory_space<vmem>> -> memref<1x2x128x128xf32, #tpu.memory_space<vmem>>
        %dma_wait3A_458 = tpu.memref_squeeze %dma_wait3A_457 : memref<1x2x128x128xf32, #tpu.memory_space<vmem>> -> memref<2x128x128xf32, #tpu.memory_space<vmem>>
        %dma_wait3A_459 = arith.constant 0 : i32
        %dma_wait3A_460 = arith.constant 0 : i32
        %dma_wait3A_461 = tpu.memref_slice %dma_wait3A_458[%dma_wait3A_452, %dma_wait3A_459, %dma_wait3A_460] : memref<2x128x128xf32, #tpu.memory_space<vmem>> -> memref<1x128x128xf32, #tpu.memory_space<vmem>>
        %dma_wait3A_462 = tpu.memref_squeeze %dma_wait3A_461 : memref<1x128x128xf32, #tpu.memory_space<vmem>> -> memref<128x128xf32, #tpu.memory_space<vmem>>
        %dma_wait3A_463 = arith.constant 0 : i32
        %dma_wait3A_464 = tpu.memref_slice %arg4[%mul3A_17, %dma_wait3A_463] : memref<262144x128xf32, #tpu.memory_space<hbm>> -> memref<128x128xf32, #tpu.memory_space<hbm>>
        %dma_wait3A_465 = tpu.memref_slice %arg8[%dma_wait3A_453] : memref<2x!tpu.dma_semaphore, #tpu.memory_space<semaphore_mem>> -> memref<1x!tpu.dma_semaphore, #tpu.memory_space<semaphore_mem>>
        %dma_wait3A_466 = tpu.memref_squeeze %dma_wait3A_465 : memref<1x!tpu.dma_semaphore, #tpu.memory_space<semaphore_mem>> -> memref<!tpu.dma_semaphore, #tpu.memory_space<semaphore_mem>>
        %dma_wait3A_467 = arith.constant 0 : i32
        %dma_wait3A_468 = tpu.memref_slice %arg4[%mul3A_17, %dma_wait3A_467] : memref<262144x128xf32, #tpu.memory_space<hbm>> -> memref<128x128xf32, #tpu.memory_space<hbm>>
        %dma_wait3A_469 = arith.constant 0 : i32
        %dma_wait3A_470 = arith.constant 0 : i32
        %dma_wait3A_471 = arith.constant 0 : i32
        %dma_wait3A_472 = tpu.memref_slice %arg6[%dma_wait3A_451, %dma_wait3A_469, %dma_wait3A_470, %dma_wait3A_471] : memref<2x2x128x128xf32, #tpu.memory_space<vmem>> -> memref<1x2x128x128xf32, #tpu.memory_space<vmem>>
        %dma_wait3A_473 = tpu.memref_squeeze %dma_wait3A_472 : memref<1x2x128x128xf32, #tpu.memory_space<vmem>> -> memref<2x128x128xf32, #tpu.memory_space<vmem>>
        %dma_wait3A_474 = arith.constant 0 : i32
        %dma_wait3A_475 = arith.constant 0 : i32
        %dma_wait3A_476 = tpu.memref_slice %dma_wait3A_473[%dma_wait3A_452, %dma_wait3A_474, %dma_wait3A_475] : memref<2x128x128xf32, #tpu.memory_space<vmem>> -> memref<1x128x128xf32, #tpu.memory_space<vmem>>
        %dma_wait3A_477 = tpu.memref_squeeze %dma_wait3A_476 : memref<1x128x128xf32, #tpu.memory_space<vmem>> -> memref<128x128xf32, #tpu.memory_space<vmem>>
        tpu.wait_dma2 semaphore(%dma_wait3A_466 : memref<!tpu.dma_semaphore, #tpu.memory_space<semaphore_mem>>) src(%dma_wait3A_477 : memref<128x128xf32, #tpu.memory_space<vmem>>) dst(%dma_wait3A_468 : memref<128x128xf32, #tpu.memory_space<hbm>>)
        %dma_wait3A_478 = arith.constant 1 : i32
        %dma_wait3A_479 = arith.constant 1 : i32
        %dma_wait3A_480 = arith.constant 1 : i32
        %dma_wait3A_481 = arith.constant 0 : i32
        %dma_wait3A_482 = arith.constant 0 : i32
        %dma_wait3A_483 = arith.constant 0 : i32
        %dma_wait3A_484 = tpu.memref_slice %arg6[%dma_wait3A_478, %dma_wait3A_481, %dma_wait3A_482, %dma_wait3A_483] : memref<2x2x128x128xf32, #tpu.memory_space<vmem>> -> memref<1x2x128x128xf32, #tpu.memory_space<vmem>>
        %dma_wait3A_485 = tpu.memref_squeeze %dma_wait3A_484 : memref<1x2x128x128xf32, #tpu.memory_space<vmem>> -> memref<2x128x128xf32, #tpu.memory_space<vmem>>
        %dma_wait3A_486 = arith.constant 0 : i32
        %dma_wait3A_487 = arith.constant 0 : i32
        %dma_wait3A_488 = tpu.memref_slice %dma_wait3A_485[%dma_wait3A_479, %dma_wait3A_486, %dma_wait3A_487] : memref<2x128x128xf32, #tpu.memory_space<vmem>> -> memref<1x128x128xf32, #tpu.memory_space<vmem>>
        %dma_wait3A_489 = tpu.memref_squeeze %dma_wait3A_488 : memref<1x128x128xf32, #tpu.memory_space<vmem>> -> memref<128x128xf32, #tpu.memory_space<vmem>>
        %dma_wait3A_490 = arith.constant 0 : i32
        %dma_wait3A_491 = tpu.memref_slice %arg4[%mul3A_17, %dma_wait3A_490] : memref<262144x128xf32, #tpu.memory_space<hbm>> -> memref<128x128xf32, #tpu.memory_space<hbm>>
        %dma_wait3A_492 = tpu.memref_slice %arg8[%dma_wait3A_480] : memref<2x!tpu.dma_semaphore, #tpu.memory_space<semaphore_mem>> -> memref<1x!tpu.dma_semaphore, #tpu.memory_space<semaphore_mem>>
        %dma_wait3A_493 = tpu.memref_squeeze %dma_wait3A_492 : memref<1x!tpu.dma_semaphore, #tpu.memory_space<semaphore_mem>> -> memref<!tpu.dma_semaphore, #tpu.memory_space<semaphore_mem>>
        %dma_wait3A_494 = arith.constant 0 : i32
        %dma_wait3A_495 = tpu.memref_slice %arg4[%mul3A_17, %dma_wait3A_494] : memref<262144x128xf32, #tpu.memory_space<hbm>> -> memref<128x128xf32, #tpu.memory_space<hbm>>
        %dma_wait3A_496 = arith.constant 0 : i32
        %dma_wait3A_497 = arith.constant 0 : i32
        %dma_wait3A_498 = arith.constant 0 : i32
        %dma_wait3A_499 = tpu.memref_slice %arg6[%dma_wait3A_478, %dma_wait3A_496, %dma_wait3A_497, %dma_wait3A_498] : memref<2x2x128x128xf32, #tpu.memory_space<vmem>> -> memref<1x2x128x128xf32, #tpu.memory_space<vmem>>
        %dma_wait3A_500 = tpu.memref_squeeze %dma_wait3A_499 : memref<1x2x128x128xf32, #tpu.memory_space<vmem>> -> memref<2x128x128xf32, #tpu.memory_space<vmem>>
        %dma_wait3A_501 = arith.constant 0 : i32
        %dma_wait3A_502 = arith.constant 0 : i32
        %dma_wait3A_503 = tpu.memref_slice %dma_wait3A_500[%dma_wait3A_479, %dma_wait3A_501, %dma_wait3A_502] : memref<2x128x128xf32, #tpu.memory_space<vmem>> -> memref<1x128x128xf32, #tpu.memory_space<vmem>>
        %dma_wait3A_504 = tpu.memref_squeeze %dma_wait3A_503 : memref<1x128x128xf32, #tpu.memory_space<vmem>> -> memref<128x128xf32, #tpu.memory_space<vmem>>
        tpu.wait_dma2 semaphore(%dma_wait3A_493 : memref<!tpu.dma_semaphore, #tpu.memory_space<semaphore_mem>>) src(%dma_wait3A_504 : memref<128x128xf32, #tpu.memory_space<vmem>>) dst(%dma_wait3A_495 : memref<128x128xf32, #tpu.memory_space<hbm>>)
      } else {
      }
      %mul3A_297 = arith.constant 4 : i32
      %mul3A_298 = arith.muli %scan3A_130, %mul3A_297 : i32
      %add3A_299 = arith.addi %sub3A_15, %mul3A_298 : i32
      %add3A_300 = arith.constant 2 : i32
      %add3A_301 = arith.addi %add3A_299, %add3A_300 : i32
      %add3A_302 = arith.constant 0 : i32
      %add3A_303 = arith.addi %add3A_301, %add3A_302 : i32
      %dma_start3A_304 = arith.constant 1 : i32
      %dma_start3A_305 = arith.constant 0 : i32
      %dma_start3A_306 = arith.constant 1 : i32
      %dma_start3A_307 = arith.constant 0 : i32
      %dma_start3A_308 = arith.constant 0 : i32
      %dma_start3A_309 = arith.constant 0 : i32
      %dma_start3A_310 = tpu.memref_slice %arg6[%dma_start3A_304, %dma_start3A_307, %dma_start3A_308, %dma_start3A_309] : memref<2x2x128x128xf32, #tpu.memory_space<vmem>> -> memref<1x2x128x128xf32, #tpu.memory_space<vmem>>
      %dma_start3A_311 = tpu.memref_squeeze %dma_start3A_310 : memref<1x2x128x128xf32, #tpu.memory_space<vmem>> -> memref<2x128x128xf32, #tpu.memory_space<vmem>>
      %dma_start3A_312 = arith.constant 0 : i32
      %dma_start3A_313 = arith.constant 0 : i32
      %dma_start3A_314 = tpu.memref_slice %dma_start3A_311[%dma_start3A_305, %dma_start3A_312, %dma_start3A_313] : memref<2x128x128xf32, #tpu.memory_space<vmem>> -> memref<1x128x128xf32, #tpu.memory_space<vmem>>
      %dma_start3A_315 = tpu.memref_squeeze %dma_start3A_314 : memref<1x128x128xf32, #tpu.memory_space<vmem>> -> memref<128x128xf32, #tpu.memory_space<vmem>>
      %dma_start3A_316 = arith.constant 0 : i32
      %dma_start3A_317 = tpu.memref_slice %arg5[%add3A_303, %dma_start3A_316] : memref<80x128xi32, #tpu.memory_space<vmem>> -> memref<1x128xi32, #tpu.memory_space<vmem>>
      %dma_start3A_318 = tpu.memref_squeeze %dma_start3A_317 : memref<1x128xi32, #tpu.memory_space<vmem>> -> memref<128xi32, #tpu.memory_space<vmem>>
      %dma_start3A_319 = arith.constant 0 : i32
      %dma_start3A_320 = arith.constant 0 : i32
      %dma_start3A_321 = tpu.memref_slice %arg3[%dma_start3A_319, %dma_start3A_320] : memref<1000000x128xf32, #tpu.memory_space<hbm>> -> memref<1000000x128xf32, #tpu.memory_space<hbm>>
      %dma_start3A_322 = tpu.memref_slice %arg7[%dma_start3A_306] : memref<2x!tpu.dma_semaphore, #tpu.memory_space<semaphore_mem>> -> memref<1x!tpu.dma_semaphore, #tpu.memory_space<semaphore_mem>>
      %dma_start3A_323 = tpu.memref_squeeze %dma_start3A_322 : memref<1x!tpu.dma_semaphore, #tpu.memory_space<semaphore_mem>> -> memref<!tpu.dma_semaphore, #tpu.memory_space<semaphore_mem>>
      tpu.enqueue_indirect_dma source(%dma_start3A_321 : memref<1000000x128xf32, #tpu.memory_space<hbm>>) target(%dma_start3A_315 : memref<128x128xf32, #tpu.memory_space<vmem>>) offsets(%dma_start3A_318 : memref<128xi32, #tpu.memory_space<vmem>>) semaphore(%dma_start3A_323 : memref<!tpu.dma_semaphore, #tpu.memory_space<semaphore_mem>>)
      %mul3A_324 = arith.constant 4 : i32
      %mul3A_325 = arith.muli %scan3A_130, %mul3A_324 : i32
      %add3A_326 = arith.addi %sub3A_15, %mul3A_325 : i32
      %add3A_327 = arith.constant 2 : i32
      %add3A_328 = arith.addi %add3A_326, %add3A_327 : i32
      %add3A_329 = arith.constant 1 : i32
      %add3A_330 = arith.addi %add3A_328, %add3A_329 : i32
      %dma_start3A_331 = arith.constant 1 : i32
      %dma_start3A_332 = arith.constant 1 : i32
      %dma_start3A_333 = arith.constant 1 : i32
      %dma_start3A_334 = arith.constant 0 : i32
      %dma_start3A_335 = arith.constant 0 : i32
      %dma_start3A_336 = arith.constant 0 : i32
      %dma_start3A_337 = tpu.memref_slice %arg6[%dma_start3A_331, %dma_start3A_334, %dma_start3A_335, %dma_start3A_336] : memref<2x2x128x128xf32, #tpu.memory_space<vmem>> -> memref<1x2x128x128xf32, #tpu.memory_space<vmem>>
      %dma_start3A_338 = tpu.memref_squeeze %dma_start3A_337 : memref<1x2x128x128xf32, #tpu.memory_space<vmem>> -> memref<2x128x128xf32, #tpu.memory_space<vmem>>
      %dma_start3A_339 = arith.constant 0 : i32
      %dma_start3A_340 = arith.constant 0 : i32
      %dma_start3A_341 = tpu.memref_slice %dma_start3A_338[%dma_start3A_332, %dma_start3A_339, %dma_start3A_340] : memref<2x128x128xf32, #tpu.memory_space<vmem>> -> memref<1x128x128xf32, #tpu.memory_space<vmem>>
      %dma_start3A_342 = tpu.memref_squeeze %dma_start3A_341 : memref<1x128x128xf32, #tpu.memory_space<vmem>> -> memref<128x128xf32, #tpu.memory_space<vmem>>
      %dma_start3A_343 = arith.constant 0 : i32
      %dma_start3A_344 = tpu.memref_slice %arg5[%add3A_330, %dma_start3A_343] : memref<80x128xi32, #tpu.memory_space<vmem>> -> memref<1x128xi32, #tpu.memory_space<vmem>>
      %dma_start3A_345 = tpu.memref_squeeze %dma_start3A_344 : memref<1x128xi32, #tpu.memory_space<vmem>> -> memref<128xi32, #tpu.memory_space<vmem>>
      %dma_start3A_346 = arith.constant 0 : i32
      %dma_start3A_347 = arith.constant 0 : i32
      %dma_start3A_348 = tpu.memref_slice %arg3[%dma_start3A_346, %dma_start3A_347] : memref<1000000x128xf32, #tpu.memory_space<hbm>> -> memref<1000000x128xf32, #tpu.memory_space<hbm>>
      %dma_start3A_349 = tpu.memref_slice %arg7[%dma_start3A_333] : memref<2x!tpu.dma_semaphore, #tpu.memory_space<semaphore_mem>> -> memref<1x!tpu.dma_semaphore, #tpu.memory_space<semaphore_mem>>
      %dma_start3A_350 = tpu.memref_squeeze %dma_start3A_349 : memref<1x!tpu.dma_semaphore, #tpu.memory_space<semaphore_mem>> -> memref<!tpu.dma_semaphore, #tpu.memory_space<semaphore_mem>>
      tpu.enqueue_indirect_dma source(%dma_start3A_348 : memref<1000000x128xf32, #tpu.memory_space<hbm>>) target(%dma_start3A_342 : memref<128x128xf32, #tpu.memory_space<vmem>>) offsets(%dma_start3A_345 : memref<128xi32, #tpu.memory_space<vmem>>) semaphore(%dma_start3A_350 : memref<!tpu.dma_semaphore, #tpu.memory_space<semaphore_mem>>)
      %dma_wait3A_351 = arith.constant 1 : i32
      %dma_wait3A_352 = arith.constant 0 : i32
      %dma_wait3A_353 = arith.constant 1 : i32
      %dma_wait3A_354 = arith.constant 0 : i32
      %dma_wait3A_355 = arith.constant 0 : i32
      %dma_wait3A_356 = arith.constant 0 : i32
      %dma_wait3A_357 = tpu.memref_slice %arg6[%dma_wait3A_351, %dma_wait3A_354, %dma_wait3A_355, %dma_wait3A_356] : memref<2x2x128x128xf32, #tpu.memory_space<vmem>> -> memref<1x2x128x128xf32, #tpu.memory_space<vmem>>
      %dma_wait3A_358 = tpu.memref_squeeze %dma_wait3A_357 : memref<1x2x128x128xf32, #tpu.memory_space<vmem>> -> memref<2x128x128xf32, #tpu.memory_space<vmem>>
      %dma_wait3A_359 = arith.constant 0 : i32
      %dma_wait3A_360 = arith.constant 0 : i32
      %dma_wait3A_361 = tpu.memref_slice %dma_wait3A_358[%dma_wait3A_352, %dma_wait3A_359, %dma_wait3A_360] : memref<2x128x128xf32, #tpu.memory_space<vmem>> -> memref<1x128x128xf32, #tpu.memory_space<vmem>>
      %dma_wait3A_362 = tpu.memref_squeeze %dma_wait3A_361 : memref<1x128x128xf32, #tpu.memory_space<vmem>> -> memref<128x128xf32, #tpu.memory_space<vmem>>
      %dma_wait3A_363 = arith.constant 0 : i32
      %dma_wait3A_364 = tpu.memref_slice %arg5[%add3A_303, %dma_wait3A_363] : memref<80x128xi32, #tpu.memory_space<vmem>> -> memref<1x128xi32, #tpu.memory_space<vmem>>
      %dma_wait3A_365 = tpu.memref_squeeze %dma_wait3A_364 : memref<1x128xi32, #tpu.memory_space<vmem>> -> memref<128xi32, #tpu.memory_space<vmem>>
      %dma_wait3A_366 = arith.constant 0 : i32
      %dma_wait3A_367 = arith.constant 0 : i32
      %dma_wait3A_368 = tpu.memref_slice %arg3[%dma_wait3A_366, %dma_wait3A_367] : memref<1000000x128xf32, #tpu.memory_space<hbm>> -> memref<1000000x128xf32, #tpu.memory_space<hbm>>
      %dma_wait3A_369 = tpu.memref_slice %arg7[%dma_wait3A_353] : memref<2x!tpu.dma_semaphore, #tpu.memory_space<semaphore_mem>> -> memref<1x!tpu.dma_semaphore, #tpu.memory_space<semaphore_mem>>
      %dma_wait3A_370 = tpu.memref_squeeze %dma_wait3A_369 : memref<1x!tpu.dma_semaphore, #tpu.memory_space<semaphore_mem>> -> memref<!tpu.dma_semaphore, #tpu.memory_space<semaphore_mem>>
      tpu.wait_indirect_dma semaphore(%dma_wait3A_370 : memref<!tpu.dma_semaphore, #tpu.memory_space<semaphore_mem>>) src(%dma_wait3A_368 : memref<1000000x128xf32, #tpu.memory_space<hbm>>) dst(%dma_wait3A_362 : memref<128x128xf32, #tpu.memory_space<vmem>>)
      %dma_wait3A_371 = arith.constant 1 : i32
      %dma_wait3A_372 = arith.constant 1 : i32
      %dma_wait3A_373 = arith.constant 1 : i32
      %dma_wait3A_374 = arith.constant 0 : i32
      %dma_wait3A_375 = arith.constant 0 : i32
      %dma_wait3A_376 = arith.constant 0 : i32
      %dma_wait3A_377 = tpu.memref_slice %arg6[%dma_wait3A_371, %dma_wait3A_374, %dma_wait3A_375, %dma_wait3A_376] : memref<2x2x128x128xf32, #tpu.memory_space<vmem>> -> memref<1x2x128x128xf32, #tpu.memory_space<vmem>>
      %dma_wait3A_378 = tpu.memref_squeeze %dma_wait3A_377 : memref<1x2x128x128xf32, #tpu.memory_space<vmem>> -> memref<2x128x128xf32, #tpu.memory_space<vmem>>
      %dma_wait3A_379 = arith.constant 0 : i32
      %dma_wait3A_380 = arith.constant 0 : i32
      %dma_wait3A_381 = tpu.memref_slice %dma_wait3A_378[%dma_wait3A_372, %dma_wait3A_379, %dma_wait3A_380] : memref<2x128x128xf32, #tpu.memory_space<vmem>> -> memref<1x128x128xf32, #tpu.memory_space<vmem>>
      %dma_wait3A_382 = tpu.memref_squeeze %dma_wait3A_381 : memref<1x128x128xf32, #tpu.memory_space<vmem>> -> memref<128x128xf32, #tpu.memory_space<vmem>>
      %dma_wait3A_383 = arith.constant 0 : i32
      %dma_wait3A_384 = tpu.memref_slice %arg5[%add3A_330, %dma_wait3A_383] : memref<80x128xi32, #tpu.memory_space<vmem>> -> memref<1x128xi32, #tpu.memory_space<vmem>>
      %dma_wait3A_385 = tpu.memref_squeeze %dma_wait3A_384 : memref<1x128xi32, #tpu.memory_space<vmem>> -> memref<128xi32, #tpu.memory_space<vmem>>
      %dma_wait3A_386 = arith.constant 0 : i32
      %dma_wait3A_387 = arith.constant 0 : i32
      %dma_wait3A_388 = tpu.memref_slice %arg3[%dma_wait3A_386, %dma_wait3A_387] : memref<1000000x128xf32, #tpu.memory_space<hbm>> -> memref<1000000x128xf32, #tpu.memory_space<hbm>>
      %dma_wait3A_389 = tpu.memref_slice %arg7[%dma_wait3A_373] : memref<2x!tpu.dma_semaphore, #tpu.memory_space<semaphore_mem>> -> memref<1x!tpu.dma_semaphore, #tpu.memory_space<semaphore_mem>>
      %dma_wait3A_390 = tpu.memref_squeeze %dma_wait3A_389 : memref<1x!tpu.dma_semaphore, #tpu.memory_space<semaphore_mem>> -> memref<!tpu.dma_semaphore, #tpu.memory_space<semaphore_mem>>
      tpu.wait_indirect_dma semaphore(%dma_wait3A_390 : memref<!tpu.dma_semaphore, #tpu.memory_space<semaphore_mem>>) src(%dma_wait3A_388 : memref<1000000x128xf32, #tpu.memory_space<hbm>>) dst(%dma_wait3A_382 : memref<128x128xf32, #tpu.memory_space<vmem>>)
      %add3A_391 = arith.addi %mul3A_17, %add3A_291 : i32
      %add3A_392 = arith.constant 0 : i32
      %add3A_393 = arith.addi %add3A_391, %add3A_392 : i32
      %dma_start3A_394 = arith.constant 1 : i32
      %dma_start3A_395 = arith.constant 0 : i32
      %dma_start3A_396 = arith.constant 1 : i32
      %dma_start3A_397 = arith.constant 0 : i32
      %dma_start3A_398 = arith.constant 0 : i32
      %dma_start3A_399 = arith.constant 0 : i32
      %dma_start3A_400 = tpu.memref_slice %arg6[%dma_start3A_394, %dma_start3A_397, %dma_start3A_398, %dma_start3A_399] : memref<2x2x128x128xf32, #tpu.memory_space<vmem>> -> memref<1x2x128x128xf32, #tpu.memory_space<vmem>>
      %dma_start3A_401 = tpu.memref_squeeze %dma_start3A_400 : memref<1x2x128x128xf32, #tpu.memory_space<vmem>> -> memref<2x128x128xf32, #tpu.memory_space<vmem>>
      %dma_start3A_402 = arith.constant 0 : i32
      %dma_start3A_403 = arith.constant 0 : i32
      %dma_start3A_404 = tpu.memref_slice %dma_start3A_401[%dma_start3A_395, %dma_start3A_402, %dma_start3A_403] : memref<2x128x128xf32, #tpu.memory_space<vmem>> -> memref<1x128x128xf32, #tpu.memory_space<vmem>>
      %dma_start3A_405 = tpu.memref_squeeze %dma_start3A_404 : memref<1x128x128xf32, #tpu.memory_space<vmem>> -> memref<128x128xf32, #tpu.memory_space<vmem>>
      %dma_start3A_406 = arith.constant 0 : i32
      %dma_start3A_407 = tpu.memref_slice %arg4[%add3A_393, %dma_start3A_406] : memref<262144x128xf32, #tpu.memory_space<hbm>> -> memref<128x128xf32, #tpu.memory_space<hbm>>
      %dma_start3A_408 = tpu.memref_slice %arg8[%dma_start3A_396] : memref<2x!tpu.dma_semaphore, #tpu.memory_space<semaphore_mem>> -> memref<1x!tpu.dma_semaphore, #tpu.memory_space<semaphore_mem>>
      %dma_start3A_409 = tpu.memref_squeeze %dma_start3A_408 : memref<1x!tpu.dma_semaphore, #tpu.memory_space<semaphore_mem>> -> memref<!tpu.dma_semaphore, #tpu.memory_space<semaphore_mem>>
      %dma_start3A_410 = arith.constant 0 : i32
      %dma_start3A_411 = tpu.memref_slice %arg4[%add3A_393, %dma_start3A_410] : memref<262144x128xf32, #tpu.memory_space<hbm>> -> memref<128x128xf32, #tpu.memory_space<hbm>>
      %dma_start3A_412 = arith.constant 0 : i32
      %dma_start3A_413 = arith.constant 0 : i32
      %dma_start3A_414 = arith.constant 0 : i32
      %dma_start3A_415 = tpu.memref_slice %arg6[%dma_start3A_394, %dma_start3A_412, %dma_start3A_413, %dma_start3A_414] : memref<2x2x128x128xf32, #tpu.memory_space<vmem>> -> memref<1x2x128x128xf32, #tpu.memory_space<vmem>>
      %dma_start3A_416 = tpu.memref_squeeze %dma_start3A_415 : memref<1x2x128x128xf32, #tpu.memory_space<vmem>> -> memref<2x128x128xf32, #tpu.memory_space<vmem>>
      %dma_start3A_417 = arith.constant 0 : i32
      %dma_start3A_418 = arith.constant 0 : i32
      %dma_start3A_419 = tpu.memref_slice %dma_start3A_416[%dma_start3A_395, %dma_start3A_417, %dma_start3A_418] : memref<2x128x128xf32, #tpu.memory_space<vmem>> -> memref<1x128x128xf32, #tpu.memory_space<vmem>>
      %dma_start3A_420 = tpu.memref_squeeze %dma_start3A_419 : memref<1x128x128xf32, #tpu.memory_space<vmem>> -> memref<128x128xf32, #tpu.memory_space<vmem>>
      tpu.enqueue_dma source(%dma_start3A_420 : memref<128x128xf32, #tpu.memory_space<vmem>>) target(%dma_start3A_411 : memref<128x128xf32, #tpu.memory_space<hbm>>) target_semaphore(%dma_start3A_409 : memref<!tpu.dma_semaphore, #tpu.memory_space<semaphore_mem>>)
      %add3A_421 = arith.addi %mul3A_17, %add3A_291 : i32
      %add3A_422 = arith.constant 128 : i32
      %add3A_423 = arith.addi %add3A_421, %add3A_422 : i32
      %dma_start3A_424 = arith.constant 1 : i32
      %dma_start3A_425 = arith.constant 1 : i32
      %dma_start3A_426 = arith.constant 1 : i32
      %dma_start3A_427 = arith.constant 0 : i32
      %dma_start3A_428 = arith.constant 0 : i32
      %dma_start3A_429 = arith.constant 0 : i32
      %dma_start3A_430 = tpu.memref_slice %arg6[%dma_start3A_424, %dma_start3A_427, %dma_start3A_428, %dma_start3A_429] : memref<2x2x128x128xf32, #tpu.memory_space<vmem>> -> memref<1x2x128x128xf32, #tpu.memory_space<vmem>>
      %dma_start3A_431 = tpu.memref_squeeze %dma_start3A_430 : memref<1x2x128x128xf32, #tpu.memory_space<vmem>> -> memref<2x128x128xf32, #tpu.memory_space<vmem>>
      %dma_start3A_432 = arith.constant 0 : i32
      %dma_start3A_433 = arith.constant 0 : i32
      %dma_start3A_434 = tpu.memref_slice %dma_start3A_431[%dma_start3A_425, %dma_start3A_432, %dma_start3A_433] : memref<2x128x128xf32, #tpu.memory_space<vmem>> -> memref<1x128x128xf32, #tpu.memory_space<vmem>>
      %dma_start3A_435 = tpu.memref_squeeze %dma_start3A_434 : memref<1x128x128xf32, #tpu.memory_space<vmem>> -> memref<128x128xf32, #tpu.memory_space<vmem>>
      %dma_start3A_436 = arith.constant 0 : i32
      %dma_start3A_437 = tpu.memref_slice %arg4[%add3A_423, %dma_start3A_436] : memref<262144x128xf32, #tpu.memory_space<hbm>> -> memref<128x128xf32, #tpu.memory_space<hbm>>
      %dma_start3A_438 = tpu.memref_slice %arg8[%dma_start3A_426] : memref<2x!tpu.dma_semaphore, #tpu.memory_space<semaphore_mem>> -> memref<1x!tpu.dma_semaphore, #tpu.memory_space<semaphore_mem>>
      %dma_start3A_439 = tpu.memref_squeeze %dma_start3A_438 : memref<1x!tpu.dma_semaphore, #tpu.memory_space<semaphore_mem>> -> memref<!tpu.dma_semaphore, #tpu.memory_space<semaphore_mem>>
      %dma_start3A_440 = arith.constant 0 : i32
      %dma_start3A_441 = tpu.memref_slice %arg4[%add3A_423, %dma_start3A_440] : memref<262144x128xf32, #tpu.memory_space<hbm>> -> memref<128x128xf32, #tpu.memory_space<hbm>>
      %dma_start3A_442 = arith.constant 0 : i32
      %dma_start3A_443 = arith.constant 0 : i32
      %dma_start3A_444 = arith.constant 0 : i32
      %dma_start3A_445 = tpu.memref_slice %arg6[%dma_start3A_424, %dma_start3A_442, %dma_start3A_443, %dma_start3A_444] : memref<2x2x128x128xf32, #tpu.memory_space<vmem>> -> memref<1x2x128x128xf32, #tpu.memory_space<vmem>>
      %dma_start3A_446 = tpu.memref_squeeze %dma_start3A_445 : memref<1x2x128x128xf32, #tpu.memory_space<vmem>> -> memref<2x128x128xf32, #tpu.memory_space<vmem>>
      %dma_start3A_447 = arith.constant 0 : i32
      %dma_start3A_448 = arith.constant 0 : i32
      %dma_start3A_449 = tpu.memref_slice %dma_start3A_446[%dma_start3A_425, %dma_start3A_447, %dma_start3A_448] : memref<2x128x128xf32, #tpu.memory_space<vmem>> -> memref<1x128x128xf32, #tpu.memory_space<vmem>>
      %dma_start3A_450 = tpu.memref_squeeze %dma_start3A_449 : memref<1x128x128xf32, #tpu.memory_space<vmem>> -> memref<128x128xf32, #tpu.memory_space<vmem>>
      tpu.enqueue_dma source(%dma_start3A_450 : memref<128x128xf32, #tpu.memory_space<vmem>>) target(%dma_start3A_441 : memref<128x128xf32, #tpu.memory_space<hbm>>) target_semaphore(%dma_start3A_439 : memref<!tpu.dma_semaphore, #tpu.memory_space<semaphore_mem>>)
    }
    %scan3A_22 = arith.constant 16 : i32
    %dma_wait3A = arith.constant 0 : i32
    %dma_wait3A_23 = arith.constant 0 : i32
    %dma_wait3A_24 = arith.constant 0 : i32
    %dma_wait3A_25 = arith.constant 0 : i32
    %dma_wait3A_26 = arith.constant 0 : i32
    %dma_wait3A_27 = arith.constant 0 : i32
    %dma_wait3A_28 = tpu.memref_slice %arg6[%dma_wait3A, %dma_wait3A_25, %dma_wait3A_26, %dma_wait3A_27] : memref<2x2x128x128xf32, #tpu.memory_space<vmem>> -> memref<1x2x128x128xf32, #tpu.memory_space<vmem>>
    %dma_wait3A_29 = tpu.memref_squeeze %dma_wait3A_28 : memref<1x2x128x128xf32, #tpu.memory_space<vmem>> -> memref<2x128x128xf32, #tpu.memory_space<vmem>>
    %dma_wait3A_30 = arith.constant 0 : i32
    %dma_wait3A_31 = arith.constant 0 : i32
    %dma_wait3A_32 = tpu.memref_slice %dma_wait3A_29[%dma_wait3A_23, %dma_wait3A_30, %dma_wait3A_31] : memref<2x128x128xf32, #tpu.memory_space<vmem>> -> memref<1x128x128xf32, #tpu.memory_space<vmem>>
    %dma_wait3A_33 = tpu.memref_squeeze %dma_wait3A_32 : memref<1x128x128xf32, #tpu.memory_space<vmem>> -> memref<128x128xf32, #tpu.memory_space<vmem>>
    %dma_wait3A_34 = arith.constant 0 : i32
    %dma_wait3A_35 = tpu.memref_slice %arg4[%mul3A_17, %dma_wait3A_34] : memref<262144x128xf32, #tpu.memory_space<hbm>> -> memref<128x128xf32, #tpu.memory_space<hbm>>
    %dma_wait3A_36 = tpu.memref_slice %arg8[%dma_wait3A_24] : memref<2x!tpu.dma_semaphore, #tpu.memory_space<semaphore_mem>> -> memref<1x!tpu.dma_semaphore, #tpu.memory_space<semaphore_mem>>
    %dma_wait3A_37 = tpu.memref_squeeze %dma_wait3A_36 : memref<1x!tpu.dma_semaphore, #tpu.memory_space<semaphore_mem>> -> memref<!tpu.dma_semaphore, #tpu.memory_space<semaphore_mem>>
    %dma_wait3A_38 = arith.constant 0 : i32
    %dma_wait3A_39 = tpu.memref_slice %arg4[%mul3A_17, %dma_wait3A_38] : memref<262144x128xf32, #tpu.memory_space<hbm>> -> memref<128x128xf32, #tpu.memory_space<hbm>>
    %dma_wait3A_40 = arith.constant 0 : i32
    %dma_wait3A_41 = arith.constant 0 : i32
    %dma_wait3A_42 = arith.constant 0 : i32
    %dma_wait3A_43 = tpu.memref_slice %arg6[%dma_wait3A, %dma_wait3A_40, %dma_wait3A_41, %dma_wait3A_42] : memref<2x2x128x128xf32, #tpu.memory_space<vmem>> -> memref<1x2x128x128xf32, #tpu.memory_space<vmem>>
    %dma_wait3A_44 = tpu.memref_squeeze %dma_wait3A_43 : memref<1x2x128x128xf32, #tpu.memory_space<vmem>> -> memref<2x128x128xf32, #tpu.memory_space<vmem>>
    %dma_wait3A_45 = arith.constant 0 : i32
    %dma_wait3A_46 = arith.constant 0 : i32
    %dma_wait3A_47 = tpu.memref_slice %dma_wait3A_44[%dma_wait3A_23, %dma_wait3A_45, %dma_wait3A_46] : memref<2x128x128xf32, #tpu.memory_space<vmem>> -> memref<1x128x128xf32, #tpu.memory_space<vmem>>
    %dma_wait3A_48 = tpu.memref_squeeze %dma_wait3A_47 : memref<1x128x128xf32, #tpu.memory_space<vmem>> -> memref<128x128xf32, #tpu.memory_space<vmem>>
    tpu.wait_dma2 semaphore(%dma_wait3A_37 : memref<!tpu.dma_semaphore, #tpu.memory_space<semaphore_mem>>) src(%dma_wait3A_48 : memref<128x128xf32, #tpu.memory_space<vmem>>) dst(%dma_wait3A_39 : memref<128x128xf32, #tpu.memory_space<hbm>>)
    %dma_wait3A_49 = arith.constant 0 : i32
    %dma_wait3A_50 = arith.constant 1 : i32
    %dma_wait3A_51 = arith.constant 0 : i32
    %dma_wait3A_52 = arith.constant 0 : i32
    %dma_wait3A_53 = arith.constant 0 : i32
    %dma_wait3A_54 = arith.constant 0 : i32
    %dma_wait3A_55 = tpu.memref_slice %arg6[%dma_wait3A_49, %dma_wait3A_52, %dma_wait3A_53, %dma_wait3A_54] : memref<2x2x128x128xf32, #tpu.memory_space<vmem>> -> memref<1x2x128x128xf32, #tpu.memory_space<vmem>>
    %dma_wait3A_56 = tpu.memref_squeeze %dma_wait3A_55 : memref<1x2x128x128xf32, #tpu.memory_space<vmem>> -> memref<2x128x128xf32, #tpu.memory_space<vmem>>
    %dma_wait3A_57 = arith.constant 0 : i32
    %dma_wait3A_58 = arith.constant 0 : i32
    %dma_wait3A_59 = tpu.memref_slice %dma_wait3A_56[%dma_wait3A_50, %dma_wait3A_57, %dma_wait3A_58] : memref<2x128x128xf32, #tpu.memory_space<vmem>> -> memref<1x128x128xf32, #tpu.memory_space<vmem>>
    %dma_wait3A_60 = tpu.memref_squeeze %dma_wait3A_59 : memref<1x128x128xf32, #tpu.memory_space<vmem>> -> memref<128x128xf32, #tpu.memory_space<vmem>>
    %dma_wait3A_61 = arith.constant 0 : i32
    %dma_wait3A_62 = tpu.memref_slice %arg4[%mul3A_17, %dma_wait3A_61] : memref<262144x128xf32, #tpu.memory_space<hbm>> -> memref<128x128xf32, #tpu.memory_space<hbm>>
    %dma_wait3A_63 = tpu.memref_slice %arg8[%dma_wait3A_51] : memref<2x!tpu.dma_semaphore, #tpu.memory_space<semaphore_mem>> -> memref<1x!tpu.dma_semaphore, #tpu.memory_space<semaphore_mem>>
    %dma_wait3A_64 = tpu.memref_squeeze %dma_wait3A_63 : memref<1x!tpu.dma_semaphore, #tpu.memory_space<semaphore_mem>> -> memref<!tpu.dma_semaphore, #tpu.memory_space<semaphore_mem>>
    %dma_wait3A_65 = arith.constant 0 : i32
    %dma_wait3A_66 = tpu.memref_slice %arg4[%mul3A_17, %dma_wait3A_65] : memref<262144x128xf32, #tpu.memory_space<hbm>> -> memref<128x128xf32, #tpu.memory_space<hbm>>
    %dma_wait3A_67 = arith.constant 0 : i32
    %dma_wait3A_68 = arith.constant 0 : i32
    %dma_wait3A_69 = arith.constant 0 : i32
    %dma_wait3A_70 = tpu.memref_slice %arg6[%dma_wait3A_49, %dma_wait3A_67, %dma_wait3A_68, %dma_wait3A_69] : memref<2x2x128x128xf32, #tpu.memory_space<vmem>> -> memref<1x2x128x128xf32, #tpu.memory_space<vmem>>
    %dma_wait3A_71 = tpu.memref_squeeze %dma_wait3A_70 : memref<1x2x128x128xf32, #tpu.memory_space<vmem>> -> memref<2x128x128xf32, #tpu.memory_space<vmem>>
    %dma_wait3A_72 = arith.constant 0 : i32
    %dma_wait3A_73 = arith.constant 0 : i32
    %dma_wait3A_74 = tpu.memref_slice %dma_wait3A_71[%dma_wait3A_50, %dma_wait3A_72, %dma_wait3A_73] : memref<2x128x128xf32, #tpu.memory_space<vmem>> -> memref<1x128x128xf32, #tpu.memory_space<vmem>>
    %dma_wait3A_75 = tpu.memref_squeeze %dma_wait3A_74 : memref<1x128x128xf32, #tpu.memory_space<vmem>> -> memref<128x128xf32, #tpu.memory_space<vmem>>
    tpu.wait_dma2 semaphore(%dma_wait3A_64 : memref<!tpu.dma_semaphore, #tpu.memory_space<semaphore_mem>>) src(%dma_wait3A_75 : memref<128x128xf32, #tpu.memory_space<vmem>>) dst(%dma_wait3A_66 : memref<128x128xf32, #tpu.memory_space<hbm>>)
    %dma_wait3A_76 = arith.constant 1 : i32
    %dma_wait3A_77 = arith.constant 0 : i32
    %dma_wait3A_78 = arith.constant 1 : i32
    %dma_wait3A_79 = arith.constant 0 : i32
    %dma_wait3A_80 = arith.constant 0 : i32
    %dma_wait3A_81 = arith.constant 0 : i32
    %dma_wait3A_82 = tpu.memref_slice %arg6[%dma_wait3A_76, %dma_wait3A_79, %dma_wait3A_80, %dma_wait3A_81] : memref<2x2x128x128xf32, #tpu.memory_space<vmem>> -> memref<1x2x128x128xf32, #tpu.memory_space<vmem>>
    %dma_wait3A_83 = tpu.memref_squeeze %dma_wait3A_82 : memref<1x2x128x128xf32, #tpu.memory_space<vmem>> -> memref<2x128x128xf32, #tpu.memory_space<vmem>>
    %dma_wait3A_84 = arith.constant 0 : i32
    %dma_wait3A_85 = arith.constant 0 : i32
    %dma_wait3A_86 = tpu.memref_slice %dma_wait3A_83[%dma_wait3A_77, %dma_wait3A_84, %dma_wait3A_85] : memref<2x128x128xf32, #tpu.memory_space<vmem>> -> memref<1x128x128xf32, #tpu.memory_space<vmem>>
    %dma_wait3A_87 = tpu.memref_squeeze %dma_wait3A_86 : memref<1x128x128xf32, #tpu.memory_space<vmem>> -> memref<128x128xf32, #tpu.memory_space<vmem>>
    %dma_wait3A_88 = arith.constant 0 : i32
    %dma_wait3A_89 = tpu.memref_slice %arg4[%mul3A_17, %dma_wait3A_88] : memref<262144x128xf32, #tpu.memory_space<hbm>> -> memref<128x128xf32, #tpu.memory_space<hbm>>
    %dma_wait3A_90 = tpu.memref_slice %arg8[%dma_wait3A_78] : memref<2x!tpu.dma_semaphore, #tpu.memory_space<semaphore_mem>> -> memref<1x!tpu.dma_semaphore, #tpu.memory_space<semaphore_mem>>
    %dma_wait3A_91 = tpu.memref_squeeze %dma_wait3A_90 : memref<1x!tpu.dma_semaphore, #tpu.memory_space<semaphore_mem>> -> memref<!tpu.dma_semaphore, #tpu.memory_space<semaphore_mem>>
    %dma_wait3A_92 = arith.constant 0 : i32
    %dma_wait3A_93 = tpu.memref_slice %arg4[%mul3A_17, %dma_wait3A_92] : memref<262144x128xf32, #tpu.memory_space<hbm>> -> memref<128x128xf32, #tpu.memory_space<hbm>>
    %dma_wait3A_94 = arith.constant 0 : i32
    %dma_wait3A_95 = arith.constant 0 : i32
    %dma_wait3A_96 = arith.constant 0 : i32
    %dma_wait3A_97 = tpu.memref_slice %arg6[%dma_wait3A_76, %dma_wait3A_94, %dma_wait3A_95, %dma_wait3A_96] : memref<2x2x128x128xf32, #tpu.memory_space<vmem>> -> memref<1x2x128x128xf32, #tpu.memory_space<vmem>>
    %dma_wait3A_98 = tpu.memref_squeeze %dma_wait3A_97 : memref<1x2x128x128xf32, #tpu.memory_space<vmem>> -> memref<2x128x128xf32, #tpu.memory_space<vmem>>
    %dma_wait3A_99 = arith.constant 0 : i32
    %dma_wait3A_100 = arith.constant 0 : i32
    %dma_wait3A_101 = tpu.memref_slice %dma_wait3A_98[%dma_wait3A_77, %dma_wait3A_99, %dma_wait3A_100] : memref<2x128x128xf32, #tpu.memory_space<vmem>> -> memref<1x128x128xf32, #tpu.memory_space<vmem>>
    %dma_wait3A_102 = tpu.memref_squeeze %dma_wait3A_101 : memref<1x128x128xf32, #tpu.memory_space<vmem>> -> memref<128x128xf32, #tpu.memory_space<vmem>>
    tpu.wait_dma2 semaphore(%dma_wait3A_91 : memref<!tpu.dma_semaphore, #tpu.memory_space<semaphore_mem>>) src(%dma_wait3A_102 : memref<128x128xf32, #tpu.memory_space<vmem>>) dst(%dma_wait3A_93 : memref<128x128xf32, #tpu.memory_space<hbm>>)
    %dma_wait3A_103 = arith.constant 1 : i32
    %dma_wait3A_104 = arith.constant 1 : i32
    %dma_wait3A_105 = arith.constant 1 : i32
    %dma_wait3A_106 = arith.constant 0 : i32
    %dma_wait3A_107 = arith.constant 0 : i32
    %dma_wait3A_108 = arith.constant 0 : i32
    %dma_wait3A_109 = tpu.memref_slice %arg6[%dma_wait3A_103, %dma_wait3A_106, %dma_wait3A_107, %dma_wait3A_108] : memref<2x2x128x128xf32, #tpu.memory_space<vmem>> -> memref<1x2x128x128xf32, #tpu.memory_space<vmem>>
    %dma_wait3A_110 = tpu.memref_squeeze %dma_wait3A_109 : memref<1x2x128x128xf32, #tpu.memory_space<vmem>> -> memref<2x128x128xf32, #tpu.memory_space<vmem>>
    %dma_wait3A_111 = arith.constant 0 : i32
    %dma_wait3A_112 = arith.constant 0 : i32
    %dma_wait3A_113 = tpu.memref_slice %dma_wait3A_110[%dma_wait3A_104, %dma_wait3A_111, %dma_wait3A_112] : memref<2x128x128xf32, #tpu.memory_space<vmem>> -> memref<1x128x128xf32, #tpu.memory_space<vmem>>
    %dma_wait3A_114 = tpu.memref_squeeze %dma_wait3A_113 : memref<1x128x128xf32, #tpu.memory_space<vmem>> -> memref<128x128xf32, #tpu.memory_space<vmem>>
    %dma_wait3A_115 = arith.constant 0 : i32
    %dma_wait3A_116 = tpu.memref_slice %arg4[%mul3A_17, %dma_wait3A_115] : memref<262144x128xf32, #tpu.memory_space<hbm>> -> memref<128x128xf32, #tpu.memory_space<hbm>>
    %dma_wait3A_117 = tpu.memref_slice %arg8[%dma_wait3A_105] : memref<2x!tpu.dma_semaphore, #tpu.memory_space<semaphore_mem>> -> memref<1x!tpu.dma_semaphore, #tpu.memory_space<semaphore_mem>>
    %dma_wait3A_118 = tpu.memref_squeeze %dma_wait3A_117 : memref<1x!tpu.dma_semaphore, #tpu.memory_space<semaphore_mem>> -> memref<!tpu.dma_semaphore, #tpu.memory_space<semaphore_mem>>
    %dma_wait3A_119 = arith.constant 0 : i32
    %dma_wait3A_120 = tpu.memref_slice %arg4[%mul3A_17, %dma_wait3A_119] : memref<262144x128xf32, #tpu.memory_space<hbm>> -> memref<128x128xf32, #tpu.memory_space<hbm>>
    %dma_wait3A_121 = arith.constant 0 : i32
    %dma_wait3A_122 = arith.constant 0 : i32
    %dma_wait3A_123 = arith.constant 0 : i32
    %dma_wait3A_124 = tpu.memref_slice %arg6[%dma_wait3A_103, %dma_wait3A_121, %dma_wait3A_122, %dma_wait3A_123] : memref<2x2x128x128xf32, #tpu.memory_space<vmem>> -> memref<1x2x128x128xf32, #tpu.memory_space<vmem>>
    %dma_wait3A_125 = tpu.memref_squeeze %dma_wait3A_124 : memref<1x2x128x128xf32, #tpu.memory_space<vmem>> -> memref<2x128x128xf32, #tpu.memory_space<vmem>>
    %dma_wait3A_126 = arith.constant 0 : i32
    %dma_wait3A_127 = arith.constant 0 : i32
    %dma_wait3A_128 = tpu.memref_slice %dma_wait3A_125[%dma_wait3A_104, %dma_wait3A_126, %dma_wait3A_127] : memref<2x128x128xf32, #tpu.memory_space<vmem>> -> memref<1x128x128xf32, #tpu.memory_space<vmem>>
    %dma_wait3A_129 = tpu.memref_squeeze %dma_wait3A_128 : memref<1x128x128xf32, #tpu.memory_space<vmem>> -> memref<128x128xf32, #tpu.memory_space<vmem>>
    tpu.wait_dma2 semaphore(%dma_wait3A_118 : memref<!tpu.dma_semaphore, #tpu.memory_space<semaphore_mem>>) src(%dma_wait3A_129 : memref<128x128xf32, #tpu.memory_space<vmem>>) dst(%dma_wait3A_120 : memref<128x128xf32, #tpu.memory_space<hbm>>)
    return
  }
}

module attributes {stable_mosaic.version = 14 : i64} {
  func.func @_bmm_body(%arg0: i32, %arg1: memref<6400x128xf32, #tpu.memory_space<vmem>>, %arg2: memref<2048x128xf32, #tpu.memory_space<vmem>>, %arg3: memref<32x200x64xf32, #tpu.memory_space<vmem>>) attributes {dimension_semantics = [#tpu.dimension_semantics<arbitrary>], iteration_bounds = array<i64: 128>, scalar_prefetch = 0 : i64, scratch_operands = 0 : i64, tpu.core_type = #tpu.core_type<tc>, window_params = [{transform_indices = @transform_0, window_bounds = array<i64: 6400, 128>}, {transform_indices = @transform_1, window_bounds = array<i64: 2048, 128>}, {transform_indices = @transform_2, window_bounds = array<i64: 32, 200, 64>}]} {
    %get3A = arith.constant 0 : index
    %get3A_0 = arith.constant 0 : index
    %get3A_1 = vector.load %arg1[%get3A, %get3A_0] : memref<6400x128xf32, #tpu.memory_space<vmem>>, vector<200x64xf32>
    %convert_element_type3A = arith.truncf %get3A_1 : vector<200x64xf32> to vector<200x64xbf16>
    %get3A_2 = arith.constant 0 : index
    %get3A_3 = arith.constant 0 : index
    %get3A_4 = vector.load %arg2[%get3A_2, %get3A_3] : memref<2048x128xf32, #tpu.memory_space<vmem>>, vector<64x64xf32>
    %convert_element_type3A_5 = arith.truncf %get3A_4 : vector<64x64xf32> to vector<64x64xbf16>
    %dot_general3A = arith.constant dense<0.000000e+00> : vector<200x64xf32>
    %dot_general3A_6 = tpu.matmul %convert_element_type3A, %convert_element_type3A_5, %dot_general3A {dimension_numbers = #tpu.dot_dimension_numbers<[1], [0], [0], [1], [0, 0, 1, 1], [], []>, transpose_lhs_hint = false} : vector<200x64xbf16>, vector<64x64xbf16>, vector<200x64xf32> -> vector<200x64xf32>
    %swap3A = arith.constant 0 : index
    %swap3A_7 = arith.constant 0 : index
    %swap3A_8 = arith.constant 0 : index
    %swap3A_9 = vector.load %arg3[%swap3A, %swap3A_7, %swap3A_8] : memref<32x200x64xf32, #tpu.memory_space<vmem>>, vector<1x200x64xf32>
    %swap3A_10 = vector.shape_cast %swap3A_9 : vector<1x200x64xf32> to vector<200x64xf32>
    %swap3A_11 = vector.shape_cast %dot_general3A_6 : vector<200x64xf32> to vector<1x200x64xf32>
    tpu.vector_store %arg3[%swap3A, %swap3A_7, %swap3A_8], %swap3A_11 {strides = array<i32>} : memref<32x200x64xf32, #tpu.memory_space<vmem>>, vector<1x200x64xf32>,
    %get3A_12 = arith.constant 200 : index
    %get3A_13 = arith.constant 0 : index
    %get3A_14 = vector.load %arg1[%get3A_12, %get3A_13] : memref<6400x128xf32, #tpu.memory_space<vmem>>, vector<200x64xf32>
    %convert_element_type3A_15 = arith.truncf %get3A_14 : vector<200x64xf32> to vector<200x64xbf16>
    %get3A_16 = arith.constant 64 : index
    %get3A_17 = arith.constant 0 : index
    %get3A_18 = vector.load %arg2[%get3A_16, %get3A_17] : memref<2048x128xf32, #tpu.memory_space<vmem>>, vector<64x64xf32>
    %convert_element_type3A_19 = arith.truncf %get3A_18 : vector<64x64xf32> to vector<64x64xbf16>
    %dot_general3A_20 = arith.constant dense<0.000000e+00> : vector<200x64xf32>
    %dot_general3A_21 = tpu.matmul %convert_element_type3A_15, %convert_element_type3A_19, %dot_general3A_20 {dimension_numbers = #tpu.dot_dimension_numbers<[1], [0], [0], [1], [0, 0, 1, 1], [], []>, transpose_lhs_hint = false} : vector<200x64xbf16>, vector<64x64xbf16>, vector<200x64xf32> -> vector<200x64xf32>
    %swap3A_22 = arith.constant 1 : index
    %swap3A_23 = arith.constant 0 : index
    %swap3A_24 = arith.constant 0 : index
    %swap3A_25 = vector.load %arg3[%swap3A_22, %swap3A_23, %swap3A_24] : memref<32x200x64xf32, #tpu.memory_space<vmem>>, vector<1x200x64xf32>
    %swap3A_26 = vector.shape_cast %swap3A_25 : vector<1x200x64xf32> to vector<200x64xf32>
    %swap3A_27 = vector.shape_cast %dot_general3A_21 : vector<200x64xf32> to vector<1x200x64xf32>
    tpu.vector_store %arg3[%swap3A_22, %swap3A_23, %swap3A_24], %swap3A_27 {strides = array<i32>} : memref<32x200x64xf32, #tpu.memory_space<vmem>>, vector<1x200x64xf32>,
    %get3A_28 = arith.constant 400 : index
    %get3A_29 = arith.constant 0 : index
    %get3A_30 = vector.load %arg1[%get3A_28, %get3A_29] : memref<6400x128xf32, #tpu.memory_space<vmem>>, vector<200x64xf32>
    %convert_element_type3A_31 = arith.truncf %get3A_30 : vector<200x64xf32> to vector<200x64xbf16>
    %get3A_32 = arith.constant 128 : index
    %get3A_33 = arith.constant 0 : index
    %get3A_34 = vector.load %arg2[%get3A_32, %get3A_33] : memref<2048x128xf32, #tpu.memory_space<vmem>>, vector<64x64xf32>
    %convert_element_type3A_35 = arith.truncf %get3A_34 : vector<64x64xf32> to vector<64x64xbf16>
    %dot_general3A_36 = arith.constant dense<0.000000e+00> : vector<200x64xf32>
    %dot_general3A_37 = tpu.matmul %convert_element_type3A_31, %convert_element_type3A_35, %dot_general3A_36 {dimension_numbers = #tpu.dot_dimension_numbers<[1], [0], [0], [1], [0, 0, 1, 1], [], []>, transpose_lhs_hint = false} : vector<200x64xbf16>, vector<64x64xbf16>, vector<200x64xf32> -> vector<200x64xf32>
    %swap3A_38 = arith.constant 2 : index
    %swap3A_39 = arith.constant 0 : index
    %swap3A_40 = arith.constant 0 : index
    %swap3A_41 = vector.load %arg3[%swap3A_38, %swap3A_39, %swap3A_40] : memref<32x200x64xf32, #tpu.memory_space<vmem>>, vector<1x200x64xf32>
    %swap3A_42 = vector.shape_cast %swap3A_41 : vector<1x200x64xf32> to vector<200x64xf32>
    %swap3A_43 = vector.shape_cast %dot_general3A_37 : vector<200x64xf32> to vector<1x200x64xf32>
    tpu.vector_store %arg3[%swap3A_38, %swap3A_39, %swap3A_40], %swap3A_43 {strides = array<i32>} : memref<32x200x64xf32, #tpu.memory_space<vmem>>, vector<1x200x64xf32>,
    %get3A_44 = arith.constant 600 : index
    %get3A_45 = arith.constant 0 : index
    %get3A_46 = vector.load %arg1[%get3A_44, %get3A_45] : memref<6400x128xf32, #tpu.memory_space<vmem>>, vector<200x64xf32>
    %convert_element_type3A_47 = arith.truncf %get3A_46 : vector<200x64xf32> to vector<200x64xbf16>
    %get3A_48 = arith.constant 192 : index
    %get3A_49 = arith.constant 0 : index
    %get3A_50 = vector.load %arg2[%get3A_48, %get3A_49] : memref<2048x128xf32, #tpu.memory_space<vmem>>, vector<64x64xf32>
    %convert_element_type3A_51 = arith.truncf %get3A_50 : vector<64x64xf32> to vector<64x64xbf16>
    %dot_general3A_52 = arith.constant dense<0.000000e+00> : vector<200x64xf32>
    %dot_general3A_53 = tpu.matmul %convert_element_type3A_47, %convert_element_type3A_51, %dot_general3A_52 {dimension_numbers = #tpu.dot_dimension_numbers<[1], [0], [0], [1], [0, 0, 1, 1], [], []>, transpose_lhs_hint = false} : vector<200x64xbf16>, vector<64x64xbf16>, vector<200x64xf32> -> vector<200x64xf32>
    %swap3A_54 = arith.constant 3 : index
    %swap3A_55 = arith.constant 0 : index
    %swap3A_56 = arith.constant 0 : index
    %swap3A_57 = vector.load %arg3[%swap3A_54, %swap3A_55, %swap3A_56] : memref<32x200x64xf32, #tpu.memory_space<vmem>>, vector<1x200x64xf32>
    %swap3A_58 = vector.shape_cast %swap3A_57 : vector<1x200x64xf32> to vector<200x64xf32>
    %swap3A_59 = vector.shape_cast %dot_general3A_53 : vector<200x64xf32> to vector<1x200x64xf32>
    tpu.vector_store %arg3[%swap3A_54, %swap3A_55, %swap3A_56], %swap3A_59 {strides = array<i32>} : memref<32x200x64xf32, #tpu.memory_space<vmem>>, vector<1x200x64xf32>,
    %get3A_60 = arith.constant 800 : index
    %get3A_61 = arith.constant 0 : index
    %get3A_62 = vector.load %arg1[%get3A_60, %get3A_61] : memref<6400x128xf32, #tpu.memory_space<vmem>>, vector<200x64xf32>
    %convert_element_type3A_63 = arith.truncf %get3A_62 : vector<200x64xf32> to vector<200x64xbf16>
    %get3A_64 = arith.constant 256 : index
    %get3A_65 = arith.constant 0 : index
    %get3A_66 = vector.load %arg2[%get3A_64, %get3A_65] : memref<2048x128xf32, #tpu.memory_space<vmem>>, vector<64x64xf32>
    %convert_element_type3A_67 = arith.truncf %get3A_66 : vector<64x64xf32> to vector<64x64xbf16>
    %dot_general3A_68 = arith.constant dense<0.000000e+00> : vector<200x64xf32>
    %dot_general3A_69 = tpu.matmul %convert_element_type3A_63, %convert_element_type3A_67, %dot_general3A_68 {dimension_numbers = #tpu.dot_dimension_numbers<[1], [0], [0], [1], [0, 0, 1, 1], [], []>, transpose_lhs_hint = false} : vector<200x64xbf16>, vector<64x64xbf16>, vector<200x64xf32> -> vector<200x64xf32>
    %swap3A_70 = arith.constant 4 : index
    %swap3A_71 = arith.constant 0 : index
    %swap3A_72 = arith.constant 0 : index
    %swap3A_73 = vector.load %arg3[%swap3A_70, %swap3A_71, %swap3A_72] : memref<32x200x64xf32, #tpu.memory_space<vmem>>, vector<1x200x64xf32>
    %swap3A_74 = vector.shape_cast %swap3A_73 : vector<1x200x64xf32> to vector<200x64xf32>
    %swap3A_75 = vector.shape_cast %dot_general3A_69 : vector<200x64xf32> to vector<1x200x64xf32>
    tpu.vector_store %arg3[%swap3A_70, %swap3A_71, %swap3A_72], %swap3A_75 {strides = array<i32>} : memref<32x200x64xf32, #tpu.memory_space<vmem>>, vector<1x200x64xf32>,
    %get3A_76 = arith.constant 1000 : index
    %get3A_77 = arith.constant 0 : index
    %get3A_78 = vector.load %arg1[%get3A_76, %get3A_77] : memref<6400x128xf32, #tpu.memory_space<vmem>>, vector<200x64xf32>
    %convert_element_type3A_79 = arith.truncf %get3A_78 : vector<200x64xf32> to vector<200x64xbf16>
    %get3A_80 = arith.constant 320 : index
    %get3A_81 = arith.constant 0 : index
    %get3A_82 = vector.load %arg2[%get3A_80, %get3A_81] : memref<2048x128xf32, #tpu.memory_space<vmem>>, vector<64x64xf32>
    %convert_element_type3A_83 = arith.truncf %get3A_82 : vector<64x64xf32> to vector<64x64xbf16>
    %dot_general3A_84 = arith.constant dense<0.000000e+00> : vector<200x64xf32>
    %dot_general3A_85 = tpu.matmul %convert_element_type3A_79, %convert_element_type3A_83, %dot_general3A_84 {dimension_numbers = #tpu.dot_dimension_numbers<[1], [0], [0], [1], [0, 0, 1, 1], [], []>, transpose_lhs_hint = false} : vector<200x64xbf16>, vector<64x64xbf16>, vector<200x64xf32> -> vector<200x64xf32>
    %swap3A_86 = arith.constant 5 : index
    %swap3A_87 = arith.constant 0 : index
    %swap3A_88 = arith.constant 0 : index
    %swap3A_89 = vector.load %arg3[%swap3A_86, %swap3A_87, %swap3A_88] : memref<32x200x64xf32, #tpu.memory_space<vmem>>, vector<1x200x64xf32>
    %swap3A_90 = vector.shape_cast %swap3A_89 : vector<1x200x64xf32> to vector<200x64xf32>
    %swap3A_91 = vector.shape_cast %dot_general3A_85 : vector<200x64xf32> to vector<1x200x64xf32>
    tpu.vector_store %arg3[%swap3A_86, %swap3A_87, %swap3A_88], %swap3A_91 {strides = array<i32>} : memref<32x200x64xf32, #tpu.memory_space<vmem>>, vector<1x200x64xf32>,
    %get3A_92 = arith.constant 1200 : index
    %get3A_93 = arith.constant 0 : index
    %get3A_94 = vector.load %arg1[%get3A_92, %get3A_93] : memref<6400x128xf32, #tpu.memory_space<vmem>>, vector<200x64xf32>
    %convert_element_type3A_95 = arith.truncf %get3A_94 : vector<200x64xf32> to vector<200x64xbf16>
    %get3A_96 = arith.constant 384 : index
    %get3A_97 = arith.constant 0 : index
    %get3A_98 = vector.load %arg2[%get3A_96, %get3A_97] : memref<2048x128xf32, #tpu.memory_space<vmem>>, vector<64x64xf32>
    %convert_element_type3A_99 = arith.truncf %get3A_98 : vector<64x64xf32> to vector<64x64xbf16>
    %dot_general3A_100 = arith.constant dense<0.000000e+00> : vector<200x64xf32>
    %dot_general3A_101 = tpu.matmul %convert_element_type3A_95, %convert_element_type3A_99, %dot_general3A_100 {dimension_numbers = #tpu.dot_dimension_numbers<[1], [0], [0], [1], [0, 0, 1, 1], [], []>, transpose_lhs_hint = false} : vector<200x64xbf16>, vector<64x64xbf16>, vector<200x64xf32> -> vector<200x64xf32>
    %swap3A_102 = arith.constant 6 : index
    %swap3A_103 = arith.constant 0 : index
    %swap3A_104 = arith.constant 0 : index
    %swap3A_105 = vector.load %arg3[%swap3A_102, %swap3A_103, %swap3A_104] : memref<32x200x64xf32, #tpu.memory_space<vmem>>, vector<1x200x64xf32>
    %swap3A_106 = vector.shape_cast %swap3A_105 : vector<1x200x64xf32> to vector<200x64xf32>
    %swap3A_107 = vector.shape_cast %dot_general3A_101 : vector<200x64xf32> to vector<1x200x64xf32>
    tpu.vector_store %arg3[%swap3A_102, %swap3A_103, %swap3A_104], %swap3A_107 {strides = array<i32>} : memref<32x200x64xf32, #tpu.memory_space<vmem>>, vector<1x200x64xf32>,
    %get3A_108 = arith.constant 1400 : index
    %get3A_109 = arith.constant 0 : index
    %get3A_110 = vector.load %arg1[%get3A_108, %get3A_109] : memref<6400x128xf32, #tpu.memory_space<vmem>>, vector<200x64xf32>
    %convert_element_type3A_111 = arith.truncf %get3A_110 : vector<200x64xf32> to vector<200x64xbf16>
    %get3A_112 = arith.constant 448 : index
    %get3A_113 = arith.constant 0 : index
    %get3A_114 = vector.load %arg2[%get3A_112, %get3A_113] : memref<2048x128xf32, #tpu.memory_space<vmem>>, vector<64x64xf32>
    %convert_element_type3A_115 = arith.truncf %get3A_114 : vector<64x64xf32> to vector<64x64xbf16>
    %dot_general3A_116 = arith.constant dense<0.000000e+00> : vector<200x64xf32>
    %dot_general3A_117 = tpu.matmul %convert_element_type3A_111, %convert_element_type3A_115, %dot_general3A_116 {dimension_numbers = #tpu.dot_dimension_numbers<[1], [0], [0], [1], [0, 0, 1, 1], [], []>, transpose_lhs_hint = false} : vector<200x64xbf16>, vector<64x64xbf16>, vector<200x64xf32> -> vector<200x64xf32>
    %swap3A_118 = arith.constant 7 : index
    %swap3A_119 = arith.constant 0 : index
    %swap3A_120 = arith.constant 0 : index
    %swap3A_121 = vector.load %arg3[%swap3A_118, %swap3A_119, %swap3A_120] : memref<32x200x64xf32, #tpu.memory_space<vmem>>, vector<1x200x64xf32>
    %swap3A_122 = vector.shape_cast %swap3A_121 : vector<1x200x64xf32> to vector<200x64xf32>
    %swap3A_123 = vector.shape_cast %dot_general3A_117 : vector<200x64xf32> to vector<1x200x64xf32>
    tpu.vector_store %arg3[%swap3A_118, %swap3A_119, %swap3A_120], %swap3A_123 {strides = array<i32>} : memref<32x200x64xf32, #tpu.memory_space<vmem>>, vector<1x200x64xf32>,
    %get3A_124 = arith.constant 1600 : index
    %get3A_125 = arith.constant 0 : index
    %get3A_126 = vector.load %arg1[%get3A_124, %get3A_125] : memref<6400x128xf32, #tpu.memory_space<vmem>>, vector<200x64xf32>
    %convert_element_type3A_127 = arith.truncf %get3A_126 : vector<200x64xf32> to vector<200x64xbf16>
    %get3A_128 = arith.constant 512 : index
    %get3A_129 = arith.constant 0 : index
    %get3A_130 = vector.load %arg2[%get3A_128, %get3A_129] : memref<2048x128xf32, #tpu.memory_space<vmem>>, vector<64x64xf32>
    %convert_element_type3A_131 = arith.truncf %get3A_130 : vector<64x64xf32> to vector<64x64xbf16>
    %dot_general3A_132 = arith.constant dense<0.000000e+00> : vector<200x64xf32>
    %dot_general3A_133 = tpu.matmul %convert_element_type3A_127, %convert_element_type3A_131, %dot_general3A_132 {dimension_numbers = #tpu.dot_dimension_numbers<[1], [0], [0], [1], [0, 0, 1, 1], [], []>, transpose_lhs_hint = false} : vector<200x64xbf16>, vector<64x64xbf16>, vector<200x64xf32> -> vector<200x64xf32>
    %swap3A_134 = arith.constant 8 : index
    %swap3A_135 = arith.constant 0 : index
    %swap3A_136 = arith.constant 0 : index
    %swap3A_137 = vector.load %arg3[%swap3A_134, %swap3A_135, %swap3A_136] : memref<32x200x64xf32, #tpu.memory_space<vmem>>, vector<1x200x64xf32>
    %swap3A_138 = vector.shape_cast %swap3A_137 : vector<1x200x64xf32> to vector<200x64xf32>
    %swap3A_139 = vector.shape_cast %dot_general3A_133 : vector<200x64xf32> to vector<1x200x64xf32>
    tpu.vector_store %arg3[%swap3A_134, %swap3A_135, %swap3A_136], %swap3A_139 {strides = array<i32>} : memref<32x200x64xf32, #tpu.memory_space<vmem>>, vector<1x200x64xf32>,
    %get3A_140 = arith.constant 1800 : index
    %get3A_141 = arith.constant 0 : index
    %get3A_142 = vector.load %arg1[%get3A_140, %get3A_141] : memref<6400x128xf32, #tpu.memory_space<vmem>>, vector<200x64xf32>
    %convert_element_type3A_143 = arith.truncf %get3A_142 : vector<200x64xf32> to vector<200x64xbf16>
    %get3A_144 = arith.constant 576 : index
    %get3A_145 = arith.constant 0 : index
    %get3A_146 = vector.load %arg2[%get3A_144, %get3A_145] : memref<2048x128xf32, #tpu.memory_space<vmem>>, vector<64x64xf32>
    %convert_element_type3A_147 = arith.truncf %get3A_146 : vector<64x64xf32> to vector<64x64xbf16>
    %dot_general3A_148 = arith.constant dense<0.000000e+00> : vector<200x64xf32>
    %dot_general3A_149 = tpu.matmul %convert_element_type3A_143, %convert_element_type3A_147, %dot_general3A_148 {dimension_numbers = #tpu.dot_dimension_numbers<[1], [0], [0], [1], [0, 0, 1, 1], [], []>, transpose_lhs_hint = false} : vector<200x64xbf16>, vector<64x64xbf16>, vector<200x64xf32> -> vector<200x64xf32>
    %swap3A_150 = arith.constant 9 : index
    %swap3A_151 = arith.constant 0 : index
    %swap3A_152 = arith.constant 0 : index
    %swap3A_153 = vector.load %arg3[%swap3A_150, %swap3A_151, %swap3A_152] : memref<32x200x64xf32, #tpu.memory_space<vmem>>, vector<1x200x64xf32>
    %swap3A_154 = vector.shape_cast %swap3A_153 : vector<1x200x64xf32> to vector<200x64xf32>
    %swap3A_155 = vector.shape_cast %dot_general3A_149 : vector<200x64xf32> to vector<1x200x64xf32>
    tpu.vector_store %arg3[%swap3A_150, %swap3A_151, %swap3A_152], %swap3A_155 {strides = array<i32>} : memref<32x200x64xf32, #tpu.memory_space<vmem>>, vector<1x200x64xf32>,
    %get3A_156 = arith.constant 2000 : index
    %get3A_157 = arith.constant 0 : index
    %get3A_158 = vector.load %arg1[%get3A_156, %get3A_157] : memref<6400x128xf32, #tpu.memory_space<vmem>>, vector<200x64xf32>
    %convert_element_type3A_159 = arith.truncf %get3A_158 : vector<200x64xf32> to vector<200x64xbf16>
    %get3A_160 = arith.constant 640 : index
    %get3A_161 = arith.constant 0 : index
    %get3A_162 = vector.load %arg2[%get3A_160, %get3A_161] : memref<2048x128xf32, #tpu.memory_space<vmem>>, vector<64x64xf32>
    %convert_element_type3A_163 = arith.truncf %get3A_162 : vector<64x64xf32> to vector<64x64xbf16>
    %dot_general3A_164 = arith.constant dense<0.000000e+00> : vector<200x64xf32>
    %dot_general3A_165 = tpu.matmul %convert_element_type3A_159, %convert_element_type3A_163, %dot_general3A_164 {dimension_numbers = #tpu.dot_dimension_numbers<[1], [0], [0], [1], [0, 0, 1, 1], [], []>, transpose_lhs_hint = false} : vector<200x64xbf16>, vector<64x64xbf16>, vector<200x64xf32> -> vector<200x64xf32>
    %swap3A_166 = arith.constant 10 : index
    %swap3A_167 = arith.constant 0 : index
    %swap3A_168 = arith.constant 0 : index
    %swap3A_169 = vector.load %arg3[%swap3A_166, %swap3A_167, %swap3A_168] : memref<32x200x64xf32, #tpu.memory_space<vmem>>, vector<1x200x64xf32>
    %swap3A_170 = vector.shape_cast %swap3A_169 : vector<1x200x64xf32> to vector<200x64xf32>
    %swap3A_171 = vector.shape_cast %dot_general3A_165 : vector<200x64xf32> to vector<1x200x64xf32>
    tpu.vector_store %arg3[%swap3A_166, %swap3A_167, %swap3A_168], %swap3A_171 {strides = array<i32>} : memref<32x200x64xf32, #tpu.memory_space<vmem>>, vector<1x200x64xf32>,
    %get3A_172 = arith.constant 2200 : index
    %get3A_173 = arith.constant 0 : index
    %get3A_174 = vector.load %arg1[%get3A_172, %get3A_173] : memref<6400x128xf32, #tpu.memory_space<vmem>>, vector<200x64xf32>
    %convert_element_type3A_175 = arith.truncf %get3A_174 : vector<200x64xf32> to vector<200x64xbf16>
    %get3A_176 = arith.constant 704 : index
    %get3A_177 = arith.constant 0 : index
    %get3A_178 = vector.load %arg2[%get3A_176, %get3A_177] : memref<2048x128xf32, #tpu.memory_space<vmem>>, vector<64x64xf32>
    %convert_element_type3A_179 = arith.truncf %get3A_178 : vector<64x64xf32> to vector<64x64xbf16>
    %dot_general3A_180 = arith.constant dense<0.000000e+00> : vector<200x64xf32>
    %dot_general3A_181 = tpu.matmul %convert_element_type3A_175, %convert_element_type3A_179, %dot_general3A_180 {dimension_numbers = #tpu.dot_dimension_numbers<[1], [0], [0], [1], [0, 0, 1, 1], [], []>, transpose_lhs_hint = false} : vector<200x64xbf16>, vector<64x64xbf16>, vector<200x64xf32> -> vector<200x64xf32>
    %swap3A_182 = arith.constant 11 : index
    %swap3A_183 = arith.constant 0 : index
    %swap3A_184 = arith.constant 0 : index
    %swap3A_185 = vector.load %arg3[%swap3A_182, %swap3A_183, %swap3A_184] : memref<32x200x64xf32, #tpu.memory_space<vmem>>, vector<1x200x64xf32>
    %swap3A_186 = vector.shape_cast %swap3A_185 : vector<1x200x64xf32> to vector<200x64xf32>
    %swap3A_187 = vector.shape_cast %dot_general3A_181 : vector<200x64xf32> to vector<1x200x64xf32>
    tpu.vector_store %arg3[%swap3A_182, %swap3A_183, %swap3A_184], %swap3A_187 {strides = array<i32>} : memref<32x200x64xf32, #tpu.memory_space<vmem>>, vector<1x200x64xf32>,
    %get3A_188 = arith.constant 2400 : index
    %get3A_189 = arith.constant 0 : index
    %get3A_190 = vector.load %arg1[%get3A_188, %get3A_189] : memref<6400x128xf32, #tpu.memory_space<vmem>>, vector<200x64xf32>
    %convert_element_type3A_191 = arith.truncf %get3A_190 : vector<200x64xf32> to vector<200x64xbf16>
    %get3A_192 = arith.constant 768 : index
    %get3A_193 = arith.constant 0 : index
    %get3A_194 = vector.load %arg2[%get3A_192, %get3A_193] : memref<2048x128xf32, #tpu.memory_space<vmem>>, vector<64x64xf32>
    %convert_element_type3A_195 = arith.truncf %get3A_194 : vector<64x64xf32> to vector<64x64xbf16>
    %dot_general3A_196 = arith.constant dense<0.000000e+00> : vector<200x64xf32>
    %dot_general3A_197 = tpu.matmul %convert_element_type3A_191, %convert_element_type3A_195, %dot_general3A_196 {dimension_numbers = #tpu.dot_dimension_numbers<[1], [0], [0], [1], [0, 0, 1, 1], [], []>, transpose_lhs_hint = false} : vector<200x64xbf16>, vector<64x64xbf16>, vector<200x64xf32> -> vector<200x64xf32>
    %swap3A_198 = arith.constant 12 : index
    %swap3A_199 = arith.constant 0 : index
    %swap3A_200 = arith.constant 0 : index
    %swap3A_201 = vector.load %arg3[%swap3A_198, %swap3A_199, %swap3A_200] : memref<32x200x64xf32, #tpu.memory_space<vmem>>, vector<1x200x64xf32>
    %swap3A_202 = vector.shape_cast %swap3A_201 : vector<1x200x64xf32> to vector<200x64xf32>
    %swap3A_203 = vector.shape_cast %dot_general3A_197 : vector<200x64xf32> to vector<1x200x64xf32>
    tpu.vector_store %arg3[%swap3A_198, %swap3A_199, %swap3A_200], %swap3A_203 {strides = array<i32>} : memref<32x200x64xf32, #tpu.memory_space<vmem>>, vector<1x200x64xf32>,
    %get3A_204 = arith.constant 2600 : index
    %get3A_205 = arith.constant 0 : index
    %get3A_206 = vector.load %arg1[%get3A_204, %get3A_205] : memref<6400x128xf32, #tpu.memory_space<vmem>>, vector<200x64xf32>
    %convert_element_type3A_207 = arith.truncf %get3A_206 : vector<200x64xf32> to vector<200x64xbf16>
    %get3A_208 = arith.constant 832 : index
    %get3A_209 = arith.constant 0 : index
    %get3A_210 = vector.load %arg2[%get3A_208, %get3A_209] : memref<2048x128xf32, #tpu.memory_space<vmem>>, vector<64x64xf32>
    %convert_element_type3A_211 = arith.truncf %get3A_210 : vector<64x64xf32> to vector<64x64xbf16>
    %dot_general3A_212 = arith.constant dense<0.000000e+00> : vector<200x64xf32>
    %dot_general3A_213 = tpu.matmul %convert_element_type3A_207, %convert_element_type3A_211, %dot_general3A_212 {dimension_numbers = #tpu.dot_dimension_numbers<[1], [0], [0], [1], [0, 0, 1, 1], [], []>, transpose_lhs_hint = false} : vector<200x64xbf16>, vector<64x64xbf16>, vector<200x64xf32> -> vector<200x64xf32>
    %swap3A_214 = arith.constant 13 : index
    %swap3A_215 = arith.constant 0 : index
    %swap3A_216 = arith.constant 0 : index
    %swap3A_217 = vector.load %arg3[%swap3A_214, %swap3A_215, %swap3A_216] : memref<32x200x64xf32, #tpu.memory_space<vmem>>, vector<1x200x64xf32>
    %swap3A_218 = vector.shape_cast %swap3A_217 : vector<1x200x64xf32> to vector<200x64xf32>
    %swap3A_219 = vector.shape_cast %dot_general3A_213 : vector<200x64xf32> to vector<1x200x64xf32>
    tpu.vector_store %arg3[%swap3A_214, %swap3A_215, %swap3A_216], %swap3A_219 {strides = array<i32>} : memref<32x200x64xf32, #tpu.memory_space<vmem>>, vector<1x200x64xf32>,
    %get3A_220 = arith.constant 2800 : index
    %get3A_221 = arith.constant 0 : index
    %get3A_222 = vector.load %arg1[%get3A_220, %get3A_221] : memref<6400x128xf32, #tpu.memory_space<vmem>>, vector<200x64xf32>
    %convert_element_type3A_223 = arith.truncf %get3A_222 : vector<200x64xf32> to vector<200x64xbf16>
    %get3A_224 = arith.constant 896 : index
    %get3A_225 = arith.constant 0 : index
    %get3A_226 = vector.load %arg2[%get3A_224, %get3A_225] : memref<2048x128xf32, #tpu.memory_space<vmem>>, vector<64x64xf32>
    %convert_element_type3A_227 = arith.truncf %get3A_226 : vector<64x64xf32> to vector<64x64xbf16>
    %dot_general3A_228 = arith.constant dense<0.000000e+00> : vector<200x64xf32>
    %dot_general3A_229 = tpu.matmul %convert_element_type3A_223, %convert_element_type3A_227, %dot_general3A_228 {dimension_numbers = #tpu.dot_dimension_numbers<[1], [0], [0], [1], [0, 0, 1, 1], [], []>, transpose_lhs_hint = false} : vector<200x64xbf16>, vector<64x64xbf16>, vector<200x64xf32> -> vector<200x64xf32>
    %swap3A_230 = arith.constant 14 : index
    %swap3A_231 = arith.constant 0 : index
    %swap3A_232 = arith.constant 0 : index
    %swap3A_233 = vector.load %arg3[%swap3A_230, %swap3A_231, %swap3A_232] : memref<32x200x64xf32, #tpu.memory_space<vmem>>, vector<1x200x64xf32>
    %swap3A_234 = vector.shape_cast %swap3A_233 : vector<1x200x64xf32> to vector<200x64xf32>
    %swap3A_235 = vector.shape_cast %dot_general3A_229 : vector<200x64xf32> to vector<1x200x64xf32>
    tpu.vector_store %arg3[%swap3A_230, %swap3A_231, %swap3A_232], %swap3A_235 {strides = array<i32>} : memref<32x200x64xf32, #tpu.memory_space<vmem>>, vector<1x200x64xf32>,
    %get3A_236 = arith.constant 3000 : index
    %get3A_237 = arith.constant 0 : index
    %get3A_238 = vector.load %arg1[%get3A_236, %get3A_237] : memref<6400x128xf32, #tpu.memory_space<vmem>>, vector<200x64xf32>
    %convert_element_type3A_239 = arith.truncf %get3A_238 : vector<200x64xf32> to vector<200x64xbf16>
    %get3A_240 = arith.constant 960 : index
    %get3A_241 = arith.constant 0 : index
    %get3A_242 = vector.load %arg2[%get3A_240, %get3A_241] : memref<2048x128xf32, #tpu.memory_space<vmem>>, vector<64x64xf32>
    %convert_element_type3A_243 = arith.truncf %get3A_242 : vector<64x64xf32> to vector<64x64xbf16>
    %dot_general3A_244 = arith.constant dense<0.000000e+00> : vector<200x64xf32>
    %dot_general3A_245 = tpu.matmul %convert_element_type3A_239, %convert_element_type3A_243, %dot_general3A_244 {dimension_numbers = #tpu.dot_dimension_numbers<[1], [0], [0], [1], [0, 0, 1, 1], [], []>, transpose_lhs_hint = false} : vector<200x64xbf16>, vector<64x64xbf16>, vector<200x64xf32> -> vector<200x64xf32>
    %swap3A_246 = arith.constant 15 : index
    %swap3A_247 = arith.constant 0 : index
    %swap3A_248 = arith.constant 0 : index
    %swap3A_249 = vector.load %arg3[%swap3A_246, %swap3A_247, %swap3A_248] : memref<32x200x64xf32, #tpu.memory_space<vmem>>, vector<1x200x64xf32>
    %swap3A_250 = vector.shape_cast %swap3A_249 : vector<1x200x64xf32> to vector<200x64xf32>
    %swap3A_251 = vector.shape_cast %dot_general3A_245 : vector<200x64xf32> to vector<1x200x64xf32>
    tpu.vector_store %arg3[%swap3A_246, %swap3A_247, %swap3A_248], %swap3A_251 {strides = array<i32>} : memref<32x200x64xf32, #tpu.memory_space<vmem>>, vector<1x200x64xf32>,
    %get3A_252 = arith.constant 3200 : index
    %get3A_253 = arith.constant 0 : index
    %get3A_254 = vector.load %arg1[%get3A_252, %get3A_253] : memref<6400x128xf32, #tpu.memory_space<vmem>>, vector<200x64xf32>
    %convert_element_type3A_255 = arith.truncf %get3A_254 : vector<200x64xf32> to vector<200x64xbf16>
    %get3A_256 = arith.constant 1024 : index
    %get3A_257 = arith.constant 0 : index
    %get3A_258 = vector.load %arg2[%get3A_256, %get3A_257] : memref<2048x128xf32, #tpu.memory_space<vmem>>, vector<64x64xf32>
    %convert_element_type3A_259 = arith.truncf %get3A_258 : vector<64x64xf32> to vector<64x64xbf16>
    %dot_general3A_260 = arith.constant dense<0.000000e+00> : vector<200x64xf32>
    %dot_general3A_261 = tpu.matmul %convert_element_type3A_255, %convert_element_type3A_259, %dot_general3A_260 {dimension_numbers = #tpu.dot_dimension_numbers<[1], [0], [0], [1], [0, 0, 1, 1], [], []>, transpose_lhs_hint = false} : vector<200x64xbf16>, vector<64x64xbf16>, vector<200x64xf32> -> vector<200x64xf32>
    %swap3A_262 = arith.constant 16 : index
    %swap3A_263 = arith.constant 0 : index
    %swap3A_264 = arith.constant 0 : index
    %swap3A_265 = vector.load %arg3[%swap3A_262, %swap3A_263, %swap3A_264] : memref<32x200x64xf32, #tpu.memory_space<vmem>>, vector<1x200x64xf32>
    %swap3A_266 = vector.shape_cast %swap3A_265 : vector<1x200x64xf32> to vector<200x64xf32>
    %swap3A_267 = vector.shape_cast %dot_general3A_261 : vector<200x64xf32> to vector<1x200x64xf32>
    tpu.vector_store %arg3[%swap3A_262, %swap3A_263, %swap3A_264], %swap3A_267 {strides = array<i32>} : memref<32x200x64xf32, #tpu.memory_space<vmem>>, vector<1x200x64xf32>,
    %get3A_268 = arith.constant 3400 : index
    %get3A_269 = arith.constant 0 : index
    %get3A_270 = vector.load %arg1[%get3A_268, %get3A_269] : memref<6400x128xf32, #tpu.memory_space<vmem>>, vector<200x64xf32>
    %convert_element_type3A_271 = arith.truncf %get3A_270 : vector<200x64xf32> to vector<200x64xbf16>
    %get3A_272 = arith.constant 1088 : index
    %get3A_273 = arith.constant 0 : index
    %get3A_274 = vector.load %arg2[%get3A_272, %get3A_273] : memref<2048x128xf32, #tpu.memory_space<vmem>>, vector<64x64xf32>
    %convert_element_type3A_275 = arith.truncf %get3A_274 : vector<64x64xf32> to vector<64x64xbf16>
    %dot_general3A_276 = arith.constant dense<0.000000e+00> : vector<200x64xf32>
    %dot_general3A_277 = tpu.matmul %convert_element_type3A_271, %convert_element_type3A_275, %dot_general3A_276 {dimension_numbers = #tpu.dot_dimension_numbers<[1], [0], [0], [1], [0, 0, 1, 1], [], []>, transpose_lhs_hint = false} : vector<200x64xbf16>, vector<64x64xbf16>, vector<200x64xf32> -> vector<200x64xf32>
    %swap3A_278 = arith.constant 17 : index
    %swap3A_279 = arith.constant 0 : index
    %swap3A_280 = arith.constant 0 : index
    %swap3A_281 = vector.load %arg3[%swap3A_278, %swap3A_279, %swap3A_280] : memref<32x200x64xf32, #tpu.memory_space<vmem>>, vector<1x200x64xf32>
    %swap3A_282 = vector.shape_cast %swap3A_281 : vector<1x200x64xf32> to vector<200x64xf32>
    %swap3A_283 = vector.shape_cast %dot_general3A_277 : vector<200x64xf32> to vector<1x200x64xf32>
    tpu.vector_store %arg3[%swap3A_278, %swap3A_279, %swap3A_280], %swap3A_283 {strides = array<i32>} : memref<32x200x64xf32, #tpu.memory_space<vmem>>, vector<1x200x64xf32>,
    %get3A_284 = arith.constant 3600 : index
    %get3A_285 = arith.constant 0 : index
    %get3A_286 = vector.load %arg1[%get3A_284, %get3A_285] : memref<6400x128xf32, #tpu.memory_space<vmem>>, vector<200x64xf32>
    %convert_element_type3A_287 = arith.truncf %get3A_286 : vector<200x64xf32> to vector<200x64xbf16>
    %get3A_288 = arith.constant 1152 : index
    %get3A_289 = arith.constant 0 : index
    %get3A_290 = vector.load %arg2[%get3A_288, %get3A_289] : memref<2048x128xf32, #tpu.memory_space<vmem>>, vector<64x64xf32>
    %convert_element_type3A_291 = arith.truncf %get3A_290 : vector<64x64xf32> to vector<64x64xbf16>
    %dot_general3A_292 = arith.constant dense<0.000000e+00> : vector<200x64xf32>
    %dot_general3A_293 = tpu.matmul %convert_element_type3A_287, %convert_element_type3A_291, %dot_general3A_292 {dimension_numbers = #tpu.dot_dimension_numbers<[1], [0], [0], [1], [0, 0, 1, 1], [], []>, transpose_lhs_hint = false} : vector<200x64xbf16>, vector<64x64xbf16>, vector<200x64xf32> -> vector<200x64xf32>
    %swap3A_294 = arith.constant 18 : index
    %swap3A_295 = arith.constant 0 : index
    %swap3A_296 = arith.constant 0 : index
    %swap3A_297 = vector.load %arg3[%swap3A_294, %swap3A_295, %swap3A_296] : memref<32x200x64xf32, #tpu.memory_space<vmem>>, vector<1x200x64xf32>
    %swap3A_298 = vector.shape_cast %swap3A_297 : vector<1x200x64xf32> to vector<200x64xf32>
    %swap3A_299 = vector.shape_cast %dot_general3A_293 : vector<200x64xf32> to vector<1x200x64xf32>
    tpu.vector_store %arg3[%swap3A_294, %swap3A_295, %swap3A_296], %swap3A_299 {strides = array<i32>} : memref<32x200x64xf32, #tpu.memory_space<vmem>>, vector<1x200x64xf32>,
    %get3A_300 = arith.constant 3800 : index
    %get3A_301 = arith.constant 0 : index
    %get3A_302 = vector.load %arg1[%get3A_300, %get3A_301] : memref<6400x128xf32, #tpu.memory_space<vmem>>, vector<200x64xf32>
    %convert_element_type3A_303 = arith.truncf %get3A_302 : vector<200x64xf32> to vector<200x64xbf16>
    %get3A_304 = arith.constant 1216 : index
    %get3A_305 = arith.constant 0 : index
    %get3A_306 = vector.load %arg2[%get3A_304, %get3A_305] : memref<2048x128xf32, #tpu.memory_space<vmem>>, vector<64x64xf32>
    %convert_element_type3A_307 = arith.truncf %get3A_306 : vector<64x64xf32> to vector<64x64xbf16>
    %dot_general3A_308 = arith.constant dense<0.000000e+00> : vector<200x64xf32>
    %dot_general3A_309 = tpu.matmul %convert_element_type3A_303, %convert_element_type3A_307, %dot_general3A_308 {dimension_numbers = #tpu.dot_dimension_numbers<[1], [0], [0], [1], [0, 0, 1, 1], [], []>, transpose_lhs_hint = false} : vector<200x64xbf16>, vector<64x64xbf16>, vector<200x64xf32> -> vector<200x64xf32>
    %swap3A_310 = arith.constant 19 : index
    %swap3A_311 = arith.constant 0 : index
    %swap3A_312 = arith.constant 0 : index
    %swap3A_313 = vector.load %arg3[%swap3A_310, %swap3A_311, %swap3A_312] : memref<32x200x64xf32, #tpu.memory_space<vmem>>, vector<1x200x64xf32>
    %swap3A_314 = vector.shape_cast %swap3A_313 : vector<1x200x64xf32> to vector<200x64xf32>
    %swap3A_315 = vector.shape_cast %dot_general3A_309 : vector<200x64xf32> to vector<1x200x64xf32>
    tpu.vector_store %arg3[%swap3A_310, %swap3A_311, %swap3A_312], %swap3A_315 {strides = array<i32>} : memref<32x200x64xf32, #tpu.memory_space<vmem>>, vector<1x200x64xf32>,
    %get3A_316 = arith.constant 4000 : index
    %get3A_317 = arith.constant 0 : index
    %get3A_318 = vector.load %arg1[%get3A_316, %get3A_317] : memref<6400x128xf32, #tpu.memory_space<vmem>>, vector<200x64xf32>
    %convert_element_type3A_319 = arith.truncf %get3A_318 : vector<200x64xf32> to vector<200x64xbf16>
    %get3A_320 = arith.constant 1280 : index
    %get3A_321 = arith.constant 0 : index
    %get3A_322 = vector.load %arg2[%get3A_320, %get3A_321] : memref<2048x128xf32, #tpu.memory_space<vmem>>, vector<64x64xf32>
    %convert_element_type3A_323 = arith.truncf %get3A_322 : vector<64x64xf32> to vector<64x64xbf16>
    %dot_general3A_324 = arith.constant dense<0.000000e+00> : vector<200x64xf32>
    %dot_general3A_325 = tpu.matmul %convert_element_type3A_319, %convert_element_type3A_323, %dot_general3A_324 {dimension_numbers = #tpu.dot_dimension_numbers<[1], [0], [0], [1], [0, 0, 1, 1], [], []>, transpose_lhs_hint = false} : vector<200x64xbf16>, vector<64x64xbf16>, vector<200x64xf32> -> vector<200x64xf32>
    %swap3A_326 = arith.constant 20 : index
    %swap3A_327 = arith.constant 0 : index
    %swap3A_328 = arith.constant 0 : index
    %swap3A_329 = vector.load %arg3[%swap3A_326, %swap3A_327, %swap3A_328] : memref<32x200x64xf32, #tpu.memory_space<vmem>>, vector<1x200x64xf32>
    %swap3A_330 = vector.shape_cast %swap3A_329 : vector<1x200x64xf32> to vector<200x64xf32>
    %swap3A_331 = vector.shape_cast %dot_general3A_325 : vector<200x64xf32> to vector<1x200x64xf32>
    tpu.vector_store %arg3[%swap3A_326, %swap3A_327, %swap3A_328], %swap3A_331 {strides = array<i32>} : memref<32x200x64xf32, #tpu.memory_space<vmem>>, vector<1x200x64xf32>,
    %get3A_332 = arith.constant 4200 : index
    %get3A_333 = arith.constant 0 : index
    %get3A_334 = vector.load %arg1[%get3A_332, %get3A_333] : memref<6400x128xf32, #tpu.memory_space<vmem>>, vector<200x64xf32>
    %convert_element_type3A_335 = arith.truncf %get3A_334 : vector<200x64xf32> to vector<200x64xbf16>
    %get3A_336 = arith.constant 1344 : index
    %get3A_337 = arith.constant 0 : index
    %get3A_338 = vector.load %arg2[%get3A_336, %get3A_337] : memref<2048x128xf32, #tpu.memory_space<vmem>>, vector<64x64xf32>
    %convert_element_type3A_339 = arith.truncf %get3A_338 : vector<64x64xf32> to vector<64x64xbf16>
    %dot_general3A_340 = arith.constant dense<0.000000e+00> : vector<200x64xf32>
    %dot_general3A_341 = tpu.matmul %convert_element_type3A_335, %convert_element_type3A_339, %dot_general3A_340 {dimension_numbers = #tpu.dot_dimension_numbers<[1], [0], [0], [1], [0, 0, 1, 1], [], []>, transpose_lhs_hint = false} : vector<200x64xbf16>, vector<64x64xbf16>, vector<200x64xf32> -> vector<200x64xf32>
    %swap3A_342 = arith.constant 21 : index
    %swap3A_343 = arith.constant 0 : index
    %swap3A_344 = arith.constant 0 : index
    %swap3A_345 = vector.load %arg3[%swap3A_342, %swap3A_343, %swap3A_344] : memref<32x200x64xf32, #tpu.memory_space<vmem>>, vector<1x200x64xf32>
    %swap3A_346 = vector.shape_cast %swap3A_345 : vector<1x200x64xf32> to vector<200x64xf32>
    %swap3A_347 = vector.shape_cast %dot_general3A_341 : vector<200x64xf32> to vector<1x200x64xf32>
    tpu.vector_store %arg3[%swap3A_342, %swap3A_343, %swap3A_344], %swap3A_347 {strides = array<i32>} : memref<32x200x64xf32, #tpu.memory_space<vmem>>, vector<1x200x64xf32>,
    %get3A_348 = arith.constant 4400 : index
    %get3A_349 = arith.constant 0 : index
    %get3A_350 = vector.load %arg1[%get3A_348, %get3A_349] : memref<6400x128xf32, #tpu.memory_space<vmem>>, vector<200x64xf32>
    %convert_element_type3A_351 = arith.truncf %get3A_350 : vector<200x64xf32> to vector<200x64xbf16>
    %get3A_352 = arith.constant 1408 : index
    %get3A_353 = arith.constant 0 : index
    %get3A_354 = vector.load %arg2[%get3A_352, %get3A_353] : memref<2048x128xf32, #tpu.memory_space<vmem>>, vector<64x64xf32>
    %convert_element_type3A_355 = arith.truncf %get3A_354 : vector<64x64xf32> to vector<64x64xbf16>
    %dot_general3A_356 = arith.constant dense<0.000000e+00> : vector<200x64xf32>
    %dot_general3A_357 = tpu.matmul %convert_element_type3A_351, %convert_element_type3A_355, %dot_general3A_356 {dimension_numbers = #tpu.dot_dimension_numbers<[1], [0], [0], [1], [0, 0, 1, 1], [], []>, transpose_lhs_hint = false} : vector<200x64xbf16>, vector<64x64xbf16>, vector<200x64xf32> -> vector<200x64xf32>
    %swap3A_358 = arith.constant 22 : index
    %swap3A_359 = arith.constant 0 : index
    %swap3A_360 = arith.constant 0 : index
    %swap3A_361 = vector.load %arg3[%swap3A_358, %swap3A_359, %swap3A_360] : memref<32x200x64xf32, #tpu.memory_space<vmem>>, vector<1x200x64xf32>
    %swap3A_362 = vector.shape_cast %swap3A_361 : vector<1x200x64xf32> to vector<200x64xf32>
    %swap3A_363 = vector.shape_cast %dot_general3A_357 : vector<200x64xf32> to vector<1x200x64xf32>
    tpu.vector_store %arg3[%swap3A_358, %swap3A_359, %swap3A_360], %swap3A_363 {strides = array<i32>} : memref<32x200x64xf32, #tpu.memory_space<vmem>>, vector<1x200x64xf32>,
    %get3A_364 = arith.constant 4600 : index
    %get3A_365 = arith.constant 0 : index
    %get3A_366 = vector.load %arg1[%get3A_364, %get3A_365] : memref<6400x128xf32, #tpu.memory_space<vmem>>, vector<200x64xf32>
    %convert_element_type3A_367 = arith.truncf %get3A_366 : vector<200x64xf32> to vector<200x64xbf16>
    %get3A_368 = arith.constant 1472 : index
    %get3A_369 = arith.constant 0 : index
    %get3A_370 = vector.load %arg2[%get3A_368, %get3A_369] : memref<2048x128xf32, #tpu.memory_space<vmem>>, vector<64x64xf32>
    %convert_element_type3A_371 = arith.truncf %get3A_370 : vector<64x64xf32> to vector<64x64xbf16>
    %dot_general3A_372 = arith.constant dense<0.000000e+00> : vector<200x64xf32>
    %dot_general3A_373 = tpu.matmul %convert_element_type3A_367, %convert_element_type3A_371, %dot_general3A_372 {dimension_numbers = #tpu.dot_dimension_numbers<[1], [0], [0], [1], [0, 0, 1, 1], [], []>, transpose_lhs_hint = false} : vector<200x64xbf16>, vector<64x64xbf16>, vector<200x64xf32> -> vector<200x64xf32>
    %swap3A_374 = arith.constant 23 : index
    %swap3A_375 = arith.constant 0 : index
    %swap3A_376 = arith.constant 0 : index
    %swap3A_377 = vector.load %arg3[%swap3A_374, %swap3A_375, %swap3A_376] : memref<32x200x64xf32, #tpu.memory_space<vmem>>, vector<1x200x64xf32>
    %swap3A_378 = vector.shape_cast %swap3A_377 : vector<1x200x64xf32> to vector<200x64xf32>
    %swap3A_379 = vector.shape_cast %dot_general3A_373 : vector<200x64xf32> to vector<1x200x64xf32>
    tpu.vector_store %arg3[%swap3A_374, %swap3A_375, %swap3A_376], %swap3A_379 {strides = array<i32>} : memref<32x200x64xf32, #tpu.memory_space<vmem>>, vector<1x200x64xf32>,
    %get3A_380 = arith.constant 4800 : index
    %get3A_381 = arith.constant 0 : index
    %get3A_382 = vector.load %arg1[%get3A_380, %get3A_381] : memref<6400x128xf32, #tpu.memory_space<vmem>>, vector<200x64xf32>
    %convert_element_type3A_383 = arith.truncf %get3A_382 : vector<200x64xf32> to vector<200x64xbf16>
    %get3A_384 = arith.constant 1536 : index
    %get3A_385 = arith.constant 0 : index
    %get3A_386 = vector.load %arg2[%get3A_384, %get3A_385] : memref<2048x128xf32, #tpu.memory_space<vmem>>, vector<64x64xf32>
    %convert_element_type3A_387 = arith.truncf %get3A_386 : vector<64x64xf32> to vector<64x64xbf16>
    %dot_general3A_388 = arith.constant dense<0.000000e+00> : vector<200x64xf32>
    %dot_general3A_389 = tpu.matmul %convert_element_type3A_383, %convert_element_type3A_387, %dot_general3A_388 {dimension_numbers = #tpu.dot_dimension_numbers<[1], [0], [0], [1], [0, 0, 1, 1], [], []>, transpose_lhs_hint = false} : vector<200x64xbf16>, vector<64x64xbf16>, vector<200x64xf32> -> vector<200x64xf32>
    %swap3A_390 = arith.constant 24 : index
    %swap3A_391 = arith.constant 0 : index
    %swap3A_392 = arith.constant 0 : index
    %swap3A_393 = vector.load %arg3[%swap3A_390, %swap3A_391, %swap3A_392] : memref<32x200x64xf32, #tpu.memory_space<vmem>>, vector<1x200x64xf32>
    %swap3A_394 = vector.shape_cast %swap3A_393 : vector<1x200x64xf32> to vector<200x64xf32>
    %swap3A_395 = vector.shape_cast %dot_general3A_389 : vector<200x64xf32> to vector<1x200x64xf32>
    tpu.vector_store %arg3[%swap3A_390, %swap3A_391, %swap3A_392], %swap3A_395 {strides = array<i32>} : memref<32x200x64xf32, #tpu.memory_space<vmem>>, vector<1x200x64xf32>,
    %get3A_396 = arith.constant 5000 : index
    %get3A_397 = arith.constant 0 : index
    %get3A_398 = vector.load %arg1[%get3A_396, %get3A_397] : memref<6400x128xf32, #tpu.memory_space<vmem>>, vector<200x64xf32>
    %convert_element_type3A_399 = arith.truncf %get3A_398 : vector<200x64xf32> to vector<200x64xbf16>
    %get3A_400 = arith.constant 1600 : index
    %get3A_401 = arith.constant 0 : index
    %get3A_402 = vector.load %arg2[%get3A_400, %get3A_401] : memref<2048x128xf32, #tpu.memory_space<vmem>>, vector<64x64xf32>
    %convert_element_type3A_403 = arith.truncf %get3A_402 : vector<64x64xf32> to vector<64x64xbf16>
    %dot_general3A_404 = arith.constant dense<0.000000e+00> : vector<200x64xf32>
    %dot_general3A_405 = tpu.matmul %convert_element_type3A_399, %convert_element_type3A_403, %dot_general3A_404 {dimension_numbers = #tpu.dot_dimension_numbers<[1], [0], [0], [1], [0, 0, 1, 1], [], []>, transpose_lhs_hint = false} : vector<200x64xbf16>, vector<64x64xbf16>, vector<200x64xf32> -> vector<200x64xf32>
    %swap3A_406 = arith.constant 25 : index
    %swap3A_407 = arith.constant 0 : index
    %swap3A_408 = arith.constant 0 : index
    %swap3A_409 = vector.load %arg3[%swap3A_406, %swap3A_407, %swap3A_408] : memref<32x200x64xf32, #tpu.memory_space<vmem>>, vector<1x200x64xf32>
    %swap3A_410 = vector.shape_cast %swap3A_409 : vector<1x200x64xf32> to vector<200x64xf32>
    %swap3A_411 = vector.shape_cast %dot_general3A_405 : vector<200x64xf32> to vector<1x200x64xf32>
    tpu.vector_store %arg3[%swap3A_406, %swap3A_407, %swap3A_408], %swap3A_411 {strides = array<i32>} : memref<32x200x64xf32, #tpu.memory_space<vmem>>, vector<1x200x64xf32>,
    %get3A_412 = arith.constant 5200 : index
    %get3A_413 = arith.constant 0 : index
    %get3A_414 = vector.load %arg1[%get3A_412, %get3A_413] : memref<6400x128xf32, #tpu.memory_space<vmem>>, vector<200x64xf32>
    %convert_element_type3A_415 = arith.truncf %get3A_414 : vector<200x64xf32> to vector<200x64xbf16>
    %get3A_416 = arith.constant 1664 : index
    %get3A_417 = arith.constant 0 : index
    %get3A_418 = vector.load %arg2[%get3A_416, %get3A_417] : memref<2048x128xf32, #tpu.memory_space<vmem>>, vector<64x64xf32>
    %convert_element_type3A_419 = arith.truncf %get3A_418 : vector<64x64xf32> to vector<64x64xbf16>
    %dot_general3A_420 = arith.constant dense<0.000000e+00> : vector<200x64xf32>
    %dot_general3A_421 = tpu.matmul %convert_element_type3A_415, %convert_element_type3A_419, %dot_general3A_420 {dimension_numbers = #tpu.dot_dimension_numbers<[1], [0], [0], [1], [0, 0, 1, 1], [], []>, transpose_lhs_hint = false} : vector<200x64xbf16>, vector<64x64xbf16>, vector<200x64xf32> -> vector<200x64xf32>
    %swap3A_422 = arith.constant 26 : index
    %swap3A_423 = arith.constant 0 : index
    %swap3A_424 = arith.constant 0 : index
    %swap3A_425 = vector.load %arg3[%swap3A_422, %swap3A_423, %swap3A_424] : memref<32x200x64xf32, #tpu.memory_space<vmem>>, vector<1x200x64xf32>
    %swap3A_426 = vector.shape_cast %swap3A_425 : vector<1x200x64xf32> to vector<200x64xf32>
    %swap3A_427 = vector.shape_cast %dot_general3A_421 : vector<200x64xf32> to vector<1x200x64xf32>
    tpu.vector_store %arg3[%swap3A_422, %swap3A_423, %swap3A_424], %swap3A_427 {strides = array<i32>} : memref<32x200x64xf32, #tpu.memory_space<vmem>>, vector<1x200x64xf32>,
    %get3A_428 = arith.constant 5400 : index
    %get3A_429 = arith.constant 0 : index
    %get3A_430 = vector.load %arg1[%get3A_428, %get3A_429] : memref<6400x128xf32, #tpu.memory_space<vmem>>, vector<200x64xf32>
    %convert_element_type3A_431 = arith.truncf %get3A_430 : vector<200x64xf32> to vector<200x64xbf16>
    %get3A_432 = arith.constant 1728 : index
    %get3A_433 = arith.constant 0 : index
    %get3A_434 = vector.load %arg2[%get3A_432, %get3A_433] : memref<2048x128xf32, #tpu.memory_space<vmem>>, vector<64x64xf32>
    %convert_element_type3A_435 = arith.truncf %get3A_434 : vector<64x64xf32> to vector<64x64xbf16>
    %dot_general3A_436 = arith.constant dense<0.000000e+00> : vector<200x64xf32>
    %dot_general3A_437 = tpu.matmul %convert_element_type3A_431, %convert_element_type3A_435, %dot_general3A_436 {dimension_numbers = #tpu.dot_dimension_numbers<[1], [0], [0], [1], [0, 0, 1, 1], [], []>, transpose_lhs_hint = false} : vector<200x64xbf16>, vector<64x64xbf16>, vector<200x64xf32> -> vector<200x64xf32>
    %swap3A_438 = arith.constant 27 : index
    %swap3A_439 = arith.constant 0 : index
    %swap3A_440 = arith.constant 0 : index
    %swap3A_441 = vector.load %arg3[%swap3A_438, %swap3A_439, %swap3A_440] : memref<32x200x64xf32, #tpu.memory_space<vmem>>, vector<1x200x64xf32>
    %swap3A_442 = vector.shape_cast %swap3A_441 : vector<1x200x64xf32> to vector<200x64xf32>
    %swap3A_443 = vector.shape_cast %dot_general3A_437 : vector<200x64xf32> to vector<1x200x64xf32>
    tpu.vector_store %arg3[%swap3A_438, %swap3A_439, %swap3A_440], %swap3A_443 {strides = array<i32>} : memref<32x200x64xf32, #tpu.memory_space<vmem>>, vector<1x200x64xf32>,
    %get3A_444 = arith.constant 5600 : index
    %get3A_445 = arith.constant 0 : index
    %get3A_446 = vector.load %arg1[%get3A_444, %get3A_445] : memref<6400x128xf32, #tpu.memory_space<vmem>>, vector<200x64xf32>
    %convert_element_type3A_447 = arith.truncf %get3A_446 : vector<200x64xf32> to vector<200x64xbf16>
    %get3A_448 = arith.constant 1792 : index
    %get3A_449 = arith.constant 0 : index
    %get3A_450 = vector.load %arg2[%get3A_448, %get3A_449] : memref<2048x128xf32, #tpu.memory_space<vmem>>, vector<64x64xf32>
    %convert_element_type3A_451 = arith.truncf %get3A_450 : vector<64x64xf32> to vector<64x64xbf16>
    %dot_general3A_452 = arith.constant dense<0.000000e+00> : vector<200x64xf32>
    %dot_general3A_453 = tpu.matmul %convert_element_type3A_447, %convert_element_type3A_451, %dot_general3A_452 {dimension_numbers = #tpu.dot_dimension_numbers<[1], [0], [0], [1], [0, 0, 1, 1], [], []>, transpose_lhs_hint = false} : vector<200x64xbf16>, vector<64x64xbf16>, vector<200x64xf32> -> vector<200x64xf32>
    %swap3A_454 = arith.constant 28 : index
    %swap3A_455 = arith.constant 0 : index
    %swap3A_456 = arith.constant 0 : index
    %swap3A_457 = vector.load %arg3[%swap3A_454, %swap3A_455, %swap3A_456] : memref<32x200x64xf32, #tpu.memory_space<vmem>>, vector<1x200x64xf32>
    %swap3A_458 = vector.shape_cast %swap3A_457 : vector<1x200x64xf32> to vector<200x64xf32>
    %swap3A_459 = vector.shape_cast %dot_general3A_453 : vector<200x64xf32> to vector<1x200x64xf32>
    tpu.vector_store %arg3[%swap3A_454, %swap3A_455, %swap3A_456], %swap3A_459 {strides = array<i32>} : memref<32x200x64xf32, #tpu.memory_space<vmem>>, vector<1x200x64xf32>,
    %get3A_460 = arith.constant 5800 : index
    %get3A_461 = arith.constant 0 : index
    %get3A_462 = vector.load %arg1[%get3A_460, %get3A_461] : memref<6400x128xf32, #tpu.memory_space<vmem>>, vector<200x64xf32>
    %convert_element_type3A_463 = arith.truncf %get3A_462 : vector<200x64xf32> to vector<200x64xbf16>
    %get3A_464 = arith.constant 1856 : index
    %get3A_465 = arith.constant 0 : index
    %get3A_466 = vector.load %arg2[%get3A_464, %get3A_465] : memref<2048x128xf32, #tpu.memory_space<vmem>>, vector<64x64xf32>
    %convert_element_type3A_467 = arith.truncf %get3A_466 : vector<64x64xf32> to vector<64x64xbf16>
    %dot_general3A_468 = arith.constant dense<0.000000e+00> : vector<200x64xf32>
    %dot_general3A_469 = tpu.matmul %convert_element_type3A_463, %convert_element_type3A_467, %dot_general3A_468 {dimension_numbers = #tpu.dot_dimension_numbers<[1], [0], [0], [1], [0, 0, 1, 1], [], []>, transpose_lhs_hint = false} : vector<200x64xbf16>, vector<64x64xbf16>, vector<200x64xf32> -> vector<200x64xf32>
    %swap3A_470 = arith.constant 29 : index
    %swap3A_471 = arith.constant 0 : index
    %swap3A_472 = arith.constant 0 : index
    %swap3A_473 = vector.load %arg3[%swap3A_470, %swap3A_471, %swap3A_472] : memref<32x200x64xf32, #tpu.memory_space<vmem>>, vector<1x200x64xf32>
    %swap3A_474 = vector.shape_cast %swap3A_473 : vector<1x200x64xf32> to vector<200x64xf32>
    %swap3A_475 = vector.shape_cast %dot_general3A_469 : vector<200x64xf32> to vector<1x200x64xf32>
    tpu.vector_store %arg3[%swap3A_470, %swap3A_471, %swap3A_472], %swap3A_475 {strides = array<i32>} : memref<32x200x64xf32, #tpu.memory_space<vmem>>, vector<1x200x64xf32>,
    %get3A_476 = arith.constant 6000 : index
    %get3A_477 = arith.constant 0 : index
    %get3A_478 = vector.load %arg1[%get3A_476, %get3A_477] : memref<6400x128xf32, #tpu.memory_space<vmem>>, vector<200x64xf32>
    %convert_element_type3A_479 = arith.truncf %get3A_478 : vector<200x64xf32> to vector<200x64xbf16>
    %get3A_480 = arith.constant 1920 : index
    %get3A_481 = arith.constant 0 : index
    %get3A_482 = vector.load %arg2[%get3A_480, %get3A_481] : memref<2048x128xf32, #tpu.memory_space<vmem>>, vector<64x64xf32>
    %convert_element_type3A_483 = arith.truncf %get3A_482 : vector<64x64xf32> to vector<64x64xbf16>
    %dot_general3A_484 = arith.constant dense<0.000000e+00> : vector<200x64xf32>
    %dot_general3A_485 = tpu.matmul %convert_element_type3A_479, %convert_element_type3A_483, %dot_general3A_484 {dimension_numbers = #tpu.dot_dimension_numbers<[1], [0], [0], [1], [0, 0, 1, 1], [], []>, transpose_lhs_hint = false} : vector<200x64xbf16>, vector<64x64xbf16>, vector<200x64xf32> -> vector<200x64xf32>
    %swap3A_486 = arith.constant 30 : index
    %swap3A_487 = arith.constant 0 : index
    %swap3A_488 = arith.constant 0 : index
    %swap3A_489 = vector.load %arg3[%swap3A_486, %swap3A_487, %swap3A_488] : memref<32x200x64xf32, #tpu.memory_space<vmem>>, vector<1x200x64xf32>
    %swap3A_490 = vector.shape_cast %swap3A_489 : vector<1x200x64xf32> to vector<200x64xf32>
    %swap3A_491 = vector.shape_cast %dot_general3A_485 : vector<200x64xf32> to vector<1x200x64xf32>
    tpu.vector_store %arg3[%swap3A_486, %swap3A_487, %swap3A_488], %swap3A_491 {strides = array<i32>} : memref<32x200x64xf32, #tpu.memory_space<vmem>>, vector<1x200x64xf32>,
    %get3A_492 = arith.constant 6200 : index
    %get3A_493 = arith.constant 0 : index
    %get3A_494 = vector.load %arg1[%get3A_492, %get3A_493] : memref<6400x128xf32, #tpu.memory_space<vmem>>, vector<200x64xf32>
    %convert_element_type3A_495 = arith.truncf %get3A_494 : vector<200x64xf32> to vector<200x64xbf16>
    %get3A_496 = arith.constant 1984 : index
    %get3A_497 = arith.constant 0 : index
    %get3A_498 = vector.load %arg2[%get3A_496, %get3A_497] : memref<2048x128xf32, #tpu.memory_space<vmem>>, vector<64x64xf32>
    %convert_element_type3A_499 = arith.truncf %get3A_498 : vector<64x64xf32> to vector<64x64xbf16>
    %dot_general3A_500 = arith.constant dense<0.000000e+00> : vector<200x64xf32>
    %dot_general3A_501 = tpu.matmul %convert_element_type3A_495, %convert_element_type3A_499, %dot_general3A_500 {dimension_numbers = #tpu.dot_dimension_numbers<[1], [0], [0], [1], [0, 0, 1, 1], [], []>, transpose_lhs_hint = false} : vector<200x64xbf16>, vector<64x64xbf16>, vector<200x64xf32> -> vector<200x64xf32>
    %swap3A_502 = arith.constant 31 : index
    %swap3A_503 = arith.constant 0 : index
    %swap3A_504 = arith.constant 0 : index
    %swap3A_505 = vector.load %arg3[%swap3A_502, %swap3A_503, %swap3A_504] : memref<32x200x64xf32, #tpu.memory_space<vmem>>, vector<1x200x64xf32>
    %swap3A_506 = vector.shape_cast %swap3A_505 : vector<1x200x64xf32> to vector<200x64xf32>
    %swap3A_507 = vector.shape_cast %dot_general3A_501 : vector<200x64xf32> to vector<1x200x64xf32>
    tpu.vector_store %arg3[%swap3A_502, %swap3A_503, %swap3A_504], %swap3A_507 {strides = array<i32>} : memref<32x200x64xf32, #tpu.memory_space<vmem>>, vector<1x200x64xf32>,
    return
  }
  func.func @transform_0(%arg0: i32) -> (i32, i32) {
    %c0_i32 = arith.constant 0 : i32
    %c0_i32_0 = arith.constant 0 : i32
    return %arg0, %c0_i32 : i32, i32
  }
  func.func @transform_1(%arg0: i32) -> (i32, i32) {
    %add3A = arith.constant 0 : i32
    %add3A_0 = arith.addi %arg0, %add3A : i32
    %c0_i32 = arith.constant 0 : i32
    %c0_i32_1 = arith.constant 0 : i32
    return %add3A_0, %c0_i32 : i32, i32
  }
  func.func @transform_2(%arg0: i32) -> (i32, i32, i32) {
    %c0_i32 = arith.constant 0 : i32
    %c0_i32_0 = arith.constant 0 : i32
    %c0_i32_1 = arith.constant 0 : i32
    return %arg0, %c0_i32, %c0_i32_0 : i32, i32, i32
  }
}

</mosaic_0001>

<sc_bundles>
// kernel: kernel.5.cloned.1.call-start
scs
__scs_entry_jumppad:
0x0: {  	(pc) =	sbr.rel $0x88, $3  }
0x1: {  	(tag) =	ssettag $0x0;
	lr =	simm.s32 $0x1  }
0x2: {  	[smem:$0x3F9D] =	sst lr;
	_ =	strace $0xD0000000  }
0x3: {  	_ = 	snop  }
0x4: {  	_ = 	snop  }
0x5: {  	_ = 	snop  }
0x6: {  	_ = 	snop  }
0x7: {  	_ = 	snop  }
__scs_overlays_trampoline_lowered:
0x8: {  	[smem:$0x3FAC] =	sst s0  }
0x9: {  	[smem:$0x3FAD] =	sst s1  }
0xa: {  	[smem:$0x3FAE] =	sst s2  }
0xb: {  	[smem:$0x3FAF] =	sst s3  }
0xc: {  	[smem:$0x3FB0] =	sst s4  }
0xd: {  	[smem:$0x3FB1] =	sst s5  }
0xe: {  	[smem:$0x3FB2] =	sst s6  }
0xf: {  	[smem:$0x3FB3] =	sst s7  }
0x10: {  	[smem:$0x3FB4] =	sst s8  }
0x11: {  	[smem:$0x3FB5] =	sst s9;
	s0 =	simm.s32 @!p0 $0x0  }
0x12: {  	s1 =	sld [smem:$0x3F9B];
	s0 =	simm.s32 @p0 $0x1  }
0x13: {  	[smem:$0x3FB6] =	sst s0;
	s0 =	simm.s32 @!p1 $0x0  }
0x14: {  	s2 =	sld [smem:$0x3F9A];
	s0 =	simm.s32 @p1 $0x1  }
0x15: {  	[smem:$0x3FB7] =	sst s0;
	s0 =	simm.s32 @!p2 $0x0  }
0x16: {  	s3 =	sld [smem:$0x3FDB];
	s0 =	simm.s32 @p2 $0x1  }
0x17: {  	s4 =	simm.s32 $0x1BF5;
	[smem:$0x3FB9] =	sst s0  }
0x18: {  	s0 =	sld [smem:$0x3F9C];
	_ =	swait.ge [sflag:s4], $0x0  }
0x19: {  	s7 =	sld [smem:$0x3F9D]  }
0x1a: {  	s8 =	sadd.s32 $0xFFFFE003, lr  }
0x1b: {  	s9 =	sadd.s32 $0xFFFFFEF7, lr;
	s5 =	simm.s32 $0xFFFFFFFF;
	p2 =	slt.u32 s8, $0xFFFFF086  }
0x1c: {  	p1 =	slt.u32 s9, $0xF7A;
	s5 =	simm.s32 @!p2 $0x0  }
0x1d: {  	s5 =	simm.s32 @p1 $0x1;
	p0 =	seq.s32 s7, s2  }
0x1e: {  	s7 =	smul.u32 @!p0 $0xF7A, s2;
	p2 =	seq.s32 @!p0 s5, $0x0  }
0x1f: {  	s9 =	smul.u32 $0xF7A, s1;
	s8 =	simm.s32 @!p0 $0x1BF5;
	p2 =	por !p2, p0  }
0x20: {  	[sflag:s8] =	ssyncset.s32 @!p0 $0xFFFFF086;
	s6 =	sadd.s32 @!p0 s3, s7;
	s7 =	simm.s32 @!p0 $0x108  }
0x21: {  	s3 =	sadd.s32 s3, s9;
	s6 =	sadd.s32 @!p0 $0x88, s6;
	s7 =	simm.s32 @p2 $0x1082  }
0x22: {  	[simem:s7], [sflag:s8] =	dma.local @!p0 [hbm:s6], $0xF7A  }
0x23: {  	s9 =	sor.u32 $0xD0000000, s2;
	s6 =	simm.s32 $0x108;
	_ =	swait.ge @!p0 [sflag:s8], $0x0  }
0x24: {  	s3 =	sadd.s32 $0x88, s3;
	s6 =	simm.s32 @!p1 $0x1082;
	[sflag:s4] =	ssyncset.s32 $0xFFFFF086  }
0x25: {  	[simem:s6], [sflag:s4] =	dma.local [hbm:s3], $0xF7A  }
0x26: {  	[smem:$0x3F9D] =	sst s1;
	(tag) =	ssettag s2;
	_ =	strace s9  }
0x27: {  	s1 =	sld [smem:$0x3FAD]  }
0x28: {  	s2 =	sld [smem:$0x3FAE]  }
0x29: {  	s4 =	sld [smem:$0x3FB0]  }
0x2a: {  	p0 =	seq.s32 s5, $0x0;
	s5 =	sld [smem:$0x3FB1]  }
0x2b: {  	s6 =	sld [smem:$0x3FB2]  }
0x2c: {  	s7 =	sld [smem:$0x3FB3]  }
0x2d: {  	s3 =	simm.s32 $0x108;
	s8 =	sld [smem:$0x3FB4]  }
0x2e: {  	s3 =	simm.s32 @!p0 $0x1082;
	s9 =	sld [smem:$0x3FB5]  }
0x2f: {  	lr =	sadd.s32 s0, s3;
	s0 =	sld [smem:$0x3FAC]  }
0x30: {  	s3 =	sld [smem:$0x3FAF]  }
0x31: {  	[smem:$0x3FB8] =	sst s10  }
0x32: {  	s10 =	sld [smem:$0x3FB6];
	_ =	sdelay $0x3  }
0x33: {  	p0 =	seq.s32 s10, $0x1;
	s10 =	sld [smem:$0x3FB8];
	_ =	sdelay $0x3  }
0x34: {  	[smem:$0x3FB8] =	sst s10  }
0x35: {  	s10 =	sld [smem:$0x3FB7];
	_ =	sdelay $0x3  }
0x36: {  	p1 =	seq.s32 s10, $0x1;
	s10 =	sld [smem:$0x3FB8];
	_ =	sdelay $0x3  }
0x37: {  	[smem:$0x3FB8] =	sst s10  }
0x38: {  	s10 =	sld [smem:$0x3FB9]  }
0x39: {  	_ = 	snop;
	(pc) =	sbr.ind lr, $3  }
0x3a: {  	_ = 	snop  }
0x3b: {  	_ = 	snop  }
0x3c: {  	p2 =	seq.s32 s10, $0x1;
	s10 =	sld [smem:$0x3FB8]  }
0x3d: {  	_ =	shalt  }
0x3e: {  	_ =	shalt  }
0x3f: {  	_ =	shalt  }
0x40: {  	_ =	shalt  }
0x41: {  	_ =	shalt  }
0x42: {  	_ =	shalt  }
0x43: {  	_ =	shalt  }
0x44: {  	_ =	shalt  }
0x45: {  	_ =	shalt  }
0x46: {  	_ =	shalt  }
0x47: {  	_ =	shalt  }
0x48: {  	_ =	shalt  }
0x49: {  	_ =	shalt  }
0x4a: {  	_ =	shalt  }
0x4b: {  	_ =	shalt  }
0x4c: {  	_ =	shalt  }
0x4d: {  	_ =	shalt  }
0x4e: {  	_ =	shalt  }
0x4f: {  	_ =	shalt  }
0x50: {  	_ =	shalt  }
0x51: {  	_ =	shalt  }
0x52: {  	_ =	shalt  }
0x53: {  	_ =	shalt  }
0x54: {  	_ =	shalt  }
0x55: {  	_ =	shalt  }
0x56: {  	_ =	shalt  }
0x57: {  	_ =	shalt  }
0x58: {  	_ =	shalt  }
0x59: {  	_ =	shalt  }
0x5a: {  	_ =	shalt  }
0x5b: {  	_ =	shalt  }
0x5c: {  	_ =	shalt  }
0x5d: {  	_ =	shalt  }
0x5e: {  	_ =	shalt  }
0x5f: {  	_ =	shalt  }
0x60: {  	_ =	shalt  }
0x61: {  	_ =	shalt  }
0x62: {  	_ =	shalt  }
0x63: {  	_ =	shalt  }
0x64: {  	_ =	shalt  }
0x65: {  	_ =	shalt  }
0x66: {  	_ =	shalt  }
0x67: {  	_ =	shalt  }
0x68: {  	_ =	shalt  }
0x69: {  	_ =	shalt  }
0x6a: {  	_ =	shalt  }
0x6b: {  	_ =	shalt  }
0x6c: {  	_ =	shalt  }
0x6d: {  	_ =	shalt  }
0x6e: {  	_ =	shalt  }
0x6f: {  	_ =	shalt  }
0x70: {  	_ =	shalt  }
0x71: {  	_ =	shalt  }
0x72: {  	_ =	shalt  }
0x73: {  	_ =	shalt  }
0x74: {  	_ =	shalt  }
0x75: {  	_ =	shalt  }
0x76: {  	_ =	shalt  }
0x77: {  	_ =	shalt  }
0x78: {  	_ =	shalt  }
0x79: {  	_ =	shalt  }
0x7a: {  	_ =	shalt  }
0x7b: {  	_ =	shalt  }
0x7c: {  	_ =	shalt  }
0x7d: {  	_ =	shalt  }
0x7e: {  	_ =	shalt  }
0x7f: {  	_ =	shalt  }
0x80: {  	_ =	shalt  }
0x81: {  	_ =	shalt  }
0x82: {  	_ =	shalt  }
0x83: {  	_ =	shalt  }
0x84: {  	_ =	shalt  }
0x85: {  	_ =	shalt  }
0x86: {  	_ =	shalt  }
0x87: {  	_ =	shalt  }
.Lfunc_end0:
.L_simem_size_0:
called_computation_lowered:
.L_overlay_start_0:
0x88: {  	s2 =	sld [smem:$0x3FD9]  }
0x89: {  	s3 =	sld [smem:$0x3FFE];
	_ =	sdelay $0x1  }
0x8a: {  	s1 =	srdreg.scid  }
0x8b: {  	s0 =	sand.u32 $0x1, s1  }
0x8c: {  	s16 =	sshll.u32 s0, $0xA;
	s2 =	sadd.s32 s3, s2  }
0x8d: {  	s2 =	sadd.s32 s2, s16  }
0x8e: {  	[smem:$0x3FC4] =	sst s2  }
0x8f: {  	_ = 	snop  }
0x90: {  	(tm) =	ssettm $0x1  }
0x91: {  	s17 =	sld [smem:$0x3FFB];
	_ =	sdelay $0x3  }
0x92: {  	_ =	strace s17  }
0x93: {  	s2 =	sld [smem:$0x3FFC];
	_ =	sdelay $0x3  }
0x94: {  	_ =	strace s2  }
0x95: {  	s2 =	sld [smem:$0x3FFD];
	_ =	sdelay $0x3  }
0x96: {  	_ =	strace s2  }
0x97: {  	_ =	strace $0x8FFFFFFF  }
0x98: {  	s18 =	sld [smem:$0x3FDB];
	_ =	sdelay $0x1  }
0x99: {  	s19 =	simm.s32 $_scs_section_size  }
0x9a: {  	s4 =	simm.s32 $_size__tile_overlayer_lowered;
	s5 =	simm.s32 $_tile_overlayer_lowered  }
0x9b: {  	s22 =	simm.s32 $0x1BFF;
	s21 =	sshll.u32 s5, $0x1;
	s2 =	sadd.s32 s19, s18  }
0x9c: {  	s6 =	simm.s32 $0x0;
	s20 =	sshll.u32 s4, $0x1;
	s4 =	sadd.s32 s21, s2  }
0x9d: {  	[timem:s6], [sflag:s22] =	dma.local [hbm:s4], s20  }
0x9e: {  	_ =	swait.ge [sflag:s22], s20  }
0x9f: {  	s3 =	ssub.s32 $0x0, s20;
	[sflag:s22] =	ssyncset.done $0x0  }
0xa0: {  	[sflag:s22] =	ssyncadd.s32 s3;
	_ =	sdelay $0x1  }
0xa1: {  	s23 =	simm.s32 $0x1B8B  }
0xa2: {  	_ =	swait.ge [sflag:s23], $0x1  }
0xa3: {  	[sflag:s23] =	ssyncset.done $0x0  }
0xa4: {  	s25 =	simm.s32 $0x1B8E;
	s24 =	sld [smem:$0x3FFE];
	[sflag:s23] =	ssyncadd.s32 $0xFFFFFFFF  }
0xa5: {  	s26 =	simm.s32 $execute0_lowered;
	[smem:$0x3FD2] =	sst s25  }
0xa6: {  	s4 =	sshll.u32 s26, $0x1;
	_ =	strace $0x80000046;
	[dreg:$0x1] =	wrdreg $0xFFFFFFFF  }
0xa7: {  	s28 =	simm.s32 $_size_execute0_lowered;
	s2 =	sadd.s32 s2, s4;
	[dreg:$0x0] =	wrdreg $0x0  }
0xa8: {  	s4 =	sshll.u32 s28, $0x1;
	[dreg:$0x2] =	wrdreg s2  }
0xa9: {  	[dreg:$0x3] =	wrdreg s4  }
0xaa: {  	[dreg:$0x4] =	wrdreg $0xC0  }
0xab: {  	_ =	task [dreg:s6], $0x5FFFF  }
0xac: {  	[dreg:$0x1] =	wrdreg $0xFFFFFFFF  }
0xad: {  	[dreg:$0x0] =	wrdreg $0x60  }
0xae: {  	[dreg:$0x2] =	wrdreg s24  }
0xaf: {  	[dreg:$0x3] =	wrdreg $0x9  }
0xb0: {  	_ =	task.clear_ibuf [dreg:s6], $0x4FFFF;
	_ =	strace $0x90000046  }
0xb1: {  	s29 =	simm.s32 $0x9;
	_ =	strace $0x80000048  }
0xb2: {  	_ =	swait.ge [sflag:s29], $0x1  }
0xb3: {  	[sflag:s29] =	ssyncadd.s32 $0xFFFFFFFF  }
0xb4: {  	_ =	strace $0x90000048  }
0xb5: {  	_ =	sfence  }
0xb6: {  	s30 =	sld [smem:$0x0];
	_ =	sdelay $0x2  }
0xb7: {  	s31 =	sshll.u32 s1, $0xD;
	s1 =	sshrl.u32 s1, $0x2  }
0xb8: {  	s3 =	sand.u32 $0x4000, s31;
	s1 =	sadd.s32 s1, s30  }
0xb9: {  	s0 =	sor.u32 s3, s0;
	s1 =	sshll.u32 s1, $0x11  }
0xba: {  	s0 =	sor.u32 s1, s0  }
0xbb: {  	s0 =	sadd.s32 $0x8F2B, s0  }
0xbc: {  	[sflag:s0] =	ssyncadd.remote.s32 $0x1  }
0xbd: {  	_ =	sfence.sel $0xFFFF  }
0xbe: {  	[dreg:$0x0] =	wrdreg $0xFFFFFFFF;
	(pc) =	sbr.abs _section_cstart, $3  }
0xbf: {  	[dreg:$0x1] =	wrdreg $0xFFFFFFFF  }
0xc0: {  	_ =	task.clear_ibuf [dreg:s6], $0x2FFFF;
	_ =	strace $0x9FFFFFFF  }
0xc1: {  	(tm) =	ssettm $0x7FFFFFFF  }
tec
execute0_lowered:
.L_overlay_start_1:
0x0: {  	(tag) =	ssettag $0x1  }
0x1: {  	s1 =	srdreg.scid;
	s0 =	stileid.u32  }
0x2: {  	s7 =	rddreg [dreg:$0x0];
	s2 =	simm.s32 $0x0;
	s17 =	smul.u32 $0xC800, s0  }
0x3: {  	s21 =	simm.s32 $0x1;
	s22 =	simm.s32 $0xEC00;
	s18 =	smul.u32 $0x190, s0  }
0x4: {  	s23 =	simm.s32 $0x12C00;
	s14 =	sand.u32 $0x1, s1;
	s25 =	smul.u32 $0xC8000, s0  }
0x5: {  	s28 =	simm.s32 $0x0;
	s24 =	sshll.u32 s0, $0x1;
	s19 =	smul.u32 $0xC8, s14  }
0x6: {  	[smem:$0x7FF] =	sst s2;
	s15 =	sadd.s32 $0xC00, s7;
	s20 =	smul.u32 $0x6400, s14  }
0x7: {  	s16 =	sadd.s32 $0x1400, s7;
	s6 =	sor.u32 s14, s24;
	s26 =	smul.u32 $0x64000, s14  }
0x8: {  	_ =	strace $0x80000047;
	s9 =	ssub.s32 $0x2, s14;
	s4 =	smul.u32 $0xC8, s6  }
0x9: {  	s24 =	simm.s32 $0x2;
	s10 =	sshrl.u32 s9, $0x1;
	s12 =	smul.u32 $0x64000, s6  }
0xa: {  	s9 =	ssub.s32 s9, s10;
	s18 =	sadd.s32 s19, s18;
	s17 =	sadd.s32 s20, s17  }
0xb: {  	s19 =	simm.s32 $0x6C00;
	s20 =	simm.s32 $0xAC00;
	s5 =	smin.u32 s4, $0x1828  }
0xc: {  	s6 =	smax.u32 s9, $0x1;
	s9 =	sadd.s32 s12, s16;
	s13 =	sor.u32 $0x1000, s12  }
0xd: {  	s18 =	smax.u32 s18, $0x1828;
	s17 =	sshll.u32 s17, $0x4;
	s3 =	sshll.u32 s5, $0x4  }
0xe: {  	s4 =	ssub.s32 s4, s5;
	s29 =	sshll.u32 s18, $0x9;
	s18 =	simm.s32 $0x80  }
0xf: {  	s8 =	sadd.s32 s3, s7;
	s3 =	sadd.s32 $0xF5C000, s7;
	s5 =	sshll.u32 s4, $0x9  }
0x10: {  	s30 =	sadd.s32 $0xFFCFB000, s29;
	s4 =	sadd.s32 $0xF43000, s8;
	s5 =	sshra.s32 s5, $0x2  }
0x11: {  	s8 =	sadd.s32 s15, s12;
	s12 =	sadd.s32 s15, s13;
	s13 =	sadd.s32 s13, s16  }
0x12: {  	s16 =	sadd.s32 s17, s16;
	s15 =	sadd.s32 s25, s15;
	s31 =	sshra.s32 s30, $0x2  }
0x13: {  	s17 =	simm.s32 $0x5;
	s25 =	simm.s32 $0x3;
	s7 =	sor.u32 $0x80, s5  }
0x14: {  	s10 =	sor.u32 $0x100, s5;
	s11 =	sor.u32 $0x180, s5;
	s14 =	sadd.s32 $0x3000, s16  }
0x15: {  	s15 =	sadd.s32 s26, s15;
	s16 =	sor.u32 $0x380, s31;
	s26 =	simm.s32 $0x4  }
.LBB2_1:
0x16: {  	[tilespmem:s2], [sflag:$0x5] =	stream.linear.gather [hbm4b:s4+s2], $0x6C00, $0x38;
	[tilespmem:$0x16C00] =	vst v63  }
0x17: {  	_ =	swait.ge [sflag:s17], $0x6C00  }
0x18: {  	[sflag:s17] =	ssyncset.done $0x0  }
0x19: {  	[sflag:s17] =	ssyncadd.s32 $0xFFFF9400  }
0x1a: {  	[tilespmem:s19], [sflag:$0x1] =	stream.indirect.gather [hbm4b:s3+s18], $0x80, s5, s18, $0xb8;
	[tilespmem:$0x16C00] =	vst v63  }
0x1b: {  	_ = 	snop  }
0x1c: {  	[tilespmem:s20], [sflag:$0x1] =	stream.indirect.gather [hbm4b:s3+s18], $0x80, s7, s18, $0xb8;
	[tilespmem:$0x16C00] =	vst v63  }
0x1d: {  	_ =	swait.ge [sflag:s21], $0x4000  }
0x1e: {  	[sflag:s21] =	ssyncset.done $0x0  }
0x1f: {  	[sflag:s21] =	ssyncadd.s32 $0xFFFFC000  }
0x20: {  	_ =	swait.ge [sflag:s21], $0x4000  }
0x21: {  	[sflag:s21] =	ssyncset.done $0x0  }
0x22: {  	[sflag:s21] =	ssyncadd.s32 $0xFFFFC000  }
0x23: {  	[hbm4b:s8+s2] =	stream.linear.scatter [tilespmem:s19], [sflag:$0x3], $0x4000, $0x38;
	[tilespmem:$0x16C00] =	vst v63  }
0x24: {  	_ = 	snop  }
0x25: {  	[hbm4b:s9+s2] =	stream.linear.scatter [tilespmem:s20], [sflag:$0x3], $0x4000, $0x38;
	[tilespmem:$0x16C00] =	vst v63  }
0x26: {  	_ = 	snop  }
0x27: {  	[tilespmem:s22], [sflag:$0x2] =	stream.indirect.gather [hbm4b:s3+s18], $0x80, s10, s18, $0xb8;
	[tilespmem:$0x16C00] =	vst v63  }
0x28: {  	_ = 	snop  }
0x29: {  	[tilespmem:s23], [sflag:$0x2] =	stream.indirect.gather [hbm4b:s3+s18], $0x80, s11, s18, $0xb8;
	[tilespmem:$0x16C00] =	vst v63  }
0x2a: {  	_ =	swait.ge [sflag:s24], $0x4000  }
0x2b: {  	[sflag:s24] =	ssyncset.done $0x0  }
0x2c: {  	[sflag:s24] =	ssyncadd.s32 $0xFFFFC000  }
0x2d: {  	_ =	swait.ge [sflag:s24], $0x4000  }
0x2e: {  	[sflag:s24] =	ssyncset.done $0x0  }
0x2f: {  	[sflag:s24] =	ssyncadd.s32 $0xFFFFC000  }
0x30: {  	[hbm4b:s12+s2] =	stream.linear.scatter [tilespmem:s22], [sflag:$0x4], $0x4000, $0x38;
	[tilespmem:$0x16C00] =	vst v63  }
0x31: {  	_ = 	snop  }
0x32: {  	[hbm4b:s13+s2] =	stream.linear.scatter [tilespmem:s23], [sflag:$0x4], $0x4000, $0x38;
	[tilespmem:$0x16C00] =	vst v63  }
0x33: {  	_ =	swait.ge [sflag:s25], $0x4000  }
0x34: {  	[sflag:s25] =	ssyncset.done $0x0  }
0x35: {  	[sflag:s25] =	ssyncadd.s32 $0xFFFFC000  }
0x36: {  	_ =	swait.ge [sflag:s25], $0x4000  }
0x37: {  	[sflag:s25] =	ssyncset.done $0x0  }
0x38: {  	s29 =	sadd.s32 $0xFFFFFE80, s16;
	[sflag:s25] =	ssyncadd.s32 $0xFFFFC000  }
0x39: {  	[tilespmem:s19], [sflag:$0x1] =	stream.indirect.gather [hbm4b:s3+s18], $0x80, s29, s18, $0xb8;
	[tilespmem:$0x16C00] =	vst v63  }
0x3a: {  	s29 =	sadd.s32 $0xFFFFFF00, s16  }
0x3b: {  	[tilespmem:s20], [sflag:$0x1] =	stream.indirect.gather [hbm4b:s3+s18], $0x80, s29, s18, $0xb8;
	[tilespmem:$0x16C00] =	vst v63  }
0x3c: {  	_ =	swait.ge [sflag:s21], $0x4000  }
0x3d: {  	[sflag:s21] =	ssyncset.done $0x0  }
0x3e: {  	[sflag:s21] =	ssyncadd.s32 $0xFFFFC000  }
0x3f: {  	_ =	swait.ge [sflag:s21], $0x4000  }
0x40: {  	s29 =	sadd.s32 $0x0, s15;
	[sflag:s21] =	ssyncset.done $0x0  }
0x41: {  	s30 =	sadd.s32 $0x2000, s29;
	[sflag:s21] =	ssyncadd.s32 $0xFFFFC000  }
0x42: {  	[hbm4b:s30+s2] =	stream.linear.scatter [tilespmem:s19], [sflag:$0x3], $0x4000, $0x38;
	[tilespmem:$0x16C00] =	vst v63  }
0x43: {  	s30 =	sadd.s32 $0x2800, s29  }
0x44: {  	[hbm4b:s30+s2] =	stream.linear.scatter [tilespmem:s20], [sflag:$0x3], $0x4000, $0x38;
	[tilespmem:$0x16C00] =	vst v63  }
0x45: {  	_ =	swait.ge [sflag:s26], $0x4000  }
0x46: {  	[sflag:s26] =	ssyncset.done $0x0  }
0x47: {  	[sflag:s26] =	ssyncadd.s32 $0xFFFFC000  }
0x48: {  	_ =	swait.ge [sflag:s26], $0x4000  }
0x49: {  	[sflag:s26] =	ssyncset.done $0x0  }
0x4a: {  	s30 =	sadd.s32 $0xFFFFFF80, s16;
	[sflag:s26] =	ssyncadd.s32 $0xFFFFC000  }
0x4b: {  	[tilespmem:s22], [sflag:$0x2] =	stream.indirect.gather [hbm4b:s3+s18], $0x80, s30, s18, $0xb8;
	[tilespmem:$0x16C00] =	vst v63  }
0x4c: {  	_ = 	snop  }
0x4d: {  	[tilespmem:s23], [sflag:$0x2] =	stream.indirect.gather [hbm4b:s3+s18], $0x80, s16, s18, $0xb8;
	[tilespmem:$0x16C00] =	vst v63  }
0x4e: {  	_ =	swait.ge [sflag:s24], $0x4000  }
0x4f: {  	[sflag:s24] =	ssyncset.done $0x0  }
0x50: {  	[sflag:s24] =	ssyncadd.s32 $0xFFFFC000  }
0x51: {  	_ =	swait.ge [sflag:s24], $0x4000  }
0x52: {  	[sflag:s24] =	ssyncset.done $0x0  }
0x53: {  	s29 =	sadd.s32 $0x3000, s29;
	[sflag:s24] =	ssyncadd.s32 $0xFFFFC000  }
0x54: {  	[hbm4b:s29+s2] =	stream.linear.scatter [tilespmem:s22], [sflag:$0x4], $0x4000, $0x38;
	[tilespmem:$0x16C00] =	vst v63  }
0x55: {  	s31 =	sadd.s32 $0x0, s14;
	s30 =	sadd.s32 $0x200, s16;
	s29 =	simm.s32 $0x2000  }
.LBB2_2:
0x56: {  	[hbm4b:s31+s2] =	stream.linear.scatter [tilespmem:s23], [sflag:$0x4], $0x4000, $0x38;
	[tilespmem:$0x16C00] =	vst v63  }
0x57: {  	s31 =	smov.u32 s29  }
0x58: {  	p0 =	sne.s32 s29, $0x60000;
	s29 =	sadd.s32 $0x2000, s29;
	_ =	swait.ge [sflag:s25], $0x4000  }
0x59: {  	[sflag:s25] =	ssyncset.done $0x0  }
0x5a: {  	[sflag:s25] =	ssyncadd.s32 $0xFFFFC000  }
0x5b: {  	_ =	swait.ge [sflag:s25], $0x4000  }
0x5c: {  	[sflag:s25] =	ssyncset.done $0x0  }
0x5d: {  	s1 =	sadd.s32 $0xFFFFFE80, s30;
	[sflag:s25] =	ssyncadd.s32 $0xFFFFC000  }
0x5e: {  	[tilespmem:s19], [sflag:$0x1] =	stream.indirect.gather [hbm4b:s3+s18], $0x80, s1, s18, $0xb8;
	[tilespmem:$0x16C00] =	vst v63  }
0x5f: {  	s1 =	sadd.s32 $0xFFFFFF00, s30  }
0x60: {  	[tilespmem:s20], [sflag:$0x1] =	stream.indirect.gather [hbm4b:s3+s18], $0x80, s1, s18, $0xb8;
	[tilespmem:$0x16C00] =	vst v63  }
0x61: {  	_ =	swait.ge [sflag:s21], $0x4000  }
0x62: {  	[sflag:s21] =	ssyncset.done $0x0  }
0x63: {  	[sflag:s21] =	ssyncadd.s32 $0xFFFFC000  }
0x64: {  	_ =	swait.ge [sflag:s21], $0x4000  }
0x65: {  	s1 =	sadd.s32 s31, s15;
	[sflag:s21] =	ssyncset.done $0x0  }
0x66: {  	s0 =	sadd.s32 $0x2000, s1;
	[sflag:s21] =	ssyncadd.s32 $0xFFFFC000  }
0x67: {  	[hbm4b:s0+s2] =	stream.linear.scatter [tilespmem:s19], [sflag:$0x3], $0x4000, $0x38;
	[tilespmem:$0x16C00] =	vst v63  }
0x68: {  	s0 =	sadd.s32 $0x2800, s1  }
0x69: {  	[hbm4b:s0+s2] =	stream.linear.scatter [tilespmem:s20], [sflag:$0x3], $0x4000, $0x38;
	[tilespmem:$0x16C00] =	vst v63  }
0x6a: {  	_ =	swait.ge [sflag:s26], $0x4000  }
0x6b: {  	[sflag:s26] =	ssyncset.done $0x0  }
0x6c: {  	[sflag:s26] =	ssyncadd.s32 $0xFFFFC000  }
0x6d: {  	_ =	swait.ge [sflag:s26], $0x4000  }
0x6e: {  	[sflag:s26] =	ssyncset.done $0x0  }
0x6f: {  	s0 =	sadd.s32 $0xFFFFFF80, s30;
	[sflag:s26] =	ssyncadd.s32 $0xFFFFC000  }
0x70: {  	[tilespmem:s22], [sflag:$0x2] =	stream.indirect.gather [hbm4b:s3+s18], $0x80, s0, s18, $0xb8;
	[tilespmem:$0x16C00] =	vst v63  }
0x71: {  	_ = 	snop  }
0x72: {  	[tilespmem:s23], [sflag:$0x2] =	stream.indirect.gather [hbm4b:s3+s18], $0x80, s30, s18, $0xb8;
	[tilespmem:$0x16C00] =	vst v63  }
0x73: {  	_ =	swait.ge [sflag:s24], $0x4000  }
0x74: {  	[sflag:s24] =	ssyncset.done $0x0  }
0x75: {  	[sflag:s24] =	ssyncadd.s32 $0xFFFFC000  }
.Ltmp0:
0x76: {  	_ =	swait.ge [sflag:s24], $0x4000;
	(pc) =	sbr.rel @p0 .LBB2_2-.Ltmp0, $4  }
0x77: {  	[sflag:s24] =	ssyncset.done $0x0  }
0x78: {  	s0 =	sadd.s32 $0x3000, s1;
	[sflag:s24] =	ssyncadd.s32 $0xFFFFC000  }
0x79: {  	[hbm4b:s0+s2] =	stream.linear.scatter [tilespmem:s22], [sflag:$0x4], $0x4000, $0x38;
	[tilespmem:$0x16C00] =	vst v63  }
0x7a: {  	s31 =	sadd.s32 s31, s14;
	s30 =	sadd.s32 $0x200, s30  }
0x7b: {  	[hbm4b:s31+s2] =	stream.linear.scatter [tilespmem:s23], [sflag:$0x4], $0x4000, $0x38;
	[tilespmem:$0x16C00] =	vst v63  }
0x7c: {  	_ =	swait.ge [sflag:s25], $0x4000  }
0x7d: {  	[sflag:s25] =	ssyncset.done $0x0  }
0x7e: {  	[sflag:s25] =	ssyncadd.s32 $0xFFFFC000  }
0x7f: {  	_ =	swait.ge [sflag:s25], $0x4000  }
0x80: {  	[sflag:s25] =	ssyncset.done $0x0  }
0x81: {  	s28 =	sadd.s32 $0x1, s28;
	[sflag:s25] =	ssyncadd.s32 $0xFFFFC000  }
0x82: {  	p0 =	sne.s32 s28, s6;
	_ =	swait.ge [sflag:s26], $0x4000  }
.Ltmp1:
0x83: {  	[sflag:s26] =	ssyncset.done $0x0;
	(pc) =	sbr.rel @p0 .LBB2_1-.Ltmp1, $4  }
0x84: {  	[sflag:s26] =	ssyncadd.s32 $0xFFFFC000  }
0x85: {  	_ =	swait.ge [sflag:s26], $0x4000  }
0x86: {  	[sflag:s26] =	ssyncset.done $0x0  }
0x87: {  	[sflag:s26] =	ssyncadd.s32 $0xFFFFC000  }
0x88: {  	_ =	sfence.sel $0x180000  }
0x89: {  	[bflag:$0x0] =	sbarrier.arrive $0xFFFF  }
0x8a: {  	_ =	strace $0x90000047  }
0x8b: {  	s0 =	stileid.u32;
	[bflag:$0x2] =	sbarrier.arrive $0xFFFF  }
0x8c: {  	p0 =	sne.s32 s0, $0x0;
	s0 =	rddreg [dreg:$0x1]  }
0x8d: {  	s0 =	sadd.s32 @!p0 $0x100000, s0  }
0x8e: {  	[sflag:s0] =	ssyncadd.tile.s32 @!p0 $0x1;
	_ =	shalt  }
.Lfunc_end2:
_tile_overlayer_lowered:
.L_overlay_start_2:
0x8f: {  	(tag) =	ssettag $0x2  }
0x90: {  	s0 =	rddreg [dreg:$0x0];
	s2 =	stileid.u32  }
0x91: {  	s1 =	rddreg [dreg:$0x1];
	p0 =	sne.s32 s2, $0x0  }
0x92: {  	s3 =	rddreg [dreg:$0x2];
	[bflag:$0x3] =	sbarrier.arrive $0xFFFF;
	s2 =	simm.s32 @!p0 $0x1C05  }
0x93: {  	[timem:s3], [sflag:s2] =	dma.local @!p0 [hbm:s0], s1  }
0x94: {  	s0 =	simm.s32 @!p0 $0x5  }
0x95: {  	_ =	swait.ge @!p0 [sflag:s0], s1  }
0x96: {  	s1 =	ssub.s32 @!p0 $0x0, s1;
	[sflag:s0] =	ssyncset.done @!p0 $0x0  }
0x97: {  	[sflag:s0] =	ssyncadd.s32 @!p0 s1  }
0x98: {  	[bflag:$0x3] =	sbarrier.arrive $0xFFFF  }
0x99: {  	_ =	shalt  }

// kernel: kernel.8.cloned.1.call-start
scs
__scs_entry_jumppad:
0x0: {  	(pc) =	sbr.rel $0x88, $3  }
0x1: {  	(tag) =	ssettag $0x0;
	lr =	simm.s32 $0x1  }
0x2: {  	[smem:$0x3F9D] =	sst lr;
	_ =	strace $0xD0000000  }
0x3: {  	_ = 	snop  }
0x4: {  	_ = 	snop  }
0x5: {  	_ = 	snop  }
0x6: {  	_ = 	snop  }
0x7: {  	_ = 	snop  }
__scs_overlays_trampoline_lowered:
0x8: {  	[smem:$0x3FAC] =	sst s0  }
0x9: {  	[smem:$0x3FAD] =	sst s1  }
0xa: {  	[smem:$0x3FAE] =	sst s2  }
0xb: {  	[smem:$0x3FAF] =	sst s3  }
0xc: {  	[smem:$0x3FB0] =	sst s4  }
0xd: {  	[smem:$0x3FB1] =	sst s5  }
0xe: {  	[smem:$0x3FB2] =	sst s6  }
0xf: {  	[smem:$0x3FB3] =	sst s7  }
0x10: {  	[smem:$0x3FB4] =	sst s8  }
0x11: {  	[smem:$0x3FB5] =	sst s9;
	s0 =	simm.s32 @!p0 $0x0  }
0x12: {  	s1 =	sld [smem:$0x3F9B];
	s0 =	simm.s32 @p0 $0x1  }
0x13: {  	[smem:$0x3FB6] =	sst s0;
	s0 =	simm.s32 @!p1 $0x0  }
0x14: {  	s2 =	sld [smem:$0x3F9A];
	s0 =	simm.s32 @p1 $0x1  }
0x15: {  	[smem:$0x3FB7] =	sst s0;
	s0 =	simm.s32 @!p2 $0x0  }
0x16: {  	s3 =	sld [smem:$0x3FDB];
	s0 =	simm.s32 @p2 $0x1  }
0x17: {  	s4 =	simm.s32 $0x1BF5;
	[smem:$0x3FB9] =	sst s0  }
0x18: {  	s0 =	sld [smem:$0x3F9C];
	_ =	swait.ge [sflag:s4], $0x0  }
0x19: {  	s7 =	sld [smem:$0x3F9D]  }
0x1a: {  	s8 =	sadd.s32 $0xFFFFE003, lr  }
0x1b: {  	s9 =	sadd.s32 $0xFFFFFEF7, lr;
	s5 =	simm.s32 $0xFFFFFFFF;
	p2 =	slt.u32 s8, $0xFFFFF086  }
0x1c: {  	p1 =	slt.u32 s9, $0xF7A;
	s5 =	simm.s32 @!p2 $0x0  }
0x1d: {  	s5 =	simm.s32 @p1 $0x1;
	p0 =	seq.s32 s7, s2  }
0x1e: {  	s7 =	smul.u32 @!p0 $0xF7A, s2;
	p2 =	seq.s32 @!p0 s5, $0x0  }
0x1f: {  	s9 =	smul.u32 $0xF7A, s1;
	s8 =	simm.s32 @!p0 $0x1BF5;
	p2 =	por !p2, p0  }
0x20: {  	[sflag:s8] =	ssyncset.s32 @!p0 $0xFFFFF086;
	s6 =	sadd.s32 @!p0 s3, s7;
	s7 =	simm.s32 @!p0 $0x108  }
0x21: {  	s3 =	sadd.s32 s3, s9;
	s6 =	sadd.s32 @!p0 $0x88, s6;
	s7 =	simm.s32 @p2 $0x1082  }
0x22: {  	[simem:s7], [sflag:s8] =	dma.local @!p0 [hbm:s6], $0xF7A  }
0x23: {  	s9 =	sor.u32 $0xD0000000, s2;
	s6 =	simm.s32 $0x108;
	_ =	swait.ge @!p0 [sflag:s8], $0x0  }
0x24: {  	s3 =	sadd.s32 $0x88, s3;
	s6 =	simm.s32 @!p1 $0x1082;
	[sflag:s4] =	ssyncset.s32 $0xFFFFF086  }
0x25: {  	[simem:s6], [sflag:s4] =	dma.local [hbm:s3], $0xF7A  }
0x26: {  	[smem:$0x3F9D] =	sst s1;
	(tag) =	ssettag s2;
	_ =	strace s9  }
0x27: {  	s1 =	sld [smem:$0x3FAD]  }
0x28: {  	s2 =	sld [smem:$0x3FAE]  }
0x29: {  	s4 =	sld [smem:$0x3FB0]  }
0x2a: {  	p0 =	seq.s32 s5, $0x0;
	s5 =	sld [smem:$0x3FB1]  }
0x2b: {  	s6 =	sld [smem:$0x3FB2]  }
0x2c: {  	s7 =	sld [smem:$0x3FB3]  }
0x2d: {  	s3 =	simm.s32 $0x108;
	s8 =	sld [smem:$0x3FB4]  }
0x2e: {  	s3 =	simm.s32 @!p0 $0x1082;
	s9 =	sld [smem:$0x3FB5]  }
0x2f: {  	lr =	sadd.s32 s0, s3;
	s0 =	sld [smem:$0x3FAC]  }
0x30: {  	s3 =	sld [smem:$0x3FAF]  }
0x31: {  	[smem:$0x3FB8] =	sst s10  }
0x32: {  	s10 =	sld [smem:$0x3FB6];
	_ =	sdelay $0x3  }
0x33: {  	p0 =	seq.s32 s10, $0x1;
	s10 =	sld [smem:$0x3FB8];
	_ =	sdelay $0x3  }
0x34: {  	[smem:$0x3FB8] =	sst s10  }
0x35: {  	s10 =	sld [smem:$0x3FB7];
	_ =	sdelay $0x3  }
0x36: {  	p1 =	seq.s32 s10, $0x1;
	s10 =	sld [smem:$0x3FB8];
	_ =	sdelay $0x3  }
0x37: {  	[smem:$0x3FB8] =	sst s10  }
0x38: {  	s10 =	sld [smem:$0x3FB9]  }
0x39: {  	_ = 	snop;
	(pc) =	sbr.ind lr, $3  }
0x3a: {  	_ = 	snop  }
0x3b: {  	_ = 	snop  }
0x3c: {  	p2 =	seq.s32 s10, $0x1;
	s10 =	sld [smem:$0x3FB8]  }
0x3d: {  	_ =	shalt  }
0x3e: {  	_ =	shalt  }
0x3f: {  	_ =	shalt  }
0x40: {  	_ =	shalt  }
0x41: {  	_ =	shalt  }
0x42: {  	_ =	shalt  }
0x43: {  	_ =	shalt  }
0x44: {  	_ =	shalt  }
0x45: {  	_ =	shalt  }
0x46: {  	_ =	shalt  }
0x47: {  	_ =	shalt  }
0x48: {  	_ =	shalt  }
0x49: {  	_ =	shalt  }
0x4a: {  	_ =	shalt  }
0x4b: {  	_ =	shalt  }
0x4c: {  	_ =	shalt  }
0x4d: {  	_ =	shalt  }
0x4e: {  	_ =	shalt  }
0x4f: {  	_ =	shalt  }
0x50: {  	_ =	shalt  }
0x51: {  	_ =	shalt  }
0x52: {  	_ =	shalt  }
0x53: {  	_ =	shalt  }
0x54: {  	_ =	shalt  }
0x55: {  	_ =	shalt  }
0x56: {  	_ =	shalt  }
0x57: {  	_ =	shalt  }
0x58: {  	_ =	shalt  }
0x59: {  	_ =	shalt  }
0x5a: {  	_ =	shalt  }
0x5b: {  	_ =	shalt  }
0x5c: {  	_ =	shalt  }
0x5d: {  	_ =	shalt  }
0x5e: {  	_ =	shalt  }
0x5f: {  	_ =	shalt  }
0x60: {  	_ =	shalt  }
0x61: {  	_ =	shalt  }
0x62: {  	_ =	shalt  }
0x63: {  	_ =	shalt  }
0x64: {  	_ =	shalt  }
0x65: {  	_ =	shalt  }
0x66: {  	_ =	shalt  }
0x67: {  	_ =	shalt  }
0x68: {  	_ =	shalt  }
0x69: {  	_ =	shalt  }
0x6a: {  	_ =	shalt  }
0x6b: {  	_ =	shalt  }
0x6c: {  	_ =	shalt  }
0x6d: {  	_ =	shalt  }
0x6e: {  	_ =	shalt  }
0x6f: {  	_ =	shalt  }
0x70: {  	_ =	shalt  }
0x71: {  	_ =	shalt  }
0x72: {  	_ =	shalt  }
0x73: {  	_ =	shalt  }
0x74: {  	_ =	shalt  }
0x75: {  	_ =	shalt  }
0x76: {  	_ =	shalt  }
0x77: {  	_ =	shalt  }
0x78: {  	_ =	shalt  }
0x79: {  	_ =	shalt  }
0x7a: {  	_ =	shalt  }
0x7b: {  	_ =	shalt  }
0x7c: {  	_ =	shalt  }
0x7d: {  	_ =	shalt  }
0x7e: {  	_ =	shalt  }
0x7f: {  	_ =	shalt  }
0x80: {  	_ =	shalt  }
0x81: {  	_ =	shalt  }
0x82: {  	_ =	shalt  }
0x83: {  	_ =	shalt  }
0x84: {  	_ =	shalt  }
0x85: {  	_ =	shalt  }
0x86: {  	_ =	shalt  }
0x87: {  	_ =	shalt  }
.Lfunc_end0:
.L_simem_size_0:
called_computation.1_lowered:
.L_overlay_start_0:
0x88: {  	s2 =	sld [smem:$0x3FD9]  }
0x89: {  	s3 =	sld [smem:$0x3FFE];
	_ =	sdelay $0x1  }
0x8a: {  	s1 =	srdreg.scid  }
0x8b: {  	s0 =	sand.u32 $0x1, s1  }
0x8c: {  	s17 =	sshll.u32 s0, $0xA;
	s2 =	sadd.s32 s3, s2  }
0x8d: {  	s2 =	sadd.s32 s2, s17  }
0x8e: {  	[smem:$0x3FC4] =	sst s2  }
0x8f: {  	_ = 	snop  }
0x90: {  	s18 =	sld [smem:$0x3FD0];
	(tm) =	ssettm $0x1  }
0x91: {  	s19 =	sld [smem:$0x3FFB];
	_ =	sdelay $0x3  }
0x92: {  	_ =	strace s19  }
0x93: {  	s2 =	sld [smem:$0x3FFC];
	_ =	sdelay $0x3  }
0x94: {  	_ =	strace s2  }
0x95: {  	s2 =	sld [smem:$0x3FFD];
	_ =	sdelay $0x3  }
0x96: {  	_ =	strace s2  }
0x97: {  	_ =	strace $0x8FFFFFFF  }
0x98: {  	s20 =	sld [smem:$0x3FDB];
	_ =	sdelay $0x1  }
0x99: {  	s4 =	simm.s32 $_scs_section_size  }
0x9a: {  	s5 =	simm.s32 $_size__tile_overlayer_lowered;
	s6 =	simm.s32 $_tile_overlayer_lowered  }
0x9b: {  	s7 =	simm.s32 $0x1BFF;
	s21 =	sshll.u32 s6, $0x1;
	s4 =	sadd.s32 s4, s20  }
0x9c: {  	s22 =	simm.s32 $0x0;
	s5 =	sshll.u32 s5, $0x1;
	s6 =	sadd.s32 s21, s4  }
0x9d: {  	[timem:s22], [sflag:s7] =	dma.local [hbm:s6], s5  }
0x9e: {  	_ =	swait.ge [sflag:s7], s5  }
0x9f: {  	s5 =	ssub.s32 $0x0, s5;
	[sflag:s7] =	ssyncset.done $0x0  }
0xa0: {  	[sflag:s7] =	ssyncadd.s32 s5;
	_ =	sdelay $0x1  }
0xa1: {  	s23 =	simm.s32 $0x1B8B  }
0xa2: {  	_ =	swait.ge [sflag:s23], $0x1  }
0xa3: {  	[sflag:s23] =	ssyncset.done $0x0  }
0xa4: {  	[sflag:s23] =	ssyncadd.s32 $0xFFFFFFFF  }
0xa5: {  	s5 =	sld [smem:$0x0]  }
0xa6: {  	s6 =	sand.u32 $0xFFFFFFFE, s1  }
0xa7: {  	p0 =	sne.s32 s1, s6  }
0xa8: {  	s6 =	sshll.u32 @p0 s6, $0xE  }
0xa9: {  	s6 =	sadd.s32 @p0 $0x11B8D, s6;
	s7 =	sshll.u32 @p0 s5, $0x11  }
0xaa: {  	s6 =	sor.u32 @p0 s7, s6  }
0xab: {  	[sflag:s6] =	ssyncadd.remote.s32 @p0 $0x1;
	_ =	sdelay $0x1  }
0xac: {  	s6 =	simm.s32 @p0 $0x1B8D  }
0xad: {  	_ =	swait.eq @p0 [sflag:s6], $0x1  }
0xae: {  	[sflag:s6] =	ssyncadd.s32 @p0 $0xFFFFFFFF  }
0xaf: {  	s7 =	sshll.u32 @!p0 s1, $0xE  }
0xb0: {  	s7 =	sor.u32 @!p0 $0x4000, s7;
	s6 =	simm.s32 @!p0 $0x1B8D  }
0xb1: {  	s5 =	sshll.u32 @!p0 s5, $0x11;
	s7 =	sadd.s32 @!p0 $0x11B8D, s7;
	_ =	swait.eq @!p0 [sflag:s6], $0x1  }
0xb2: {  	s5 =	sor.u32 @!p0 s5, s7;
	[sflag:s6] =	ssyncadd.s32 @!p0 $0xFFFFFFFF  }
0xb3: {  	s25 =	simm.s32 $0x1B8E;
	s24 =	sld [smem:$0x3FFE];
	[sflag:s5] =	ssyncadd.remote.s32 @!p0 $0x1  }
0xb4: {  	s26 =	simm.s32 $execute0_lowered;
	[smem:$0x3FD2] =	sst s25  }
0xb5: {  	s6 =	sshll.u32 s26, $0x1;
	_ =	strace $0x80000049;
	[dreg:$0x1] =	wrdreg $0xFFFFFFFF  }
0xb6: {  	s28 =	simm.s32 $_size_execute0_lowered;
	s4 =	sadd.s32 s4, s6;
	[dreg:$0x0] =	wrdreg $0x0  }
0xb7: {  	s6 =	sshll.u32 s28, $0x1;
	[dreg:$0x2] =	wrdreg s4  }
0xb8: {  	[dreg:$0x3] =	wrdreg s6  }
0xb9: {  	[dreg:$0x4] =	wrdreg $0xC0  }
0xba: {  	_ =	task [dreg:s22], $0x5FFFF  }
0xbb: {  	[dreg:$0x1] =	wrdreg $0xFFFFFFFF  }
0xbc: {  	[dreg:$0x0] =	wrdreg $0x60  }
0xbd: {  	[dreg:$0x2] =	wrdreg s24  }
0xbe: {  	[dreg:$0x3] =	wrdreg s18  }
0xbf: {  	[dreg:$0x4] =	wrdreg $0xA  }
0xc0: {  	_ =	task.clear_ibuf [dreg:s22], $0x5FFFF;
	_ =	strace $0x90000049  }
0xc1: {  	s29 =	simm.s32 $0xA;
	_ =	strace $0x8000004B  }
0xc2: {  	_ =	swait.ge [sflag:s29], $0x1  }
0xc3: {  	[sflag:s29] =	ssyncadd.s32 $0xFFFFFFFF  }
0xc4: {  	_ =	strace $0x9000004B  }
0xc5: {  	_ =	sfence  }
0xc6: {  	s30 =	sld [smem:$0x0];
	_ =	sdelay $0x2  }
0xc7: {  	s31 =	sshll.u32 s1, $0xD;
	s1 =	sshrl.u32 s1, $0x2  }
0xc8: {  	s4 =	sand.u32 $0x4000, s31;
	s1 =	sadd.s32 s1, s30  }
0xc9: {  	s0 =	sor.u32 s4, s0;
	s1 =	sshll.u32 s1, $0x11  }
0xca: {  	s0 =	sor.u32 s1, s0  }
0xcb: {  	s0 =	sadd.s32 $0x8F2B, s0  }
0xcc: {  	[sflag:s0] =	ssyncadd.remote.s32 $0x1  }
0xcd: {  	_ =	sfence.sel $0xFFFF  }
0xce: {  	[dreg:$0x0] =	wrdreg $0xFFFFFFFF;
	(pc) =	sbr.abs _section_cstart, $3  }
0xcf: {  	[dreg:$0x1] =	wrdreg $0xFFFFFFFF  }
0xd0: {  	_ =	task.clear_ibuf [dreg:s22], $0x2FFFF;
	_ =	strace $0x9FFFFFFF  }
0xd1: {  	(tm) =	ssettm $0x7FFFFFFF  }
tec
execute0_lowered:
.L_overlay_start_1:
0x0: {  	(tag) =	ssettag $0x1  }
0x1: {  	s1 =	srdreg.scid;
	s3 =	rddreg [dreg:$0x0]  }
0x2: {  	s0 =	stileid.u32;
	s14 =	rddreg [dreg:$0x1]  }
0x3: {  	s2 =	simm.s32 $0x0;
	s20 =	simm.s32 $0x1;
	s21 =	simm.s32 $0xA800  }
0x4: {  	s22 =	simm.s32 $0xE800;
	s23 =	simm.s32 $0x2;
	s24 =	simm.s32 $0x3  }
0x5: {  	s25 =	simm.s32 $0x4;
	s13 =	sand.u32 $0x1, s1;
	s1 =	rddreg [dreg:$0x2]  }
0x6: {  	s26 =	simm.s32 $0x0;
	s29 =	sshll.u32 s0, $0x1;
	[smem:$0x7FF] =	sst s2  }
0x7: {  	s15 =	sadd.s32 $0x800, s14;
	s17 =	sshll.u32 s0, $0x7;
	s19 =	sshll.u32 s0, $0x12  }
0x8: {  	s5 =	sor.u32 s13, s29;
	_ =	strace $0x8000004A;
	s8 =	ssub.s32 $0x2, s13  }
0x9: {  	s18 =	sshll.u32 s13, $0x6;
	s30 =	sshll.u32 s13, $0x11;
	s4 =	sshll.u32 s5, $0x6  }
0xa: {  	s9 =	sshrl.u32 s8, $0x1;
	s12 =	sshll.u32 s5, $0x11;
	s17 =	sor.u32 s18, s17  }
0xb: {  	s18 =	simm.s32 $0x2800;
	s6 =	smin.u32 s4, $0x7B0;
	s8 =	ssub.s32 s8, s9  }
0xc: {  	s9 =	sadd.s32 s12, s15;
	s16 =	sor.u32 $0x1000, s12;
	s17 =	smax.u32 s17, $0x7B0  }
0xd: {  	s7 =	sshll.u32 s6, $0x4;
	s6 =	ssub.s32 s4, s6;
	s13 =	sadd.s32 s16, s15  }
0xe: {  	s31 =	sshll.u32 s17, $0x7;
	s17 =	simm.s32 $0x80;
	s7 =	sadd.s32 s7, s3  }
0xf: {  	s3 =	sadd.s32 $0x2DE0800, s3;
	s6 =	sshll.u32 s6, $0x9;
	s15 =	sadd.s32 $0xFFFC2B80, s31  }
0x10: {  	s4 =	sadd.s32 $0xC80C00, s7;
	s5 =	sshra.s32 s6, $0x2;
	s6 =	smax.u32 s8, $0x1  }
0x11: {  	s8 =	sadd.s32 s14, s12;
	s12 =	sadd.s32 s14, s16;
	s14 =	sadd.s32 s19, s14  }
0x12: {  	s16 =	simm.s32 $0x5;
	s19 =	simm.s32 $0x6800;
	s7 =	sor.u32 $0x80, s5  }
0x13: {  	s10 =	sor.u32 $0x100, s5;
	s11 =	sor.u32 $0x180, s5;
	s14 =	sadd.s32 s30, s14  }
.LBB2_1:
0x14: {  	[tilespmem:s2], [sflag:$0x5] =	stream.linear.gather [hbm4b:s4+s2], $0x2800, $0x38;
	[tilespmem:$0x12800] =	vst v63  }
0x15: {  	_ =	swait.ge [sflag:s16], $0x2800  }
0x16: {  	[sflag:s16] =	ssyncset.done $0x0  }
0x17: {  	[sflag:s16] =	ssyncadd.s32 $0xFFFFD800  }
0x18: {  	[tilespmem:s18], [sflag:$0x1] =	stream.indirect.gather [hbm4b:s3+s17], $0x80, s5, s17, $0xb8;
	[tilespmem:$0x12800] =	vst v63  }
0x19: {  	_ = 	snop  }
0x1a: {  	[tilespmem:s19], [sflag:$0x1] =	stream.indirect.gather [hbm4b:s3+s17], $0x80, s7, s17, $0xb8;
	[tilespmem:$0x12800] =	vst v63  }
0x1b: {  	_ =	swait.ge [sflag:s20], $0x4000  }
0x1c: {  	[sflag:s20] =	ssyncset.done $0x0  }
0x1d: {  	[sflag:s20] =	ssyncadd.s32 $0xFFFFC000  }
0x1e: {  	_ =	swait.ge [sflag:s20], $0x4000  }
0x1f: {  	[sflag:s20] =	ssyncset.done $0x0  }
0x20: {  	[sflag:s20] =	ssyncadd.s32 $0xFFFFC000  }
0x21: {  	[hbm4b:s8+s2] =	stream.linear.scatter [tilespmem:s18], [sflag:$0x3], $0x4000, $0x38;
	[tilespmem:$0x12800] =	vst v63  }
0x22: {  	_ = 	snop  }
0x23: {  	[hbm4b:s9+s2] =	stream.linear.scatter [tilespmem:s19], [sflag:$0x3], $0x4000, $0x38;
	[tilespmem:$0x12800] =	vst v63  }
0x24: {  	_ = 	snop  }
0x25: {  	[tilespmem:s21], [sflag:$0x2] =	stream.indirect.gather [hbm4b:s3+s17], $0x80, s10, s17, $0xb8;
	[tilespmem:$0x12800] =	vst v63  }
0x26: {  	_ = 	snop  }
0x27: {  	[tilespmem:s22], [sflag:$0x2] =	stream.indirect.gather [hbm4b:s3+s17], $0x80, s11, s17, $0xb8;
	[tilespmem:$0x12800] =	vst v63  }
0x28: {  	_ =	swait.ge [sflag:s23], $0x4000  }
0x29: {  	[sflag:s23] =	ssyncset.done $0x0  }
0x2a: {  	[sflag:s23] =	ssyncadd.s32 $0xFFFFC000  }
0x2b: {  	_ =	swait.ge [sflag:s23], $0x4000  }
0x2c: {  	[sflag:s23] =	ssyncset.done $0x0  }
0x2d: {  	[sflag:s23] =	ssyncadd.s32 $0xFFFFC000  }
0x2e: {  	[hbm4b:s12+s2] =	stream.linear.scatter [tilespmem:s21], [sflag:$0x4], $0x4000, $0x38;
	[tilespmem:$0x12800] =	vst v63  }
0x2f: {  	_ = 	snop  }
0x30: {  	[hbm4b:s13+s2] =	stream.linear.scatter [tilespmem:s22], [sflag:$0x4], $0x4000, $0x38;
	[tilespmem:$0x12800] =	vst v63  }
0x31: {  	_ =	swait.ge [sflag:s24], $0x4000  }
0x32: {  	[sflag:s24] =	ssyncset.done $0x0  }
0x33: {  	[sflag:s24] =	ssyncadd.s32 $0xFFFFC000  }
0x34: {  	_ =	swait.ge [sflag:s24], $0x4000  }
0x35: {  	[sflag:s24] =	ssyncset.done $0x0  }
0x36: {  	s28 =	sadd.s32 $0xFFFFFE80, s15;
	[sflag:s24] =	ssyncadd.s32 $0xFFFFC000  }
0x37: {  	[tilespmem:s18], [sflag:$0x1] =	stream.indirect.gather [hbm4b:s3+s17], $0x80, s28, s17, $0xb8;
	[tilespmem:$0x12800] =	vst v63  }
0x38: {  	s28 =	sadd.s32 $0xFFFFFF00, s15  }
0x39: {  	[tilespmem:s19], [sflag:$0x1] =	stream.indirect.gather [hbm4b:s3+s17], $0x80, s28, s17, $0xb8;
	[tilespmem:$0x12800] =	vst v63  }
0x3a: {  	_ =	swait.ge [sflag:s20], $0x4000  }
0x3b: {  	[sflag:s20] =	ssyncset.done $0x0  }
0x3c: {  	[sflag:s20] =	ssyncadd.s32 $0xFFFFC000  }
0x3d: {  	_ =	swait.ge [sflag:s20], $0x4000  }
0x3e: {  	s29 =	sadd.s32 $0x0, s14;
	[sflag:s20] =	ssyncset.done $0x0  }
0x3f: {  	s28 =	sadd.s32 $0x2000, s29;
	[sflag:s20] =	ssyncadd.s32 $0xFFFFC000  }
0x40: {  	[hbm4b:s28+s2] =	stream.linear.scatter [tilespmem:s18], [sflag:$0x3], $0x4000, $0x38;
	[tilespmem:$0x12800] =	vst v63  }
0x41: {  	s28 =	sadd.s32 $0x2800, s29  }
0x42: {  	[hbm4b:s28+s2] =	stream.linear.scatter [tilespmem:s19], [sflag:$0x3], $0x4000, $0x38;
	[tilespmem:$0x12800] =	vst v63  }
0x43: {  	_ =	swait.ge [sflag:s25], $0x4000  }
0x44: {  	[sflag:s25] =	ssyncset.done $0x0  }
0x45: {  	[sflag:s25] =	ssyncadd.s32 $0xFFFFC000  }
0x46: {  	_ =	swait.ge [sflag:s25], $0x4000  }
0x47: {  	[sflag:s25] =	ssyncset.done $0x0  }
0x48: {  	s28 =	sadd.s32 $0xFFFFFF80, s15;
	[sflag:s25] =	ssyncadd.s32 $0xFFFFC000  }
0x49: {  	[tilespmem:s21], [sflag:$0x2] =	stream.indirect.gather [hbm4b:s3+s17], $0x80, s28, s17, $0xb8;
	[tilespmem:$0x12800] =	vst v63  }
0x4a: {  	_ = 	snop  }
0x4b: {  	[tilespmem:s22], [sflag:$0x2] =	stream.indirect.gather [hbm4b:s3+s17], $0x80, s15, s17, $0xb8;
	[tilespmem:$0x12800] =	vst v63  }
0x4c: {  	_ =	swait.ge [sflag:s23], $0x4000  }
0x4d: {  	[sflag:s23] =	ssyncset.done $0x0  }
0x4e: {  	[sflag:s23] =	ssyncadd.s32 $0xFFFFC000  }
0x4f: {  	_ =	swait.ge [sflag:s23], $0x4000  }
0x50: {  	[sflag:s23] =	ssyncset.done $0x0  }
0x51: {  	s28 =	sadd.s32 $0x3000, s29;
	[sflag:s23] =	ssyncadd.s32 $0xFFFFC000  }
0x52: {  	[hbm4b:s28+s2] =	stream.linear.scatter [tilespmem:s21], [sflag:$0x4], $0x4000, $0x38;
	[tilespmem:$0x12800] =	vst v63  }
0x53: {  	s30 =	sadd.s32 $0x3800, s29;
	s29 =	sadd.s32 $0x200, s15;
	s28 =	simm.s32 $0x2000  }
.LBB2_2:
0x54: {  	[hbm4b:s30+s2] =	stream.linear.scatter [tilespmem:s22], [sflag:$0x4], $0x4000, $0x38;
	[tilespmem:$0x12800] =	vst v63  }
0x55: {  	s30 =	smov.u32 s28  }
0x56: {  	p0 =	sne.s32 s28, $0x1C000;
	s28 =	sadd.s32 $0x2000, s28;
	_ =	swait.ge [sflag:s24], $0x4000  }
0x57: {  	[sflag:s24] =	ssyncset.done $0x0  }
0x58: {  	[sflag:s24] =	ssyncadd.s32 $0xFFFFC000  }
0x59: {  	_ =	swait.ge [sflag:s24], $0x4000  }
0x5a: {  	[sflag:s24] =	ssyncset.done $0x0  }
0x5b: {  	s31 =	sadd.s32 $0xFFFFFE80, s29;
	[sflag:s24] =	ssyncadd.s32 $0xFFFFC000  }
0x5c: {  	[tilespmem:s18], [sflag:$0x1] =	stream.indirect.gather [hbm4b:s3+s17], $0x80, s31, s17, $0xb8;
	[tilespmem:$0x12800] =	vst v63  }
0x5d: {  	s31 =	sadd.s32 $0xFFFFFF00, s29  }
0x5e: {  	[tilespmem:s19], [sflag:$0x1] =	stream.indirect.gather [hbm4b:s3+s17], $0x80, s31, s17, $0xb8;
	[tilespmem:$0x12800] =	vst v63  }
0x5f: {  	_ =	swait.ge [sflag:s20], $0x4000  }
0x60: {  	[sflag:s20] =	ssyncset.done $0x0  }
0x61: {  	[sflag:s20] =	ssyncadd.s32 $0xFFFFC000  }
0x62: {  	_ =	swait.ge [sflag:s20], $0x4000  }
0x63: {  	s30 =	sadd.s32 s30, s14;
	[sflag:s20] =	ssyncset.done $0x0  }
0x64: {  	s31 =	sadd.s32 $0x2000, s30;
	[sflag:s20] =	ssyncadd.s32 $0xFFFFC000  }
0x65: {  	[hbm4b:s31+s2] =	stream.linear.scatter [tilespmem:s18], [sflag:$0x3], $0x4000, $0x38;
	[tilespmem:$0x12800] =	vst v63  }
0x66: {  	s31 =	sadd.s32 $0x2800, s30  }
0x67: {  	[hbm4b:s31+s2] =	stream.linear.scatter [tilespmem:s19], [sflag:$0x3], $0x4000, $0x38;
	[tilespmem:$0x12800] =	vst v63  }
0x68: {  	_ =	swait.ge [sflag:s25], $0x4000  }
0x69: {  	[sflag:s25] =	ssyncset.done $0x0  }
0x6a: {  	[sflag:s25] =	ssyncadd.s32 $0xFFFFC000  }
0x6b: {  	_ =	swait.ge [sflag:s25], $0x4000  }
0x6c: {  	[sflag:s25] =	ssyncset.done $0x0  }
0x6d: {  	s31 =	sadd.s32 $0xFFFFFF80, s29;
	[sflag:s25] =	ssyncadd.s32 $0xFFFFC000  }
0x6e: {  	[tilespmem:s21], [sflag:$0x2] =	stream.indirect.gather [hbm4b:s3+s17], $0x80, s31, s17, $0xb8;
	[tilespmem:$0x12800] =	vst v63  }
0x6f: {  	_ = 	snop  }
0x70: {  	[tilespmem:s22], [sflag:$0x2] =	stream.indirect.gather [hbm4b:s3+s17], $0x80, s29, s17, $0xb8;
	[tilespmem:$0x12800] =	vst v63  }
0x71: {  	_ =	swait.ge [sflag:s23], $0x4000  }
0x72: {  	[sflag:s23] =	ssyncset.done $0x0  }
0x73: {  	[sflag:s23] =	ssyncadd.s32 $0xFFFFC000  }
.Ltmp0:
0x74: {  	_ =	swait.ge [sflag:s23], $0x4000;
	(pc) =	sbr.rel @p0 .LBB2_2-.Ltmp0, $4  }
0x75: {  	[sflag:s23] =	ssyncset.done $0x0  }
0x76: {  	s31 =	sadd.s32 $0x3000, s30;
	[sflag:s23] =	ssyncadd.s32 $0xFFFFC000  }
0x77: {  	[hbm4b:s31+s2] =	stream.linear.scatter [tilespmem:s21], [sflag:$0x4], $0x4000, $0x38;
	[tilespmem:$0x12800] =	vst v63  }
0x78: {  	s30 =	sadd.s32 $0x3800, s30;
	s29 =	sadd.s32 $0x200, s29  }
0x79: {  	[hbm4b:s30+s2] =	stream.linear.scatter [tilespmem:s22], [sflag:$0x4], $0x4000, $0x38;
	[tilespmem:$0x12800] =	vst v63  }
0x7a: {  	_ =	swait.ge [sflag:s24], $0x4000  }
0x7b: {  	[sflag:s24] =	ssyncset.done $0x0  }
0x7c: {  	[sflag:s24] =	ssyncadd.s32 $0xFFFFC000  }
0x7d: {  	_ =	swait.ge [sflag:s24], $0x4000  }
0x7e: {  	[sflag:s24] =	ssyncset.done $0x0  }
0x7f: {  	s26 =	sadd.s32 $0x1, s26;
	[sflag:s24] =	ssyncadd.s32 $0xFFFFC000  }
0x80: {  	p0 =	sne.s32 s26, s6;
	_ =	swait.ge [sflag:s25], $0x4000  }
.Ltmp1:
0x81: {  	[sflag:s25] =	ssyncset.done $0x0;
	(pc) =	sbr.rel @p0 .LBB2_1-.Ltmp1, $4  }
0x82: {  	[sflag:s25] =	ssyncadd.s32 $0xFFFFC000  }
0x83: {  	_ =	swait.ge [sflag:s25], $0x4000  }
0x84: {  	[sflag:s25] =	ssyncset.done $0x0  }
0x85: {  	[sflag:s25] =	ssyncadd.s32 $0xFFFFC000  }
0x86: {  	_ =	sfence.sel $0x180000  }
0x87: {  	[bflag:$0x0] =	sbarrier.arrive $0xFFFF  }
0x88: {  	p0 =	sne.s32 s0, $0x0;
	_ =	strace $0x9000004A  }
0x89: {  	s0 =	sadd.s32 @!p0 $0x100000, s1;
	[bflag:$0x2] =	sbarrier.arrive $0xFFFF  }
0x8a: {  	[sflag:s0] =	ssyncadd.tile.s32 @!p0 $0x1;
	_ =	shalt  }
.Lfunc_end2:
_tile_overlayer_lowered:
.L_overlay_start_2:
0x8b: {  	(tag) =	ssettag $0x2  }
0x8c: {  	s0 =	rddreg [dreg:$0x0];
	s2 =	stileid.u32  }
0x8d: {  	s1 =	rddreg [dreg:$0x1];
	p0 =	sne.s32 s2, $0x0  }
0x8e: {  	s3 =	rddreg [dreg:$0x2];
	[bflag:$0x3] =	sbarrier.arrive $0xFFFF;
	s2 =	simm.s32 @!p0 $0x1C05  }
0x8f: {  	[timem:s3], [sflag:s2] =	dma.local @!p0 [hbm:s0], s1  }
0x90: {  	s0 =	simm.s32 @!p0 $0x5  }
0x91: {  	_ =	swait.ge @!p0 [sflag:s0], s1  }
0x92: {  	s1 =	ssub.s32 @!p0 $0x0, s1;
	[sflag:s0] =	ssyncset.done @!p0 $0x0  }
0x93: {  	[sflag:s0] =	ssyncadd.s32 @!p0 s1  }
0x94: {  	[bflag:$0x3] =	sbarrier.arrive $0xFFFF  }
0x95: {  	_ =	shalt  }

</sc_bundles>
